<compile_context>
chip_gen: v7x
topology: tpu7x:2x2x1
jax: 0.10.2.dev20260603
libtpu: 0.0.44.dev20260713+nightly
codegen_flags: <defaults>
</compile_context>

<pallas_src>
import functools

import jax
import jax.numpy as jnp
from jax import lax
from jax.experimental import pallas as pl
from jax.experimental.pallas import tpu as pltpu
from jax.experimental.pallas import tpu_sc as plsc

N = 10000
E = 320000
NW = 32
EPW = E // NW
GCB = 2000
NPW = 313
NPAD = NW * NPW
SCB = 1024
BE = 3200
EG = E // BE
E2 = BE * (EG + 1)
NEG = float("-inf")

_sc_mesh = plsc.VectorSubcoreMesh(core_axis_name="c", subcore_axis_name="s")


def _wid():
    return lax.axis_index("s") * 2 + lax.axis_index("c")


def _k1_body(det, w, b, out):
    out[...] = jnp.maximum(
        jnp.dot(det[...], w[...], preferred_element_type=jnp.float32) + b[...],
        0.0,
    )


def _k1(det, w, b):
    return pl.pallas_call(
        _k1_body,
        out_shape=jax.ShapeDtypeStruct((N, 32), jnp.float32),
    )(det, w, b)


@functools.partial(
    pl.kernel,
    out_type=[
        jax.ShapeDtypeStruct((E, 32), jnp.float32),
        jax.ShapeDtypeStruct((E, 32), jnp.float32),
    ],
    mesh=_sc_mesh,
    compiler_params=pltpu.CompilerParams(use_tc_tiling_on_sc=False),
    scratch_types=[
        pltpu.VMEM((GCB,), jnp.int32),
        pltpu.VMEM((GCB,), jnp.int32),
        pltpu.VMEM((GCB, 32), jnp.float32),
        pltpu.SemaphoreType.DMA,
    ],
)
def _gather_k(h_hbm, ci_hbm, ni_hbm, cf_hbm, nf_hbm, civ, niv, rows, sem):
    wid = _wid()

    def chunk(c, _):
        base = pl.multiple_of(wid * EPW + c * GCB, 8)
        pltpu.sync_copy(ci_hbm.at[pl.ds(base, GCB)], civ)
        pltpu.sync_copy(ni_hbm.at[pl.ds(base, GCB)], niv)

        def fix(i, _):
            o = pl.multiple_of(i * 16, 8)
            cv = civ[pl.ds(o, 16)]
            nv = niv[pl.ds(o, 16)]
            niv[pl.ds(o, 16)] = jnp.where(
                cv == nv, jnp.full((16,), N, jnp.int32), nv
            )
            return 0

        lax.fori_loop(0, GCB // 16, fix, 0)
        pltpu.async_copy(h_hbm.at[civ], rows, sem).wait()
        pltpu.sync_copy(rows, cf_hbm.at[pl.ds(base, GCB), :])
        pltpu.async_copy(h_hbm.at[niv], rows, sem).wait()
        pltpu.sync_copy(rows, nf_hbm.at[pl.ds(base, GCB), :])
        return 0

    lax.fori_loop(0, EPW // GCB, chunk, 0)


def _k2_body(p, c, n, w1, b1, w2, b2, out):
    x = (
        jnp.dot(p[...], w1[0:32, :], preferred_element_type=jnp.float32)
        + jnp.dot(c[...], w1[32:64, :], preferred_element_type=jnp.float32)
        + jnp.dot(n[...], w1[64:96, :], preferred_element_type=jnp.float32)
        + b1[...]
    )
    x = jnp.maximum(x, 0.0)
    y = jnp.dot(x, w2[...], preferred_element_type=jnp.float32) + b2[...]
    out[...] = jnp.maximum(y, 0.0)


def _k2(pair, cf, nf, w1, b1, w2, b2):
    edge_spec = pl.BlockSpec((BE, 32), lambda i: (jnp.minimum(i, EG - 1), 0))
    full = lambda s: pl.BlockSpec(s, lambda i: (0, 0))
    return pl.pallas_call(
        _k2_body,
        grid=(EG + 1,),
        in_specs=[
            edge_spec,
            edge_spec,
            edge_spec,
            full((96, 64)),
            full((1, 64)),
            full((64, 64)),
            full((1, 64)),
        ],
        out_specs=pl.BlockSpec((BE, 64), lambda i: (i, 0)),
        out_shape=jax.ShapeDtypeStruct((E2, 64), jnp.float32),
    )(pair, cf, nf, w1, b1, w2, b2)


@functools.partial(
    pl.kernel,
    out_type=jax.ShapeDtypeStruct((NPAD * 64,), jnp.float32),
    mesh=_sc_mesh,
    compiler_params=pltpu.CompilerParams(use_tc_tiling_on_sc=False),
    scratch_types=[
        pltpu.VMEM((48,), jnp.int32),
        pltpu.VMEM((SCB, 64), jnp.float32),
        pltpu.VMEM((SCB,), jnp.int32),
        pltpu.VMEM(((NPW + 1) * 64,), jnp.float32),
    ],
)
def _segmax_k(x_hbm, ci_hbm, rs_hbm, pooled_hbm, rsv, xv, iv, outv):
    wid = _wid()
    n_lo = wid * NPW
    neg = jnp.full((16,), NEG, jnp.float32)

    pltpu.sync_copy(rs_hbm, rsv)
    bounds_v = rsv[pl.ds(wid, 16)]
    e_lo = bounds_v[0]
    e_hi = bounds_v[1]

    def init(i, _):
        outv[pl.ds(pl.multiple_of(i * 16, 8), 16)] = neg
        return 0

    lax.fori_loop(0, (NPW + 1) * 4, init, 0)

    a_lo = pl.multiple_of((e_lo // 8) * 8, 8)
    nch = (e_hi - a_lo + SCB - 1) // SCB
    lane = jnp.arange(16, dtype=jnp.int32)

    def chunk(c, carry):
        base = pl.multiple_of(a_lo + c * SCB, 8)
        pltpu.sync_copy(x_hbm.at[pl.ds(base, SCB), :], xv)
        pltpu.sync_copy(ci_hbm.at[pl.ds(base, SCB)], iv)

        def edge16(eb, carry):
            prev, a0, a1, a2, a3 = carry
            e0 = pl.multiple_of(eb * 16, 8)
            idv = iv[pl.ds(e0, 16)]
            gv = base + e0 + lane
            valid = jnp.logical_and(gv >= e_lo, gv < e_hi)
            rowv = jnp.where(valid, idv - n_lo, NPW)
            for j in range(16):
                row = rowv[j]
                changed = row != prev
                x0 = xv[e0 + j, pl.ds(0, 16)]
                x1 = xv[e0 + j, pl.ds(16, 16)]
                x2 = xv[e0 + j, pl.ds(32, 16)]
                x3 = xv[e0 + j, pl.ds(48, 16)]
                a0 = jnp.maximum(jnp.where(changed, neg, a0), x0)
                a1 = jnp.maximum(jnp.where(changed, neg, a1), x1)
                a2 = jnp.maximum(jnp.where(changed, neg, a2), x2)
                a3 = jnp.maximum(jnp.where(changed, neg, a3), x3)
                off = pl.multiple_of(row * 64, 8)
                outv[pl.ds(off, 16)] = a0
                outv[pl.ds(off + 16, 16)] = a1
                outv[pl.ds(off + 32, 16)] = a2
                outv[pl.ds(off + 48, 16)] = a3
                prev = row
            return (prev, a0, a1, a2, a3)

        return lax.fori_loop(0, SCB // 16, edge16, carry)

    carry0 = (jnp.int32(NPW), neg, neg, neg, neg)
    lax.fori_loop(0, nch, chunk, carry0)

    pltpu.sync_copy(
        outv.at[pl.ds(0, NPW * 64)],
        pooled_hbm.at[pl.ds(wid * (NPW * 64), NPW * 64)],
    )


def _k3_body(pooled, det, wm1, bm1, wm2, bm2, wo, bo, out):
    t = jnp.maximum(
        jnp.dot(pooled[...], wm1[...], preferred_element_type=jnp.float32) + bm1[...],
        0.0,
    )
    t = jnp.maximum(
        jnp.dot(t, wm2[...], preferred_element_type=jnp.float32) + bm2[...], 0.0
    )
    o = jnp.dot(t, wo[...], preferred_element_type=jnp.float32) + bo[...]
    out[...] = jnp.maximum(det[...] + o, 0.0)


def _k3(pooled, det, wm1, bm1, wm2, bm2, wo, bo):
    return pl.pallas_call(
        _k3_body,
        out_shape=jax.ShapeDtypeStruct((N, 128), jnp.float32),
    )(pooled, det, wm1, bm1, wm2, bm2, wo, bo)


def kernel(detFeatures, cIdxs, nIdxs, pairFeatures,
           W_fc1, b_fc1, W_pw1, b_pw1, W_pw2, b_pw2,
           W_pm1, b_pm1, W_pm2, b_pm2, W_out, b_out):
    ci = cIdxs.astype(jnp.int32)
    ni = nIdxs.astype(jnp.int32)

    h = _k1(detFeatures, W_fc1, b_fc1.reshape(1, 32))
    h_ext = jnp.concatenate([h, jnp.zeros((8, 32), jnp.float32)], axis=0)

    cf, nf = _gather_k(h_ext, ci, ni)

    x = _k2(pairFeatures, cf, nf, W_pw1, b_pw1.reshape(1, 64),
            W_pw2, b_pw2.reshape(1, 64))

    bounds = jnp.minimum(jnp.arange(33, dtype=jnp.int32) * NPW, N)
    rs = jnp.searchsorted(ci, bounds).astype(jnp.int32)
    rs = jnp.concatenate([rs, jnp.zeros((15,), jnp.int32)])
    ci_pad = jnp.concatenate([ci, jnp.zeros((E2 - E,), jnp.int32)])

    pooled = _segmax_k(x, ci_pad, rs)
    pooled = pooled.reshape(NPAD, 64)[:N]

    return _k3(pooled, detFeatures, W_pm1, b_pm1.reshape(1, 64),
               W_pm2, b_pm2.reshape(1, 64), W_out, b_out.reshape(1, 128))

# --- scband reference (transcript-rebuilt; emitter-appended) ---
"""Pipeline reference for scband-block-2559800508579 (READ-ONLY COPY).

The authoritative reference and input builder live on the scoring server;
editing this copy changes nothing except your own understanding.
"""

import jax, jax.numpy as jnp
import numpy as np


def _xavier(key, shape):
    fan_in, fan_out = shape
    limit = (6.0 / (fan_in + fan_out)) ** 0.5
    return jax.random.uniform(key, shape, minval=-limit, maxval=limit, dtype=jnp.float32)


def setup_inputs(seed: int = 0) -> dict:
    key = jax.random.key(seed)
    ks = jax.random.split(key, 12)
    N, E = 10000, 320000
    detFeatures = jax.random.normal(ks[0], (N, 128), dtype=jnp.float32)
    cIdxs = jnp.sort(jax.random.randint(ks[1], (E,), 0, N, dtype=jnp.int64) if jax.config.jax_enable_x64 else jax.random.randint(ks[1], (E,), 0, N).astype(jnp.int32))
    nIdxs = jax.random.randint(ks[2], (E,), 0, N).astype(cIdxs.dtype)
    pairFeatures = jax.random.normal(ks[3], (E, 32), dtype=jnp.float32)
    return {
        "detFeatures": detFeatures,
        "cIdxs": cIdxs,
        "nIdxs": nIdxs,
        "pairFeatures": pairFeatures,
        "W_fc1": _xavier(ks[4], (128, 32)), "b_fc1": jnp.zeros((32,), jnp.float32),
        "W_pw1": _xavier(ks[5], (96, 64)), "b_pw1": jnp.zeros((64,), jnp.float32),
        "W_pw2": _xavier(ks[6], (64, 64)), "b_pw2": jnp.zeros((64,), jnp.float32),
        "W_pm1": _xavier(ks[7], (64, 64)), "b_pm1": jnp.zeros((64,), jnp.float32),
        "W_pm2": _xavier(ks[8], (64, 64)), "b_pm2": jnp.zeros((64,), jnp.float32),
        "W_out": _xavier(ks[9], (64, 128)), "b_out": jnp.zeros((128,), jnp.float32),
    }


def reference(detFeatures, cIdxs, nIdxs, pairFeatures,
              W_fc1, b_fc1, W_pw1, b_pw1, W_pw2, b_pw2,
              W_pm1, b_pm1, W_pm2, b_pm2, W_out, b_out):
    # fc1: Linear(128 -> 32) + ReLU
    h = jax.nn.relu(detFeatures @ W_fc1 + b_fc1)
    # gather center/neighbor features per edge
    cFeats = jnp.take(h, cIdxs, axis=0)
    nFeats = jnp.take(h, nIdxs, axis=0)
    # zero out self-edges on the neighbor side
    isIdRow = (cIdxs == nIdxs)
    nFeats = jnp.where(isIdRow[:, None], jnp.zeros_like(nFeats), nFeats)
    # pairwise feature MLP (3*32 -> 64 -> 64)
    x = jnp.concatenate((pairFeatures, cFeats, nFeats), axis=1)
    x = jax.nn.relu(x @ W_pw1 + b_pw1)
    x = jax.nn.relu(x @ W_pw2 + b_pw2)
    # per-detection max pooling over neighbor edges (segment max keyed by cIdxs)
    numDets = detFeatures.shape[0]
    pooled = jax.ops.segment_max(x, cIdxs, num_segments=numDets)
    # post-max MLP (64 -> 64 -> 64)
    pooled = jax.nn.relu(pooled @ W_pm1 + b_pm1)
    pooled = jax.nn.relu(pooled @ W_pm2 + b_pm2)
    # output FC (64 -> 128), residual + ReLU
    detFeaturesRefined = pooled @ W_out + b_out
    outFeatures = jax.nn.relu(detFeatures + detFeaturesRefined)
    return outFeatures

if __name__ == "__main__":
    import jax
    _d = setup_inputs()
    print(jax.jit(kernel)(*tuple(_d.values())))

</pallas_src>

<mosaic_0001>
#map = affine_map<(d0, d1) -> (0, 0)>
#map1 = affine_map<(d0, d1) -> (0)>
module attributes {stable_mosaic.version = 14 : i64} {
  func.func @_segmax_k(%arg0: i32, %arg1: i32, %arg2: memref<323200x64xf32, #tpu.memory_space<hbm>>, %arg3: memref<323200xi32, #tpu.memory_space<hbm>>, %arg4: memref<48xi32, #tpu.memory_space<hbm>>, %arg5: memref<641024xf32, #tpu.memory_space<hbm>>, %arg6: memref<48xi32, #tpu.memory_space<vmem>>, %arg7: memref<1024x64xf32, #tpu.memory_space<vmem>>, %arg8: memref<1024xi32, #tpu.memory_space<vmem>>, %arg9: memref<20096xf32, #tpu.memory_space<vmem>>) attributes {dimension_semantics = [#tpu.dimension_semantics<core_parallel>, #tpu.dimension_semantics<subcore_parallel>], iteration_bounds = array<i64: 2, 16>, scalar_prefetch = 0 : i64, scratch_operands = 4 : i64, tpu.core_type = #tpu.core_type<sc_vector_subcore>, window_params = [{transform_indices = #map}, {transform_indices = #map1}, {transform_indices = #map1}, {transform_indices = #map1}]} {
    %mul3A = arith.constant 2 : i32
    %mul3A_0 = arith.muli %arg1, %mul3A : i32
    %add3A = arith.addi %mul3A_0, %arg0 : i32
    %mul3A_1 = arith.constant 313 : i32
    %mul3A_2 = arith.muli %add3A, %mul3A_1 : i32
    %broadcast_in_dim3A = arith.constant 0xFF800000 : f32
    %broadcast_in_dim3A_3 = vector.broadcast %broadcast_in_dim3A : f32 to vector<16xf32>
    "tpu.region"() ({
      %run_scoped3A = tpu.sem_alloc : memref<!tpu.dma_semaphore, #tpu.memory_space<semaphore_mem>>
      tpu.enqueue_dma source(%arg4 : memref<48xi32, #tpu.memory_space<hbm>>) target(%arg6 : memref<48xi32, #tpu.memory_space<vmem>>) target_semaphore(%run_scoped3A : memref<!tpu.dma_semaphore, #tpu.memory_space<semaphore_mem>>)
      tpu.wait_dma2 semaphore(%run_scoped3A : memref<!tpu.dma_semaphore, #tpu.memory_space<semaphore_mem>>) src(%arg4 : memref<48xi32, #tpu.memory_space<hbm>>) dst(%arg6 : memref<48xi32, #tpu.memory_space<vmem>>)
      tpu.yield
    }) : () -> ()
    %get3A = arith.index_cast %add3A : i32 to index
    %get3A_4 = tpu.vector_load %arg6[%get3A] {strides = array<i32>} : memref<48xi32, #tpu.memory_space<vmem>>, vector<16xi32>,
    %get3A_5 = vector.shape_cast %get3A_4 : vector<16xi32> to vector<16xi32>
    %slice3A = vector.extract_strided_slice %get3A_5 {offsets = [0], sizes = [1], strides = [1]} : vector<16xi32> to vector<1xi32>
    %squeeze3A = vector.extract %slice3A[0] : i32 from vector<1xi32>
    %slice3A_6 = vector.extract_strided_slice %get3A_5 {offsets = [1], sizes = [1], strides = [1]} : vector<16xi32> to vector<1xi32>
    %squeeze3A_7 = vector.extract %slice3A_6[0] : i32 from vector<1xi32>
    %scan3A = arith.constant 0 : i32
    %scan3A_8 = arith.constant 0 : i32
    %scan3A_9 = arith.constant 1256 : i32
    %scan3A_10 = arith.addi %scan3A_8, %scan3A_9 : i32
    %scan3A_11 = arith.constant 1 : i32
    %scan3A_12 = scf.for %scan3A_74 = %scan3A_8 to %scan3A_10 step %scan3A_11 iter_args(%scan3A_75 = %scan3A) -> (i32)  : i32 {
      %mul3A_76 = arith.constant 16 : i32
      %mul3A_77 = arith.muli %scan3A_74, %mul3A_76 : i32
      %multiple_of3A_78 = tpu.assume_multiple %mul3A_77, 8 : i32
      %swap3A = arith.index_cast %multiple_of3A_78 : i32 to index
      %swap3A_79 = tpu.vector_load %arg9[%swap3A] {strides = array<i32>} : memref<20096xf32, #tpu.memory_space<vmem>>, vector<16xf32>,
      %swap3A_80 = vector.shape_cast %swap3A_79 : vector<16xf32> to vector<16xf32>
      %swap3A_81 = vector.shape_cast %broadcast_in_dim3A_3 : vector<16xf32> to vector<16xf32>
      tpu.vector_store %arg9[%swap3A], %swap3A_81 {strides = array<i32>} : memref<20096xf32, #tpu.memory_space<vmem>>, vector<16xf32>,
      %scan3A_82 = arith.constant 0 : i32
      scf.yield %scan3A_82 : i32
    }
    %scan3A_13 = arith.constant 1256 : i32
    %jit3A = arith.constant 8 : i32
    %div3A = arith.divsi %squeeze3A, %jit3A : i32
    %sign3A = arith.constant 0 : i32
    %sign3A_14 = arith.cmpi sgt, %squeeze3A, %sign3A : i32
    %sign3A_15 = arith.extui %sign3A_14 : i1 to i32
    %sign3A_16 = arith.constant 0 : i32
    %sign3A_17 = arith.cmpi slt, %squeeze3A, %sign3A_16 : i32
    %sign3A_18 = arith.extui %sign3A_17 : i1 to i32
    %sign3A_19 = arith.subi %sign3A_15, %sign3A_18 : i32
    %sign3A_20 = arith.constant 0 : i32
    %sign3A_21 = arith.cmpi sgt, %jit3A, %sign3A_20 : i32
    %sign3A_22 = arith.extui %sign3A_21 : i1 to i32
    %sign3A_23 = arith.constant 0 : i32
    %sign3A_24 = arith.cmpi slt, %jit3A, %sign3A_23 : i32
    %sign3A_25 = arith.extui %sign3A_24 : i1 to i32
    %sign3A_26 = arith.subi %sign3A_22, %sign3A_25 : i32
    %ne3A = arith.cmpi ne, %sign3A_19, %sign3A_26 : i32
    %rem3A = arith.remsi %squeeze3A, %jit3A : i32
    %ne3A_27 = arith.constant 0 : i32
    %ne3A_28 = arith.cmpi ne, %rem3A, %ne3A_27 : i32
    %and3A = arith.andi %ne3A, %ne3A_28 : i1
    %sub3A = arith.constant 1 : i32
    %sub3A_29 = arith.subi %div3A, %sub3A : i32
    %select_n3A = arith.select %and3A, %sub3A_29, %div3A : i32
    %mul3A_30 = arith.constant 8 : i32
    %mul3A_31 = arith.muli %select_n3A, %mul3A_30 : i32
    %multiple_of3A = tpu.assume_multiple %mul3A_31, 8 : i32
    %sub3A_32 = arith.subi %squeeze3A_7, %multiple_of3A : i32
    %add3A_33 = arith.constant 1024 : i32
    %add3A_34 = arith.addi %sub3A_32, %add3A_33 : i32
    %sub3A_35 = arith.constant 1 : i32
    %sub3A_36 = arith.subi %add3A_34, %sub3A_35 : i32
    %jit3A_37 = arith.constant 1024 : i32
    %div3A_38 = arith.divsi %sub3A_36, %jit3A_37 : i32
    %sign3A_39 = arith.constant 0 : i32
    %sign3A_40 = arith.cmpi sgt, %sub3A_36, %sign3A_39 : i32
    %sign3A_41 = arith.extui %sign3A_40 : i1 to i32
    %sign3A_42 = arith.constant 0 : i32
    %sign3A_43 = arith.cmpi slt, %sub3A_36, %sign3A_42 : i32
    %sign3A_44 = arith.extui %sign3A_43 : i1 to i32
    %sign3A_45 = arith.subi %sign3A_41, %sign3A_44 : i32
    %sign3A_46 = arith.constant 0 : i32
    %sign3A_47 = arith.cmpi sgt, %jit3A_37, %sign3A_46 : i32
    %sign3A_48 = arith.extui %sign3A_47 : i1 to i32
    %sign3A_49 = arith.constant 0 : i32
    %sign3A_50 = arith.cmpi slt, %jit3A_37, %sign3A_49 : i32
    %sign3A_51 = arith.extui %sign3A_50 : i1 to i32
    %sign3A_52 = arith.subi %sign3A_48, %sign3A_51 : i32
    %ne3A_53 = arith.cmpi ne, %sign3A_45, %sign3A_52 : i32
    %rem3A_54 = arith.remsi %sub3A_36, %jit3A_37 : i32
    %ne3A_55 = arith.constant 0 : i32
    %ne3A_56 = arith.cmpi ne, %rem3A_54, %ne3A_55 : i32
    %and3A_57 = arith.andi %ne3A_53, %ne3A_56 : i1
    %sub3A_58 = arith.constant 1 : i32
    %sub3A_59 = arith.subi %div3A_38, %sub3A_58 : i32
    %select_n3A_60 = arith.select %and3A_57, %sub3A_59, %div3A_38 : i32
    %iota3A = tpu.iota {dimensions = array<i32: 0>} : vector<16xi32>
    %while3A = arith.constant 0 : i32
    %while3A_61 = arith.constant 313 : i32
    %while3A_62 = arith.subi %select_n3A_60, %while3A : i32
    %while3A_63 = arith.addi %while3A, %while3A_62 : i32
    %while3A_64 = arith.constant 1 : i32
    %while3A_65 = arith.divsi %while3A_62, %while3A_64 : i32
    %while3A_66 = arith.muli %while3A_65, %while3A_64 : i32
    %while3A_67 = arith.addi %while3A, %while3A_66 : i32
    %while3A_68 = arith.constant 1 : i32
    %while3A_69:5 = scf.for %while3A_74 = %while3A to %while3A_67 step %while3A_68 iter_args(%while3A_75 = %while3A_61, %while3A_76 = %broadcast_in_dim3A_3, %while3A_77 = %broadcast_in_dim3A_3, %while3A_78 = %broadcast_in_dim3A_3, %while3A_79 = %broadcast_in_dim3A_3) -> (i32, vector<16xf32>, vector<16xf32>, vector<16xf32>, vector<16xf32>)  : i32 {
      %mul3A_80 = arith.constant 1024 : i32
      %mul3A_81 = arith.muli %while3A_74, %mul3A_80 : i32
      %add3A_82 = arith.addi %multiple_of3A, %mul3A_81 : i32
      %multiple_of3A_83 = tpu.assume_multiple %add3A_82, 8 : i32
      "tpu.region"() ({
        %run_scoped3A = tpu.sem_alloc : memref<!tpu.dma_semaphore, #tpu.memory_space<semaphore_mem>>
        %dma_start3A = arith.constant 0 : i32
        %dma_start3A_90 = tpu.memref_slice %arg2[%multiple_of3A_83, %dma_start3A] : memref<323200x64xf32, #tpu.memory_space<hbm>> -> memref<1024x64xf32, #tpu.memory_space<hbm>>
        %dma_start3A_91 = arith.constant 0 : i32
        %dma_start3A_92 = tpu.memref_slice %arg2[%multiple_of3A_83, %dma_start3A_91] : memref<323200x64xf32, #tpu.memory_space<hbm>> -> memref<1024x64xf32, #tpu.memory_space<hbm>>
        tpu.enqueue_dma source(%dma_start3A_92 : memref<1024x64xf32, #tpu.memory_space<hbm>>) target(%arg7 : memref<1024x64xf32, #tpu.memory_space<vmem>>) target_semaphore(%run_scoped3A : memref<!tpu.dma_semaphore, #tpu.memory_space<semaphore_mem>>)
        %dma_wait3A = arith.constant 0 : i32
        %dma_wait3A_93 = tpu.memref_slice %arg2[%multiple_of3A_83, %dma_wait3A] : memref<323200x64xf32, #tpu.memory_space<hbm>> -> memref<1024x64xf32, #tpu.memory_space<hbm>>
        %dma_wait3A_94 = arith.constant 0 : i32
        %dma_wait3A_95 = tpu.memref_slice %arg2[%multiple_of3A_83, %dma_wait3A_94] : memref<323200x64xf32, #tpu.memory_space<hbm>> -> memref<1024x64xf32, #tpu.memory_space<hbm>>
        tpu.wait_dma2 semaphore(%run_scoped3A : memref<!tpu.dma_semaphore, #tpu.memory_space<semaphore_mem>>) src(%dma_wait3A_95 : memref<1024x64xf32, #tpu.memory_space<hbm>>) dst(%arg7 : memref<1024x64xf32, #tpu.memory_space<vmem>>)
        tpu.yield
      }) : () -> ()
      "tpu.region"() ({
        %run_scoped3A = tpu.sem_alloc : memref<!tpu.dma_semaphore, #tpu.memory_space<semaphore_mem>>
        %dma_start3A = tpu.memref_slice %arg3[%multiple_of3A_83] : memref<323200xi32, #tpu.memory_space<hbm>> -> memref<1024xi32, #tpu.memory_space<hbm>>
        %dma_start3A_90 = tpu.memref_slice %arg3[%multiple_of3A_83] : memref<323200xi32, #tpu.memory_space<hbm>> -> memref<1024xi32, #tpu.memory_space<hbm>>
        tpu.enqueue_dma source(%dma_start3A_90 : memref<1024xi32, #tpu.memory_space<hbm>>) target(%arg8 : memref<1024xi32, #tpu.memory_space<vmem>>) target_semaphore(%run_scoped3A : memref<!tpu.dma_semaphore, #tpu.memory_space<semaphore_mem>>)
        %dma_wait3A = tpu.memref_slice %arg3[%multiple_of3A_83] : memref<323200xi32, #tpu.memory_space<hbm>> -> memref<1024xi32, #tpu.memory_space<hbm>>
        %dma_wait3A_91 = tpu.memref_slice %arg3[%multiple_of3A_83] : memref<323200xi32, #tpu.memory_space<hbm>> -> memref<1024xi32, #tpu.memory_space<hbm>>
        tpu.wait_dma2 semaphore(%run_scoped3A : memref<!tpu.dma_semaphore, #tpu.memory_space<semaphore_mem>>) src(%dma_wait3A_91 : memref<1024xi32, #tpu.memory_space<hbm>>) dst(%arg8 : memref<1024xi32, #tpu.memory_space<vmem>>)
        tpu.yield
      }) : () -> ()
      %scan3A_84 = arith.constant 0 : i32
      %scan3A_85 = arith.constant 64 : i32
      %scan3A_86 = arith.addi %scan3A_84, %scan3A_85 : i32
      %scan3A_87 = arith.constant 1 : i32
      %scan3A_88:5 = scf.for %scan3A_90 = %scan3A_84 to %scan3A_86 step %scan3A_87 iter_args(%scan3A_91 = %while3A_75, %scan3A_92 = %while3A_76, %scan3A_93 = %while3A_77, %scan3A_94 = %while3A_78, %scan3A_95 = %while3A_79) -> (i32, vector<16xf32>, vector<16xf32>, vector<16xf32>, vector<16xf32>)  : i32 {
        %mul3A_96 = arith.constant 16 : i32
        %mul3A_97 = arith.muli %scan3A_90, %mul3A_96 : i32
        %multiple_of3A_98 = tpu.assume_multiple %mul3A_97, 8 : i32
        %get3A_99 = arith.index_cast %multiple_of3A_98 : i32 to index
        %get3A_100 = tpu.vector_load %arg8[%get3A_99] {strides = array<i32>} : memref<1024xi32, #tpu.memory_space<vmem>>, vector<16xi32>,
        %get3A_101 = vector.shape_cast %get3A_100 : vector<16xi32> to vector<16xi32>
        %add3A_102 = arith.addi %multiple_of3A_83, %multiple_of3A_98 : i32
        %add3A_103 = vector.broadcast %add3A_102 : i32 to vector<16xi32>
        %add3A_104 = arith.addi %add3A_103, %iota3A : vector<16xi32>
        %ge3A = vector.broadcast %squeeze3A : i32 to vector<16xi32>
        %ge3A_105 = arith.cmpi sge, %add3A_104, %ge3A : vector<16xi32>
        %lt3A = vector.broadcast %squeeze3A_7 : i32 to vector<16xi32>
        %lt3A_106 = arith.cmpi slt, %add3A_104, %lt3A : vector<16xi32>
        %and3A_107 = arith.andi %ge3A_105, %lt3A_106 : vector<16xi1>
        %sub3A_108 = vector.broadcast %mul3A_2 : i32 to vector<16xi32>
        %sub3A_109 = arith.subi %get3A_101, %sub3A_108 : vector<16xi32>
        %jit3A_110 = arith.constant 313 : i32
        %broadcast_in_dim3A_111 = vector.broadcast %jit3A_110 : i32 to vector<16xi32>
        %select_n3A_112 = arith.select %and3A_107, %sub3A_109, %broadcast_in_dim3A_111 : vector<16xi1>, vector<16xi32>
        %slice3A_113 = vector.extract_strided_slice %select_n3A_112 {offsets = [0], sizes = [1], strides = [1]} : vector<16xi32> to vector<1xi32>
        %squeeze3A_114 = vector.extract %slice3A_113[0] : i32 from vector<1xi32>
        %ne3A_115 = arith.cmpi ne, %squeeze3A_114, %scan3A_91 : i32
        %add3A_116 = arith.constant 0 : i32
        %add3A_117 = arith.addi %multiple_of3A_98, %add3A_116 : i32
        %get3A_118 = arith.index_cast %add3A_117 : i32 to index
        %get3A_119 = arith.constant 0 : index
        %get3A_120 = tpu.vector_load %arg7[%get3A_118, %get3A_119] {strides = array<i32>} : memref<1024x64xf32, #tpu.memory_space<vmem>>, vector<1x16xf32>,
        %get3A_121 = vector.shape_cast %get3A_120 : vector<1x16xf32> to vector<16xf32>
        %add3A_122 = arith.constant 0 : i32
        %add3A_123 = arith.addi %multiple_of3A_98, %add3A_122 : i32
        %get3A_124 = arith.index_cast %add3A_123 : i32 to index
        %get3A_125 = arith.constant 16 : index
        %get3A_126 = tpu.vector_load %arg7[%get3A_124, %get3A_125] {strides = array<i32>} : memref<1024x64xf32, #tpu.memory_space<vmem>>, vector<1x16xf32>,
        %get3A_127 = vector.shape_cast %get3A_126 : vector<1x16xf32> to vector<16xf32>
        %add3A_128 = arith.constant 0 : i32
        %add3A_129 = arith.addi %multiple_of3A_98, %add3A_128 : i32
        %get3A_130 = arith.index_cast %add3A_129 : i32 to index
        %get3A_131 = arith.constant 32 : index
        %get3A_132 = tpu.vector_load %arg7[%get3A_130, %get3A_131] {strides = array<i32>} : memref<1024x64xf32, #tpu.memory_space<vmem>>, vector<1x16xf32>,
        %get3A_133 = vector.shape_cast %get3A_132 : vector<1x16xf32> to vector<16xf32>
        %add3A_134 = arith.constant 0 : i32
        %add3A_135 = arith.addi %multiple_of3A_98, %add3A_134 : i32
        %get3A_136 = arith.index_cast %add3A_135 : i32 to index
        %get3A_137 = arith.constant 48 : index
        %get3A_138 = tpu.vector_load %arg7[%get3A_136, %get3A_137] {strides = array<i32>} : memref<1024x64xf32, #tpu.memory_space<vmem>>, vector<1x16xf32>,
        %get3A_139 = vector.shape_cast %get3A_138 : vector<1x16xf32> to vector<16xf32>
        %select_n3A_140 = arith.select %ne3A_115, %broadcast_in_dim3A_3, %scan3A_92 : vector<16xf32>
        %max3A = arith.maximumf %select_n3A_140, %get3A_121 : vector<16xf32>
        %select_n3A_141 = arith.select %ne3A_115, %broadcast_in_dim3A_3, %scan3A_93 : vector<16xf32>
        %max3A_142 = arith.maximumf %select_n3A_141, %get3A_127 : vector<16xf32>
        %select_n3A_143 = arith.select %ne3A_115, %broadcast_in_dim3A_3, %scan3A_94 : vector<16xf32>
        %max3A_144 = arith.maximumf %select_n3A_143, %get3A_133 : vector<16xf32>
        %select_n3A_145 = arith.select %ne3A_115, %broadcast_in_dim3A_3, %scan3A_95 : vector<16xf32>
        %max3A_146 = arith.maximumf %select_n3A_145, %get3A_139 : vector<16xf32>
        %mul3A_147 = arith.constant 64 : i32
        %mul3A_148 = arith.muli %squeeze3A_114, %mul3A_147 : i32
        %multiple_of3A_149 = tpu.assume_multiple %mul3A_148, 8 : i32
        %swap3A = arith.index_cast %multiple_of3A_149 : i32 to index
        %swap3A_150 = tpu.vector_load %arg9[%swap3A] {strides = array<i32>} : memref<20096xf32, #tpu.memory_space<vmem>>, vector<16xf32>,
        %swap3A_151 = vector.shape_cast %swap3A_150 : vector<16xf32> to vector<16xf32>
        %swap3A_152 = vector.shape_cast %max3A : vector<16xf32> to vector<16xf32>
        tpu.vector_store %arg9[%swap3A], %swap3A_152 {strides = array<i32>} : memref<20096xf32, #tpu.memory_space<vmem>>, vector<16xf32>,
        %add3A_153 = arith.constant 16 : i32
        %add3A_154 = arith.addi %multiple_of3A_149, %add3A_153 : i32
        %swap3A_155 = arith.index_cast %add3A_154 : i32 to index
        %swap3A_156 = tpu.vector_load %arg9[%swap3A_155] {strides = array<i32>} : memref<20096xf32, #tpu.memory_space<vmem>>, vector<16xf32>,
        %swap3A_157 = vector.shape_cast %swap3A_156 : vector<16xf32> to vector<16xf32>
        %swap3A_158 = vector.shape_cast %max3A_142 : vector<16xf32> to vector<16xf32>
        tpu.vector_store %arg9[%swap3A_155], %swap3A_158 {strides = array<i32>} : memref<20096xf32, #tpu.memory_space<vmem>>, vector<16xf32>,
        %add3A_159 = arith.constant 32 : i32
        %add3A_160 = arith.addi %multiple_of3A_149, %add3A_159 : i32
        %swap3A_161 = arith.index_cast %add3A_160 : i32 to index
        %swap3A_162 = tpu.vector_load %arg9[%swap3A_161] {strides = array<i32>} : memref<20096xf32, #tpu.memory_space<vmem>>, vector<16xf32>,
        %swap3A_163 = vector.shape_cast %swap3A_162 : vector<16xf32> to vector<16xf32>
        %swap3A_164 = vector.shape_cast %max3A_144 : vector<16xf32> to vector<16xf32>
        tpu.vector_store %arg9[%swap3A_161], %swap3A_164 {strides = array<i32>} : memref<20096xf32, #tpu.memory_space<vmem>>, vector<16xf32>,
        %add3A_165 = arith.constant 48 : i32
        %add3A_166 = arith.addi %multiple_of3A_149, %add3A_165 : i32
        %swap3A_167 = arith.index_cast %add3A_166 : i32 to index
        %swap3A_168 = tpu.vector_load %arg9[%swap3A_167] {strides = array<i32>} : memref<20096xf32, #tpu.memory_space<vmem>>, vector<16xf32>,
        %swap3A_169 = vector.shape_cast %swap3A_168 : vector<16xf32> to vector<16xf32>
        %swap3A_170 = vector.shape_cast %max3A_146 : vector<16xf32> to vector<16xf32>
        tpu.vector_store %arg9[%swap3A_167], %swap3A_170 {strides = array<i32>} : memref<20096xf32, #tpu.memory_space<vmem>>, vector<16xf32>,
        %slice3A_171 = vector.extract_strided_slice %select_n3A_112 {offsets = [1], sizes = [1], strides = [1]} : vector<16xi32> to vector<1xi32>
        %squeeze3A_172 = vector.extract %slice3A_171[0] : i32 from vector<1xi32>
        %ne3A_173 = arith.cmpi ne, %squeeze3A_172, %squeeze3A_114 : i32
        %add3A_174 = arith.constant 1 : i32
        %add3A_175 = arith.addi %multiple_of3A_98, %add3A_174 : i32
        %get3A_176 = arith.index_cast %add3A_175 : i32 to index
        %get3A_177 = arith.constant 0 : index
        %get3A_178 = tpu.vector_load %arg7[%get3A_176, %get3A_177] {strides = array<i32>} : memref<1024x64xf32, #tpu.memory_space<vmem>>, vector<1x16xf32>,
        %get3A_179 = vector.shape_cast %get3A_178 : vector<1x16xf32> to vector<16xf32>
        %add3A_180 = arith.constant 1 : i32
        %add3A_181 = arith.addi %multiple_of3A_98, %add3A_180 : i32
        %get3A_182 = arith.index_cast %add3A_181 : i32 to index
        %get3A_183 = arith.constant 16 : index
        %get3A_184 = tpu.vector_load %arg7[%get3A_182, %get3A_183] {strides = array<i32>} : memref<1024x64xf32, #tpu.memory_space<vmem>>, vector<1x16xf32>,
        %get3A_185 = vector.shape_cast %get3A_184 : vector<1x16xf32> to vector<16xf32>
        %add3A_186 = arith.constant 1 : i32
        %add3A_187 = arith.addi %multiple_of3A_98, %add3A_186 : i32
        %get3A_188 = arith.index_cast %add3A_187 : i32 to index
        %get3A_189 = arith.constant 32 : index
        %get3A_190 = tpu.vector_load %arg7[%get3A_188, %get3A_189] {strides = array<i32>} : memref<1024x64xf32, #tpu.memory_space<vmem>>, vector<1x16xf32>,
        %get3A_191 = vector.shape_cast %get3A_190 : vector<1x16xf32> to vector<16xf32>
        %add3A_192 = arith.constant 1 : i32
        %add3A_193 = arith.addi %multiple_of3A_98, %add3A_192 : i32
        %get3A_194 = arith.index_cast %add3A_193 : i32 to index
        %get3A_195 = arith.constant 48 : index
        %get3A_196 = tpu.vector_load %arg7[%get3A_194, %get3A_195] {strides = array<i32>} : memref<1024x64xf32, #tpu.memory_space<vmem>>, vector<1x16xf32>,
        %get3A_197 = vector.shape_cast %get3A_196 : vector<1x16xf32> to vector<16xf32>
        %select_n3A_198 = arith.select %ne3A_173, %broadcast_in_dim3A_3, %max3A : vector<16xf32>
        %max3A_199 = arith.maximumf %select_n3A_198, %get3A_179 : vector<16xf32>
        %select_n3A_200 = arith.select %ne3A_173, %broadcast_in_dim3A_3, %max3A_142 : vector<16xf32>
        %max3A_201 = arith.maximumf %select_n3A_200, %get3A_185 : vector<16xf32>
        %select_n3A_202 = arith.select %ne3A_173, %broadcast_in_dim3A_3, %max3A_144 : vector<16xf32>
        %max3A_203 = arith.maximumf %select_n3A_202, %get3A_191 : vector<16xf32>
        %select_n3A_204 = arith.select %ne3A_173, %broadcast_in_dim3A_3, %max3A_146 : vector<16xf32>
        %max3A_205 = arith.maximumf %select_n3A_204, %get3A_197 : vector<16xf32>
        %mul3A_206 = arith.constant 64 : i32
        %mul3A_207 = arith.muli %squeeze3A_172, %mul3A_206 : i32
        %multiple_of3A_208 = tpu.assume_multiple %mul3A_207, 8 : i32
        %swap3A_209 = arith.index_cast %multiple_of3A_208 : i32 to index
        %swap3A_210 = tpu.vector_load %arg9[%swap3A_209] {strides = array<i32>} : memref<20096xf32, #tpu.memory_space<vmem>>, vector<16xf32>,
        %swap3A_211 = vector.shape_cast %swap3A_210 : vector<16xf32> to vector<16xf32>
        %swap3A_212 = vector.shape_cast %max3A_199 : vector<16xf32> to vector<16xf32>
        tpu.vector_store %arg9[%swap3A_209], %swap3A_212 {strides = array<i32>} : memref<20096xf32, #tpu.memory_space<vmem>>, vector<16xf32>,
        %add3A_213 = arith.constant 16 : i32
        %add3A_214 = arith.addi %multiple_of3A_208, %add3A_213 : i32
        %swap3A_215 = arith.index_cast %add3A_214 : i32 to index
        %swap3A_216 = tpu.vector_load %arg9[%swap3A_215] {strides = array<i32>} : memref<20096xf32, #tpu.memory_space<vmem>>, vector<16xf32>,
        %swap3A_217 = vector.shape_cast %swap3A_216 : vector<16xf32> to vector<16xf32>
        %swap3A_218 = vector.shape_cast %max3A_201 : vector<16xf32> to vector<16xf32>
        tpu.vector_store %arg9[%swap3A_215], %swap3A_218 {strides = array<i32>} : memref<20096xf32, #tpu.memory_space<vmem>>, vector<16xf32>,
        %add3A_219 = arith.constant 32 : i32
        %add3A_220 = arith.addi %multiple_of3A_208, %add3A_219 : i32
        %swap3A_221 = arith.index_cast %add3A_220 : i32 to index
        %swap3A_222 = tpu.vector_load %arg9[%swap3A_221] {strides = array<i32>} : memref<20096xf32, #tpu.memory_space<vmem>>, vector<16xf32>,
        %swap3A_223 = vector.shape_cast %swap3A_222 : vector<16xf32> to vector<16xf32>
        %swap3A_224 = vector.shape_cast %max3A_203 : vector<16xf32> to vector<16xf32>
        tpu.vector_store %arg9[%swap3A_221], %swap3A_224 {strides = array<i32>} : memref<20096xf32, #tpu.memory_space<vmem>>, vector<16xf32>,
        %add3A_225 = arith.constant 48 : i32
        %add3A_226 = arith.addi %multiple_of3A_208, %add3A_225 : i32
        %swap3A_227 = arith.index_cast %add3A_226 : i32 to index
        %swap3A_228 = tpu.vector_load %arg9[%swap3A_227] {strides = array<i32>} : memref<20096xf32, #tpu.memory_space<vmem>>, vector<16xf32>,
        %swap3A_229 = vector.shape_cast %swap3A_228 : vector<16xf32> to vector<16xf32>
        %swap3A_230 = vector.shape_cast %max3A_205 : vector<16xf32> to vector<16xf32>
        tpu.vector_store %arg9[%swap3A_227], %swap3A_230 {strides = array<i32>} : memref<20096xf32, #tpu.memory_space<vmem>>, vector<16xf32>,
        %slice3A_231 = vector.extract_strided_slice %select_n3A_112 {offsets = [2], sizes = [1], strides = [1]} : vector<16xi32> to vector<1xi32>
        %squeeze3A_232 = vector.extract %slice3A_231[0] : i32 from vector<1xi32>
        %ne3A_233 = arith.cmpi ne, %squeeze3A_232, %squeeze3A_172 : i32
        %add3A_234 = arith.constant 2 : i32
        %add3A_235 = arith.addi %multiple_of3A_98, %add3A_234 : i32
        %get3A_236 = arith.index_cast %add3A_235 : i32 to index
        %get3A_237 = arith.constant 0 : index
        %get3A_238 = tpu.vector_load %arg7[%get3A_236, %get3A_237] {strides = array<i32>} : memref<1024x64xf32, #tpu.memory_space<vmem>>, vector<1x16xf32>,
        %get3A_239 = vector.shape_cast %get3A_238 : vector<1x16xf32> to vector<16xf32>
        %add3A_240 = arith.constant 2 : i32
        %add3A_241 = arith.addi %multiple_of3A_98, %add3A_240 : i32
        %get3A_242 = arith.index_cast %add3A_241 : i32 to index
        %get3A_243 = arith.constant 16 : index
        %get3A_244 = tpu.vector_load %arg7[%get3A_242, %get3A_243] {strides = array<i32>} : memref<1024x64xf32, #tpu.memory_space<vmem>>, vector<1x16xf32>,
        %get3A_245 = vector.shape_cast %get3A_244 : vector<1x16xf32> to vector<16xf32>
        %add3A_246 = arith.constant 2 : i32
        %add3A_247 = arith.addi %multiple_of3A_98, %add3A_246 : i32
        %get3A_248 = arith.index_cast %add3A_247 : i32 to index
        %get3A_249 = arith.constant 32 : index
        %get3A_250 = tpu.vector_load %arg7[%get3A_248, %get3A_249] {strides = array<i32>} : memref<1024x64xf32, #tpu.memory_space<vmem>>, vector<1x16xf32>,
        %get3A_251 = vector.shape_cast %get3A_250 : vector<1x16xf32> to vector<16xf32>
        %add3A_252 = arith.constant 2 : i32
        %add3A_253 = arith.addi %multiple_of3A_98, %add3A_252 : i32
        %get3A_254 = arith.index_cast %add3A_253 : i32 to index
        %get3A_255 = arith.constant 48 : index
        %get3A_256 = tpu.vector_load %arg7[%get3A_254, %get3A_255] {strides = array<i32>} : memref<1024x64xf32, #tpu.memory_space<vmem>>, vector<1x16xf32>,
        %get3A_257 = vector.shape_cast %get3A_256 : vector<1x16xf32> to vector<16xf32>
        %select_n3A_258 = arith.select %ne3A_233, %broadcast_in_dim3A_3, %max3A_199 : vector<16xf32>
        %max3A_259 = arith.maximumf %select_n3A_258, %get3A_239 : vector<16xf32>
        %select_n3A_260 = arith.select %ne3A_233, %broadcast_in_dim3A_3, %max3A_201 : vector<16xf32>
        %max3A_261 = arith.maximumf %select_n3A_260, %get3A_245 : vector<16xf32>
        %select_n3A_262 = arith.select %ne3A_233, %broadcast_in_dim3A_3, %max3A_203 : vector<16xf32>
        %max3A_263 = arith.maximumf %select_n3A_262, %get3A_251 : vector<16xf32>
        %select_n3A_264 = arith.select %ne3A_233, %broadcast_in_dim3A_3, %max3A_205 : vector<16xf32>
        %max3A_265 = arith.maximumf %select_n3A_264, %get3A_257 : vector<16xf32>
        %mul3A_266 = arith.constant 64 : i32
        %mul3A_267 = arith.muli %squeeze3A_232, %mul3A_266 : i32
        %multiple_of3A_268 = tpu.assume_multiple %mul3A_267, 8 : i32
        %swap3A_269 = arith.index_cast %multiple_of3A_268 : i32 to index
        %swap3A_270 = tpu.vector_load %arg9[%swap3A_269] {strides = array<i32>} : memref<20096xf32, #tpu.memory_space<vmem>>, vector<16xf32>,
        %swap3A_271 = vector.shape_cast %swap3A_270 : vector<16xf32> to vector<16xf32>
        %swap3A_272 = vector.shape_cast %max3A_259 : vector<16xf32> to vector<16xf32>
        tpu.vector_store %arg9[%swap3A_269], %swap3A_272 {strides = array<i32>} : memref<20096xf32, #tpu.memory_space<vmem>>, vector<16xf32>,
        %add3A_273 = arith.constant 16 : i32
        %add3A_274 = arith.addi %multiple_of3A_268, %add3A_273 : i32
        %swap3A_275 = arith.index_cast %add3A_274 : i32 to index
        %swap3A_276 = tpu.vector_load %arg9[%swap3A_275] {strides = array<i32>} : memref<20096xf32, #tpu.memory_space<vmem>>, vector<16xf32>,
        %swap3A_277 = vector.shape_cast %swap3A_276 : vector<16xf32> to vector<16xf32>
        %swap3A_278 = vector.shape_cast %max3A_261 : vector<16xf32> to vector<16xf32>
        tpu.vector_store %arg9[%swap3A_275], %swap3A_278 {strides = array<i32>} : memref<20096xf32, #tpu.memory_space<vmem>>, vector<16xf32>,
        %add3A_279 = arith.constant 32 : i32
        %add3A_280 = arith.addi %multiple_of3A_268, %add3A_279 : i32
        %swap3A_281 = arith.index_cast %add3A_280 : i32 to index
        %swap3A_282 = tpu.vector_load %arg9[%swap3A_281] {strides = array<i32>} : memref<20096xf32, #tpu.memory_space<vmem>>, vector<16xf32>,
        %swap3A_283 = vector.shape_cast %swap3A_282 : vector<16xf32> to vector<16xf32>
        %swap3A_284 = vector.shape_cast %max3A_263 : vector<16xf32> to vector<16xf32>
        tpu.vector_store %arg9[%swap3A_281], %swap3A_284 {strides = array<i32>} : memref<20096xf32, #tpu.memory_space<vmem>>, vector<16xf32>,
        %add3A_285 = arith.constant 48 : i32
        %add3A_286 = arith.addi %multiple_of3A_268, %add3A_285 : i32
        %swap3A_287 = arith.index_cast %add3A_286 : i32 to index
        %swap3A_288 = tpu.vector_load %arg9[%swap3A_287] {strides = array<i32>} : memref<20096xf32, #tpu.memory_space<vmem>>, vector<16xf32>,
        %swap3A_289 = vector.shape_cast %swap3A_288 : vector<16xf32> to vector<16xf32>
        %swap3A_290 = vector.shape_cast %max3A_265 : vector<16xf32> to vector<16xf32>
        tpu.vector_store %arg9[%swap3A_287], %swap3A_290 {strides = array<i32>} : memref<20096xf32, #tpu.memory_space<vmem>>, vector<16xf32>,
        %slice3A_291 = vector.extract_strided_slice %select_n3A_112 {offsets = [3], sizes = [1], strides = [1]} : vector<16xi32> to vector<1xi32>
        %squeeze3A_292 = vector.extract %slice3A_291[0] : i32 from vector<1xi32>
        %ne3A_293 = arith.cmpi ne, %squeeze3A_292, %squeeze3A_232 : i32
        %add3A_294 = arith.constant 3 : i32
        %add3A_295 = arith.addi %multiple_of3A_98, %add3A_294 : i32
        %get3A_296 = arith.index_cast %add3A_295 : i32 to index
        %get3A_297 = arith.constant 0 : index
        %get3A_298 = tpu.vector_load %arg7[%get3A_296, %get3A_297] {strides = array<i32>} : memref<1024x64xf32, #tpu.memory_space<vmem>>, vector<1x16xf32>,
        %get3A_299 = vector.shape_cast %get3A_298 : vector<1x16xf32> to vector<16xf32>
        %add3A_300 = arith.constant 3 : i32
        %add3A_301 = arith.addi %multiple_of3A_98, %add3A_300 : i32
        %get3A_302 = arith.index_cast %add3A_301 : i32 to index
        %get3A_303 = arith.constant 16 : index
        %get3A_304 = tpu.vector_load %arg7[%get3A_302, %get3A_303] {strides = array<i32>} : memref<1024x64xf32, #tpu.memory_space<vmem>>, vector<1x16xf32>,
        %get3A_305 = vector.shape_cast %get3A_304 : vector<1x16xf32> to vector<16xf32>
        %add3A_306 = arith.constant 3 : i32
        %add3A_307 = arith.addi %multiple_of3A_98, %add3A_306 : i32
        %get3A_308 = arith.index_cast %add3A_307 : i32 to index
        %get3A_309 = arith.constant 32 : index
        %get3A_310 = tpu.vector_load %arg7[%get3A_308, %get3A_309] {strides = array<i32>} : memref<1024x64xf32, #tpu.memory_space<vmem>>, vector<1x16xf32>,
        %get3A_311 = vector.shape_cast %get3A_310 : vector<1x16xf32> to vector<16xf32>
        %add3A_312 = arith.constant 3 : i32
        %add3A_313 = arith.addi %multiple_of3A_98, %add3A_312 : i32
        %get3A_314 = arith.index_cast %add3A_313 : i32 to index
        %get3A_315 = arith.constant 48 : index
        %get3A_316 = tpu.vector_load %arg7[%get3A_314, %get3A_315] {strides = array<i32>} : memref<1024x64xf32, #tpu.memory_space<vmem>>, vector<1x16xf32>,
        %get3A_317 = vector.shape_cast %get3A_316 : vector<1x16xf32> to vector<16xf32>
        %select_n3A_318 = arith.select %ne3A_293, %broadcast_in_dim3A_3, %max3A_259 : vector<16xf32>
        %max3A_319 = arith.maximumf %select_n3A_318, %get3A_299 : vector<16xf32>
        %select_n3A_320 = arith.select %ne3A_293, %broadcast_in_dim3A_3, %max3A_261 : vector<16xf32>
        %max3A_321 = arith.maximumf %select_n3A_320, %get3A_305 : vector<16xf32>
        %select_n3A_322 = arith.select %ne3A_293, %broadcast_in_dim3A_3, %max3A_263 : vector<16xf32>
        %max3A_323 = arith.maximumf %select_n3A_322, %get3A_311 : vector<16xf32>
        %select_n3A_324 = arith.select %ne3A_293, %broadcast_in_dim3A_3, %max3A_265 : vector<16xf32>
        %max3A_325 = arith.maximumf %select_n3A_324, %get3A_317 : vector<16xf32>
        %mul3A_326 = arith.constant 64 : i32
        %mul3A_327 = arith.muli %squeeze3A_292, %mul3A_326 : i32
        %multiple_of3A_328 = tpu.assume_multiple %mul3A_327, 8 : i32
        %swap3A_329 = arith.index_cast %multiple_of3A_328 : i32 to index
        %swap3A_330 = tpu.vector_load %arg9[%swap3A_329] {strides = array<i32>} : memref<20096xf32, #tpu.memory_space<vmem>>, vector<16xf32>,
        %swap3A_331 = vector.shape_cast %swap3A_330 : vector<16xf32> to vector<16xf32>
        %swap3A_332 = vector.shape_cast %max3A_319 : vector<16xf32> to vector<16xf32>
        tpu.vector_store %arg9[%swap3A_329], %swap3A_332 {strides = array<i32>} : memref<20096xf32, #tpu.memory_space<vmem>>, vector<16xf32>,
        %add3A_333 = arith.constant 16 : i32
        %add3A_334 = arith.addi %multiple_of3A_328, %add3A_333 : i32
        %swap3A_335 = arith.index_cast %add3A_334 : i32 to index
        %swap3A_336 = tpu.vector_load %arg9[%swap3A_335] {strides = array<i32>} : memref<20096xf32, #tpu.memory_space<vmem>>, vector<16xf32>,
        %swap3A_337 = vector.shape_cast %swap3A_336 : vector<16xf32> to vector<16xf32>
        %swap3A_338 = vector.shape_cast %max3A_321 : vector<16xf32> to vector<16xf32>
        tpu.vector_store %arg9[%swap3A_335], %swap3A_338 {strides = array<i32>} : memref<20096xf32, #tpu.memory_space<vmem>>, vector<16xf32>,
        %add3A_339 = arith.constant 32 : i32
        %add3A_340 = arith.addi %multiple_of3A_328, %add3A_339 : i32
        %swap3A_341 = arith.index_cast %add3A_340 : i32 to index
        %swap3A_342 = tpu.vector_load %arg9[%swap3A_341] {strides = array<i32>} : memref<20096xf32, #tpu.memory_space<vmem>>, vector<16xf32>,
        %swap3A_343 = vector.shape_cast %swap3A_342 : vector<16xf32> to vector<16xf32>
        %swap3A_344 = vector.shape_cast %max3A_323 : vector<16xf32> to vector<16xf32>
        tpu.vector_store %arg9[%swap3A_341], %swap3A_344 {strides = array<i32>} : memref<20096xf32, #tpu.memory_space<vmem>>, vector<16xf32>,
        %add3A_345 = arith.constant 48 : i32
        %add3A_346 = arith.addi %multiple_of3A_328, %add3A_345 : i32
        %swap3A_347 = arith.index_cast %add3A_346 : i32 to index
        %swap3A_348 = tpu.vector_load %arg9[%swap3A_347] {strides = array<i32>} : memref<20096xf32, #tpu.memory_space<vmem>>, vector<16xf32>,
        %swap3A_349 = vector.shape_cast %swap3A_348 : vector<16xf32> to vector<16xf32>
        %swap3A_350 = vector.shape_cast %max3A_325 : vector<16xf32> to vector<16xf32>
        tpu.vector_store %arg9[%swap3A_347], %swap3A_350 {strides = array<i32>} : memref<20096xf32, #tpu.memory_space<vmem>>, vector<16xf32>,
        %slice3A_351 = vector.extract_strided_slice %select_n3A_112 {offsets = [4], sizes = [1], strides = [1]} : vector<16xi32> to vector<1xi32>
        %squeeze3A_352 = vector.extract %slice3A_351[0] : i32 from vector<1xi32>
        %ne3A_353 = arith.cmpi ne, %squeeze3A_352, %squeeze3A_292 : i32
        %add3A_354 = arith.constant 4 : i32
        %add3A_355 = arith.addi %multiple_of3A_98, %add3A_354 : i32
        %get3A_356 = arith.index_cast %add3A_355 : i32 to index
        %get3A_357 = arith.constant 0 : index
        %get3A_358 = tpu.vector_load %arg7[%get3A_356, %get3A_357] {strides = array<i32>} : memref<1024x64xf32, #tpu.memory_space<vmem>>, vector<1x16xf32>,
        %get3A_359 = vector.shape_cast %get3A_358 : vector<1x16xf32> to vector<16xf32>
        %add3A_360 = arith.constant 4 : i32
        %add3A_361 = arith.addi %multiple_of3A_98, %add3A_360 : i32
        %get3A_362 = arith.index_cast %add3A_361 : i32 to index
        %get3A_363 = arith.constant 16 : index
        %get3A_364 = tpu.vector_load %arg7[%get3A_362, %get3A_363] {strides = array<i32>} : memref<1024x64xf32, #tpu.memory_space<vmem>>, vector<1x16xf32>,
        %get3A_365 = vector.shape_cast %get3A_364 : vector<1x16xf32> to vector<16xf32>
        %add3A_366 = arith.constant 4 : i32
        %add3A_367 = arith.addi %multiple_of3A_98, %add3A_366 : i32
        %get3A_368 = arith.index_cast %add3A_367 : i32 to index
        %get3A_369 = arith.constant 32 : index
        %get3A_370 = tpu.vector_load %arg7[%get3A_368, %get3A_369] {strides = array<i32>} : memref<1024x64xf32, #tpu.memory_space<vmem>>, vector<1x16xf32>,
        %get3A_371 = vector.shape_cast %get3A_370 : vector<1x16xf32> to vector<16xf32>
        %add3A_372 = arith.constant 4 : i32
        %add3A_373 = arith.addi %multiple_of3A_98, %add3A_372 : i32
        %get3A_374 = arith.index_cast %add3A_373 : i32 to index
        %get3A_375 = arith.constant 48 : index
        %get3A_376 = tpu.vector_load %arg7[%get3A_374, %get3A_375] {strides = array<i32>} : memref<1024x64xf32, #tpu.memory_space<vmem>>, vector<1x16xf32>,
        %get3A_377 = vector.shape_cast %get3A_376 : vector<1x16xf32> to vector<16xf32>
        %select_n3A_378 = arith.select %ne3A_353, %broadcast_in_dim3A_3, %max3A_319 : vector<16xf32>
        %max3A_379 = arith.maximumf %select_n3A_378, %get3A_359 : vector<16xf32>
        %select_n3A_380 = arith.select %ne3A_353, %broadcast_in_dim3A_3, %max3A_321 : vector<16xf32>
        %max3A_381 = arith.maximumf %select_n3A_380, %get3A_365 : vector<16xf32>
        %select_n3A_382 = arith.select %ne3A_353, %broadcast_in_dim3A_3, %max3A_323 : vector<16xf32>
        %max3A_383 = arith.maximumf %select_n3A_382, %get3A_371 : vector<16xf32>
        %select_n3A_384 = arith.select %ne3A_353, %broadcast_in_dim3A_3, %max3A_325 : vector<16xf32>
        %max3A_385 = arith.maximumf %select_n3A_384, %get3A_377 : vector<16xf32>
        %mul3A_386 = arith.constant 64 : i32
        %mul3A_387 = arith.muli %squeeze3A_352, %mul3A_386 : i32
        %multiple_of3A_388 = tpu.assume_multiple %mul3A_387, 8 : i32
        %swap3A_389 = arith.index_cast %multiple_of3A_388 : i32 to index
        %swap3A_390 = tpu.vector_load %arg9[%swap3A_389] {strides = array<i32>} : memref<20096xf32, #tpu.memory_space<vmem>>, vector<16xf32>,
        %swap3A_391 = vector.shape_cast %swap3A_390 : vector<16xf32> to vector<16xf32>
        %swap3A_392 = vector.shape_cast %max3A_379 : vector<16xf32> to vector<16xf32>
        tpu.vector_store %arg9[%swap3A_389], %swap3A_392 {strides = array<i32>} : memref<20096xf32, #tpu.memory_space<vmem>>, vector<16xf32>,
        %add3A_393 = arith.constant 16 : i32
        %add3A_394 = arith.addi %multiple_of3A_388, %add3A_393 : i32
        %swap3A_395 = arith.index_cast %add3A_394 : i32 to index
        %swap3A_396 = tpu.vector_load %arg9[%swap3A_395] {strides = array<i32>} : memref<20096xf32, #tpu.memory_space<vmem>>, vector<16xf32>,
        %swap3A_397 = vector.shape_cast %swap3A_396 : vector<16xf32> to vector<16xf32>
        %swap3A_398 = vector.shape_cast %max3A_381 : vector<16xf32> to vector<16xf32>
        tpu.vector_store %arg9[%swap3A_395], %swap3A_398 {strides = array<i32>} : memref<20096xf32, #tpu.memory_space<vmem>>, vector<16xf32>,
        %add3A_399 = arith.constant 32 : i32
        %add3A_400 = arith.addi %multiple_of3A_388, %add3A_399 : i32
        %swap3A_401 = arith.index_cast %add3A_400 : i32 to index
        %swap3A_402 = tpu.vector_load %arg9[%swap3A_401] {strides = array<i32>} : memref<20096xf32, #tpu.memory_space<vmem>>, vector<16xf32>,
        %swap3A_403 = vector.shape_cast %swap3A_402 : vector<16xf32> to vector<16xf32>
        %swap3A_404 = vector.shape_cast %max3A_383 : vector<16xf32> to vector<16xf32>
        tpu.vector_store %arg9[%swap3A_401], %swap3A_404 {strides = array<i32>} : memref<20096xf32, #tpu.memory_space<vmem>>, vector<16xf32>,
        %add3A_405 = arith.constant 48 : i32
        %add3A_406 = arith.addi %multiple_of3A_388, %add3A_405 : i32
        %swap3A_407 = arith.index_cast %add3A_406 : i32 to index
        %swap3A_408 = tpu.vector_load %arg9[%swap3A_407] {strides = array<i32>} : memref<20096xf32, #tpu.memory_space<vmem>>, vector<16xf32>,
        %swap3A_409 = vector.shape_cast %swap3A_408 : vector<16xf32> to vector<16xf32>
        %swap3A_410 = vector.shape_cast %max3A_385 : vector<16xf32> to vector<16xf32>
        tpu.vector_store %arg9[%swap3A_407], %swap3A_410 {strides = array<i32>} : memref<20096xf32, #tpu.memory_space<vmem>>, vector<16xf32>,
        %slice3A_411 = vector.extract_strided_slice %select_n3A_112 {offsets = [5], sizes = [1], strides = [1]} : vector<16xi32> to vector<1xi32>
        %squeeze3A_412 = vector.extract %slice3A_411[0] : i32 from vector<1xi32>
        %ne3A_413 = arith.cmpi ne, %squeeze3A_412, %squeeze3A_352 : i32
        %add3A_414 = arith.constant 5 : i32
        %add3A_415 = arith.addi %multiple_of3A_98, %add3A_414 : i32
        %get3A_416 = arith.index_cast %add3A_415 : i32 to index
        %get3A_417 = arith.constant 0 : index
        %get3A_418 = tpu.vector_load %arg7[%get3A_416, %get3A_417] {strides = array<i32>} : memref<1024x64xf32, #tpu.memory_space<vmem>>, vector<1x16xf32>,
        %get3A_419 = vector.shape_cast %get3A_418 : vector<1x16xf32> to vector<16xf32>
        %add3A_420 = arith.constant 5 : i32
        %add3A_421 = arith.addi %multiple_of3A_98, %add3A_420 : i32
        %get3A_422 = arith.index_cast %add3A_421 : i32 to index
        %get3A_423 = arith.constant 16 : index
        %get3A_424 = tpu.vector_load %arg7[%get3A_422, %get3A_423] {strides = array<i32>} : memref<1024x64xf32, #tpu.memory_space<vmem>>, vector<1x16xf32>,
        %get3A_425 = vector.shape_cast %get3A_424 : vector<1x16xf32> to vector<16xf32>
        %add3A_426 = arith.constant 5 : i32
        %add3A_427 = arith.addi %multiple_of3A_98, %add3A_426 : i32
        %get3A_428 = arith.index_cast %add3A_427 : i32 to index
        %get3A_429 = arith.constant 32 : index
        %get3A_430 = tpu.vector_load %arg7[%get3A_428, %get3A_429] {strides = array<i32>} : memref<1024x64xf32, #tpu.memory_space<vmem>>, vector<1x16xf32>,
        %get3A_431 = vector.shape_cast %get3A_430 : vector<1x16xf32> to vector<16xf32>
        %add3A_432 = arith.constant 5 : i32
        %add3A_433 = arith.addi %multiple_of3A_98, %add3A_432 : i32
        %get3A_434 = arith.index_cast %add3A_433 : i32 to index
        %get3A_435 = arith.constant 48 : index
        %get3A_436 = tpu.vector_load %arg7[%get3A_434, %get3A_435] {strides = array<i32>} : memref<1024x64xf32, #tpu.memory_space<vmem>>, vector<1x16xf32>,
        %get3A_437 = vector.shape_cast %get3A_436 : vector<1x16xf32> to vector<16xf32>
        %select_n3A_438 = arith.select %ne3A_413, %broadcast_in_dim3A_3, %max3A_379 : vector<16xf32>
        %max3A_439 = arith.maximumf %select_n3A_438, %get3A_419 : vector<16xf32>
        %select_n3A_440 = arith.select %ne3A_413, %broadcast_in_dim3A_3, %max3A_381 : vector<16xf32>
        %max3A_441 = arith.maximumf %select_n3A_440, %get3A_425 : vector<16xf32>
        %select_n3A_442 = arith.select %ne3A_413, %broadcast_in_dim3A_3, %max3A_383 : vector<16xf32>
        %max3A_443 = arith.maximumf %select_n3A_442, %get3A_431 : vector<16xf32>
        %select_n3A_444 = arith.select %ne3A_413, %broadcast_in_dim3A_3, %max3A_385 : vector<16xf32>
        %max3A_445 = arith.maximumf %select_n3A_444, %get3A_437 : vector<16xf32>
        %mul3A_446 = arith.constant 64 : i32
        %mul3A_447 = arith.muli %squeeze3A_412, %mul3A_446 : i32
        %multiple_of3A_448 = tpu.assume_multiple %mul3A_447, 8 : i32
        %swap3A_449 = arith.index_cast %multiple_of3A_448 : i32 to index
        %swap3A_450 = tpu.vector_load %arg9[%swap3A_449] {strides = array<i32>} : memref<20096xf32, #tpu.memory_space<vmem>>, vector<16xf32>,
        %swap3A_451 = vector.shape_cast %swap3A_450 : vector<16xf32> to vector<16xf32>
        %swap3A_452 = vector.shape_cast %max3A_439 : vector<16xf32> to vector<16xf32>
        tpu.vector_store %arg9[%swap3A_449], %swap3A_452 {strides = array<i32>} : memref<20096xf32, #tpu.memory_space<vmem>>, vector<16xf32>,
        %add3A_453 = arith.constant 16 : i32
        %add3A_454 = arith.addi %multiple_of3A_448, %add3A_453 : i32
        %swap3A_455 = arith.index_cast %add3A_454 : i32 to index
        %swap3A_456 = tpu.vector_load %arg9[%swap3A_455] {strides = array<i32>} : memref<20096xf32, #tpu.memory_space<vmem>>, vector<16xf32>,
        %swap3A_457 = vector.shape_cast %swap3A_456 : vector<16xf32> to vector<16xf32>
        %swap3A_458 = vector.shape_cast %max3A_441 : vector<16xf32> to vector<16xf32>
        tpu.vector_store %arg9[%swap3A_455], %swap3A_458 {strides = array<i32>} : memref<20096xf32, #tpu.memory_space<vmem>>, vector<16xf32>,
        %add3A_459 = arith.constant 32 : i32
        %add3A_460 = arith.addi %multiple_of3A_448, %add3A_459 : i32
        %swap3A_461 = arith.index_cast %add3A_460 : i32 to index
        %swap3A_462 = tpu.vector_load %arg9[%swap3A_461] {strides = array<i32>} : memref<20096xf32, #tpu.memory_space<vmem>>, vector<16xf32>,
        %swap3A_463 = vector.shape_cast %swap3A_462 : vector<16xf32> to vector<16xf32>
        %swap3A_464 = vector.shape_cast %max3A_443 : vector<16xf32> to vector<16xf32>
        tpu.vector_store %arg9[%swap3A_461], %swap3A_464 {strides = array<i32>} : memref<20096xf32, #tpu.memory_space<vmem>>, vector<16xf32>,
        %add3A_465 = arith.constant 48 : i32
        %add3A_466 = arith.addi %multiple_of3A_448, %add3A_465 : i32
        %swap3A_467 = arith.index_cast %add3A_466 : i32 to index
        %swap3A_468 = tpu.vector_load %arg9[%swap3A_467] {strides = array<i32>} : memref<20096xf32, #tpu.memory_space<vmem>>, vector<16xf32>,
        %swap3A_469 = vector.shape_cast %swap3A_468 : vector<16xf32> to vector<16xf32>
        %swap3A_470 = vector.shape_cast %max3A_445 : vector<16xf32> to vector<16xf32>
        tpu.vector_store %arg9[%swap3A_467], %swap3A_470 {strides = array<i32>} : memref<20096xf32, #tpu.memory_space<vmem>>, vector<16xf32>,
        %slice3A_471 = vector.extract_strided_slice %select_n3A_112 {offsets = [6], sizes = [1], strides = [1]} : vector<16xi32> to vector<1xi32>
        %squeeze3A_472 = vector.extract %slice3A_471[0] : i32 from vector<1xi32>
        %ne3A_473 = arith.cmpi ne, %squeeze3A_472, %squeeze3A_412 : i32
        %add3A_474 = arith.constant 6 : i32
        %add3A_475 = arith.addi %multiple_of3A_98, %add3A_474 : i32
        %get3A_476 = arith.index_cast %add3A_475 : i32 to index
        %get3A_477 = arith.constant 0 : index
        %get3A_478 = tpu.vector_load %arg7[%get3A_476, %get3A_477] {strides = array<i32>} : memref<1024x64xf32, #tpu.memory_space<vmem>>, vector<1x16xf32>,
        %get3A_479 = vector.shape_cast %get3A_478 : vector<1x16xf32> to vector<16xf32>
        %add3A_480 = arith.constant 6 : i32
        %add3A_481 = arith.addi %multiple_of3A_98, %add3A_480 : i32
        %get3A_482 = arith.index_cast %add3A_481 : i32 to index
        %get3A_483 = arith.constant 16 : index
        %get3A_484 = tpu.vector_load %arg7[%get3A_482, %get3A_483] {strides = array<i32>} : memref<1024x64xf32, #tpu.memory_space<vmem>>, vector<1x16xf32>,
        %get3A_485 = vector.shape_cast %get3A_484 : vector<1x16xf32> to vector<16xf32>
        %add3A_486 = arith.constant 6 : i32
        %add3A_487 = arith.addi %multiple_of3A_98, %add3A_486 : i32
        %get3A_488 = arith.index_cast %add3A_487 : i32 to index
        %get3A_489 = arith.constant 32 : index
        %get3A_490 = tpu.vector_load %arg7[%get3A_488, %get3A_489] {strides = array<i32>} : memref<1024x64xf32, #tpu.memory_space<vmem>>, vector<1x16xf32>,
        %get3A_491 = vector.shape_cast %get3A_490 : vector<1x16xf32> to vector<16xf32>
        %add3A_492 = arith.constant 6 : i32
        %add3A_493 = arith.addi %multiple_of3A_98, %add3A_492 : i32
        %get3A_494 = arith.index_cast %add3A_493 : i32 to index
        %get3A_495 = arith.constant 48 : index
        %get3A_496 = tpu.vector_load %arg7[%get3A_494, %get3A_495] {strides = array<i32>} : memref<1024x64xf32, #tpu.memory_space<vmem>>, vector<1x16xf32>,
        %get3A_497 = vector.shape_cast %get3A_496 : vector<1x16xf32> to vector<16xf32>
        %select_n3A_498 = arith.select %ne3A_473, %broadcast_in_dim3A_3, %max3A_439 : vector<16xf32>
        %max3A_499 = arith.maximumf %select_n3A_498, %get3A_479 : vector<16xf32>
        %select_n3A_500 = arith.select %ne3A_473, %broadcast_in_dim3A_3, %max3A_441 : vector<16xf32>
        %max3A_501 = arith.maximumf %select_n3A_500, %get3A_485 : vector<16xf32>
        %select_n3A_502 = arith.select %ne3A_473, %broadcast_in_dim3A_3, %max3A_443 : vector<16xf32>
        %max3A_503 = arith.maximumf %select_n3A_502, %get3A_491 : vector<16xf32>
        %select_n3A_504 = arith.select %ne3A_473, %broadcast_in_dim3A_3, %max3A_445 : vector<16xf32>
        %max3A_505 = arith.maximumf %select_n3A_504, %get3A_497 : vector<16xf32>
        %mul3A_506 = arith.constant 64 : i32
        %mul3A_507 = arith.muli %squeeze3A_472, %mul3A_506 : i32
        %multiple_of3A_508 = tpu.assume_multiple %mul3A_507, 8 : i32
        %swap3A_509 = arith.index_cast %multiple_of3A_508 : i32 to index
        %swap3A_510 = tpu.vector_load %arg9[%swap3A_509] {strides = array<i32>} : memref<20096xf32, #tpu.memory_space<vmem>>, vector<16xf32>,
        %swap3A_511 = vector.shape_cast %swap3A_510 : vector<16xf32> to vector<16xf32>
        %swap3A_512 = vector.shape_cast %max3A_499 : vector<16xf32> to vector<16xf32>
        tpu.vector_store %arg9[%swap3A_509], %swap3A_512 {strides = array<i32>} : memref<20096xf32, #tpu.memory_space<vmem>>, vector<16xf32>,
        %add3A_513 = arith.constant 16 : i32
        %add3A_514 = arith.addi %multiple_of3A_508, %add3A_513 : i32
        %swap3A_515 = arith.index_cast %add3A_514 : i32 to index
        %swap3A_516 = tpu.vector_load %arg9[%swap3A_515] {strides = array<i32>} : memref<20096xf32, #tpu.memory_space<vmem>>, vector<16xf32>,
        %swap3A_517 = vector.shape_cast %swap3A_516 : vector<16xf32> to vector<16xf32>
        %swap3A_518 = vector.shape_cast %max3A_501 : vector<16xf32> to vector<16xf32>
        tpu.vector_store %arg9[%swap3A_515], %swap3A_518 {strides = array<i32>} : memref<20096xf32, #tpu.memory_space<vmem>>, vector<16xf32>,
        %add3A_519 = arith.constant 32 : i32
        %add3A_520 = arith.addi %multiple_of3A_508, %add3A_519 : i32
        %swap3A_521 = arith.index_cast %add3A_520 : i32 to index
        %swap3A_522 = tpu.vector_load %arg9[%swap3A_521] {strides = array<i32>} : memref<20096xf32, #tpu.memory_space<vmem>>, vector<16xf32>,
        %swap3A_523 = vector.shape_cast %swap3A_522 : vector<16xf32> to vector<16xf32>
        %swap3A_524 = vector.shape_cast %max3A_503 : vector<16xf32> to vector<16xf32>
        tpu.vector_store %arg9[%swap3A_521], %swap3A_524 {strides = array<i32>} : memref<20096xf32, #tpu.memory_space<vmem>>, vector<16xf32>,
        %add3A_525 = arith.constant 48 : i32
        %add3A_526 = arith.addi %multiple_of3A_508, %add3A_525 : i32
        %swap3A_527 = arith.index_cast %add3A_526 : i32 to index
        %swap3A_528 = tpu.vector_load %arg9[%swap3A_527] {strides = array<i32>} : memref<20096xf32, #tpu.memory_space<vmem>>, vector<16xf32>,
        %swap3A_529 = vector.shape_cast %swap3A_528 : vector<16xf32> to vector<16xf32>
        %swap3A_530 = vector.shape_cast %max3A_505 : vector<16xf32> to vector<16xf32>
        tpu.vector_store %arg9[%swap3A_527], %swap3A_530 {strides = array<i32>} : memref<20096xf32, #tpu.memory_space<vmem>>, vector<16xf32>,
        %slice3A_531 = vector.extract_strided_slice %select_n3A_112 {offsets = [7], sizes = [1], strides = [1]} : vector<16xi32> to vector<1xi32>
        %squeeze3A_532 = vector.extract %slice3A_531[0] : i32 from vector<1xi32>
        %ne3A_533 = arith.cmpi ne, %squeeze3A_532, %squeeze3A_472 : i32
        %add3A_534 = arith.constant 7 : i32
        %add3A_535 = arith.addi %multiple_of3A_98, %add3A_534 : i32
        %get3A_536 = arith.index_cast %add3A_535 : i32 to index
        %get3A_537 = arith.constant 0 : index
        %get3A_538 = tpu.vector_load %arg7[%get3A_536, %get3A_537] {strides = array<i32>} : memref<1024x64xf32, #tpu.memory_space<vmem>>, vector<1x16xf32>,
        %get3A_539 = vector.shape_cast %get3A_538 : vector<1x16xf32> to vector<16xf32>
        %add3A_540 = arith.constant 7 : i32
        %add3A_541 = arith.addi %multiple_of3A_98, %add3A_540 : i32
        %get3A_542 = arith.index_cast %add3A_541 : i32 to index
        %get3A_543 = arith.constant 16 : index
        %get3A_544 = tpu.vector_load %arg7[%get3A_542, %get3A_543] {strides = array<i32>} : memref<1024x64xf32, #tpu.memory_space<vmem>>, vector<1x16xf32>,
        %get3A_545 = vector.shape_cast %get3A_544 : vector<1x16xf32> to vector<16xf32>
        %add3A_546 = arith.constant 7 : i32
        %add3A_547 = arith.addi %multiple_of3A_98, %add3A_546 : i32
        %get3A_548 = arith.index_cast %add3A_547 : i32 to index
        %get3A_549 = arith.constant 32 : index
        %get3A_550 = tpu.vector_load %arg7[%get3A_548, %get3A_549] {strides = array<i32>} : memref<1024x64xf32, #tpu.memory_space<vmem>>, vector<1x16xf32>,
        %get3A_551 = vector.shape_cast %get3A_550 : vector<1x16xf32> to vector<16xf32>
        %add3A_552 = arith.constant 7 : i32
        %add3A_553 = arith.addi %multiple_of3A_98, %add3A_552 : i32
        %get3A_554 = arith.index_cast %add3A_553 : i32 to index
        %get3A_555 = arith.constant 48 : index
        %get3A_556 = tpu.vector_load %arg7[%get3A_554, %get3A_555] {strides = array<i32>} : memref<1024x64xf32, #tpu.memory_space<vmem>>, vector<1x16xf32>,
        %get3A_557 = vector.shape_cast %get3A_556 : vector<1x16xf32> to vector<16xf32>
        %select_n3A_558 = arith.select %ne3A_533, %broadcast_in_dim3A_3, %max3A_499 : vector<16xf32>
        %max3A_559 = arith.maximumf %select_n3A_558, %get3A_539 : vector<16xf32>
        %select_n3A_560 = arith.select %ne3A_533, %broadcast_in_dim3A_3, %max3A_501 : vector<16xf32>
        %max3A_561 = arith.maximumf %select_n3A_560, %get3A_545 : vector<16xf32>
        %select_n3A_562 = arith.select %ne3A_533, %broadcast_in_dim3A_3, %max3A_503 : vector<16xf32>
        %max3A_563 = arith.maximumf %select_n3A_562, %get3A_551 : vector<16xf32>
        %select_n3A_564 = arith.select %ne3A_533, %broadcast_in_dim3A_3, %max3A_505 : vector<16xf32>
        %max3A_565 = arith.maximumf %select_n3A_564, %get3A_557 : vector<16xf32>
        %mul3A_566 = arith.constant 64 : i32
        %mul3A_567 = arith.muli %squeeze3A_532, %mul3A_566 : i32
        %multiple_of3A_568 = tpu.assume_multiple %mul3A_567, 8 : i32
        %swap3A_569 = arith.index_cast %multiple_of3A_568 : i32 to index
        %swap3A_570 = tpu.vector_load %arg9[%swap3A_569] {strides = array<i32>} : memref<20096xf32, #tpu.memory_space<vmem>>, vector<16xf32>,
        %swap3A_571 = vector.shape_cast %swap3A_570 : vector<16xf32> to vector<16xf32>
        %swap3A_572 = vector.shape_cast %max3A_559 : vector<16xf32> to vector<16xf32>
        tpu.vector_store %arg9[%swap3A_569], %swap3A_572 {strides = array<i32>} : memref<20096xf32, #tpu.memory_space<vmem>>, vector<16xf32>,
        %add3A_573 = arith.constant 16 : i32
        %add3A_574 = arith.addi %multiple_of3A_568, %add3A_573 : i32
        %swap3A_575 = arith.index_cast %add3A_574 : i32 to index
        %swap3A_576 = tpu.vector_load %arg9[%swap3A_575] {strides = array<i32>} : memref<20096xf32, #tpu.memory_space<vmem>>, vector<16xf32>,
        %swap3A_577 = vector.shape_cast %swap3A_576 : vector<16xf32> to vector<16xf32>
        %swap3A_578 = vector.shape_cast %max3A_561 : vector<16xf32> to vector<16xf32>
        tpu.vector_store %arg9[%swap3A_575], %swap3A_578 {strides = array<i32>} : memref<20096xf32, #tpu.memory_space<vmem>>, vector<16xf32>,
        %add3A_579 = arith.constant 32 : i32
        %add3A_580 = arith.addi %multiple_of3A_568, %add3A_579 : i32
        %swap3A_581 = arith.index_cast %add3A_580 : i32 to index
        %swap3A_582 = tpu.vector_load %arg9[%swap3A_581] {strides = array<i32>} : memref<20096xf32, #tpu.memory_space<vmem>>, vector<16xf32>,
        %swap3A_583 = vector.shape_cast %swap3A_582 : vector<16xf32> to vector<16xf32>
        %swap3A_584 = vector.shape_cast %max3A_563 : vector<16xf32> to vector<16xf32>
        tpu.vector_store %arg9[%swap3A_581], %swap3A_584 {strides = array<i32>} : memref<20096xf32, #tpu.memory_space<vmem>>, vector<16xf32>,
        %add3A_585 = arith.constant 48 : i32
        %add3A_586 = arith.addi %multiple_of3A_568, %add3A_585 : i32
        %swap3A_587 = arith.index_cast %add3A_586 : i32 to index
        %swap3A_588 = tpu.vector_load %arg9[%swap3A_587] {strides = array<i32>} : memref<20096xf32, #tpu.memory_space<vmem>>, vector<16xf32>,
        %swap3A_589 = vector.shape_cast %swap3A_588 : vector<16xf32> to vector<16xf32>
        %swap3A_590 = vector.shape_cast %max3A_565 : vector<16xf32> to vector<16xf32>
        tpu.vector_store %arg9[%swap3A_587], %swap3A_590 {strides = array<i32>} : memref<20096xf32, #tpu.memory_space<vmem>>, vector<16xf32>,
        %slice3A_591 = vector.extract_strided_slice %select_n3A_112 {offsets = [8], sizes = [1], strides = [1]} : vector<16xi32> to vector<1xi32>
        %squeeze3A_592 = vector.extract %slice3A_591[0] : i32 from vector<1xi32>
        %ne3A_593 = arith.cmpi ne, %squeeze3A_592, %squeeze3A_532 : i32
        %add3A_594 = arith.constant 8 : i32
        %add3A_595 = arith.addi %multiple_of3A_98, %add3A_594 : i32
        %get3A_596 = arith.index_cast %add3A_595 : i32 to index
        %get3A_597 = arith.constant 0 : index
        %get3A_598 = tpu.vector_load %arg7[%get3A_596, %get3A_597] {strides = array<i32>} : memref<1024x64xf32, #tpu.memory_space<vmem>>, vector<1x16xf32>,
        %get3A_599 = vector.shape_cast %get3A_598 : vector<1x16xf32> to vector<16xf32>
        %add3A_600 = arith.constant 8 : i32
        %add3A_601 = arith.addi %multiple_of3A_98, %add3A_600 : i32
        %get3A_602 = arith.index_cast %add3A_601 : i32 to index
        %get3A_603 = arith.constant 16 : index
        %get3A_604 = tpu.vector_load %arg7[%get3A_602, %get3A_603] {strides = array<i32>} : memref<1024x64xf32, #tpu.memory_space<vmem>>, vector<1x16xf32>,
        %get3A_605 = vector.shape_cast %get3A_604 : vector<1x16xf32> to vector<16xf32>
        %add3A_606 = arith.constant 8 : i32
        %add3A_607 = arith.addi %multiple_of3A_98, %add3A_606 : i32
        %get3A_608 = arith.index_cast %add3A_607 : i32 to index
        %get3A_609 = arith.constant 32 : index
        %get3A_610 = tpu.vector_load %arg7[%get3A_608, %get3A_609] {strides = array<i32>} : memref<1024x64xf32, #tpu.memory_space<vmem>>, vector<1x16xf32>,
        %get3A_611 = vector.shape_cast %get3A_610 : vector<1x16xf32> to vector<16xf32>
        %add3A_612 = arith.constant 8 : i32
        %add3A_613 = arith.addi %multiple_of3A_98, %add3A_612 : i32
        %get3A_614 = arith.index_cast %add3A_613 : i32 to index
        %get3A_615 = arith.constant 48 : index
        %get3A_616 = tpu.vector_load %arg7[%get3A_614, %get3A_615] {strides = array<i32>} : memref<1024x64xf32, #tpu.memory_space<vmem>>, vector<1x16xf32>,
        %get3A_617 = vector.shape_cast %get3A_616 : vector<1x16xf32> to vector<16xf32>
        %select_n3A_618 = arith.select %ne3A_593, %broadcast_in_dim3A_3, %max3A_559 : vector<16xf32>
        %max3A_619 = arith.maximumf %select_n3A_618, %get3A_599 : vector<16xf32>
        %select_n3A_620 = arith.select %ne3A_593, %broadcast_in_dim3A_3, %max3A_561 : vector<16xf32>
        %max3A_621 = arith.maximumf %select_n3A_620, %get3A_605 : vector<16xf32>
        %select_n3A_622 = arith.select %ne3A_593, %broadcast_in_dim3A_3, %max3A_563 : vector<16xf32>
        %max3A_623 = arith.maximumf %select_n3A_622, %get3A_611 : vector<16xf32>
        %select_n3A_624 = arith.select %ne3A_593, %broadcast_in_dim3A_3, %max3A_565 : vector<16xf32>
        %max3A_625 = arith.maximumf %select_n3A_624, %get3A_617 : vector<16xf32>
        %mul3A_626 = arith.constant 64 : i32
        %mul3A_627 = arith.muli %squeeze3A_592, %mul3A_626 : i32
        %multiple_of3A_628 = tpu.assume_multiple %mul3A_627, 8 : i32
        %swap3A_629 = arith.index_cast %multiple_of3A_628 : i32 to index
        %swap3A_630 = tpu.vector_load %arg9[%swap3A_629] {strides = array<i32>} : memref<20096xf32, #tpu.memory_space<vmem>>, vector<16xf32>,
        %swap3A_631 = vector.shape_cast %swap3A_630 : vector<16xf32> to vector<16xf32>
        %swap3A_632 = vector.shape_cast %max3A_619 : vector<16xf32> to vector<16xf32>
        tpu.vector_store %arg9[%swap3A_629], %swap3A_632 {strides = array<i32>} : memref<20096xf32, #tpu.memory_space<vmem>>, vector<16xf32>,
        %add3A_633 = arith.constant 16 : i32
        %add3A_634 = arith.addi %multiple_of3A_628, %add3A_633 : i32
        %swap3A_635 = arith.index_cast %add3A_634 : i32 to index
        %swap3A_636 = tpu.vector_load %arg9[%swap3A_635] {strides = array<i32>} : memref<20096xf32, #tpu.memory_space<vmem>>, vector<16xf32>,
        %swap3A_637 = vector.shape_cast %swap3A_636 : vector<16xf32> to vector<16xf32>
        %swap3A_638 = vector.shape_cast %max3A_621 : vector<16xf32> to vector<16xf32>
        tpu.vector_store %arg9[%swap3A_635], %swap3A_638 {strides = array<i32>} : memref<20096xf32, #tpu.memory_space<vmem>>, vector<16xf32>,
        %add3A_639 = arith.constant 32 : i32
        %add3A_640 = arith.addi %multiple_of3A_628, %add3A_639 : i32
        %swap3A_641 = arith.index_cast %add3A_640 : i32 to index
        %swap3A_642 = tpu.vector_load %arg9[%swap3A_641] {strides = array<i32>} : memref<20096xf32, #tpu.memory_space<vmem>>, vector<16xf32>,
        %swap3A_643 = vector.shape_cast %swap3A_642 : vector<16xf32> to vector<16xf32>
        %swap3A_644 = vector.shape_cast %max3A_623 : vector<16xf32> to vector<16xf32>
        tpu.vector_store %arg9[%swap3A_641], %swap3A_644 {strides = array<i32>} : memref<20096xf32, #tpu.memory_space<vmem>>, vector<16xf32>,
        %add3A_645 = arith.constant 48 : i32
        %add3A_646 = arith.addi %multiple_of3A_628, %add3A_645 : i32
        %swap3A_647 = arith.index_cast %add3A_646 : i32 to index
        %swap3A_648 = tpu.vector_load %arg9[%swap3A_647] {strides = array<i32>} : memref<20096xf32, #tpu.memory_space<vmem>>, vector<16xf32>,
        %swap3A_649 = vector.shape_cast %swap3A_648 : vector<16xf32> to vector<16xf32>
        %swap3A_650 = vector.shape_cast %max3A_625 : vector<16xf32> to vector<16xf32>
        tpu.vector_store %arg9[%swap3A_647], %swap3A_650 {strides = array<i32>} : memref<20096xf32, #tpu.memory_space<vmem>>, vector<16xf32>,
        %slice3A_651 = vector.extract_strided_slice %select_n3A_112 {offsets = [9], sizes = [1], strides = [1]} : vector<16xi32> to vector<1xi32>
        %squeeze3A_652 = vector.extract %slice3A_651[0] : i32 from vector<1xi32>
        %ne3A_653 = arith.cmpi ne, %squeeze3A_652, %squeeze3A_592 : i32
        %add3A_654 = arith.constant 9 : i32
        %add3A_655 = arith.addi %multiple_of3A_98, %add3A_654 : i32
        %get3A_656 = arith.index_cast %add3A_655 : i32 to index
        %get3A_657 = arith.constant 0 : index
        %get3A_658 = tpu.vector_load %arg7[%get3A_656, %get3A_657] {strides = array<i32>} : memref<1024x64xf32, #tpu.memory_space<vmem>>, vector<1x16xf32>,
        %get3A_659 = vector.shape_cast %get3A_658 : vector<1x16xf32> to vector<16xf32>
        %add3A_660 = arith.constant 9 : i32
        %add3A_661 = arith.addi %multiple_of3A_98, %add3A_660 : i32
        %get3A_662 = arith.index_cast %add3A_661 : i32 to index
        %get3A_663 = arith.constant 16 : index
        %get3A_664 = tpu.vector_load %arg7[%get3A_662, %get3A_663] {strides = array<i32>} : memref<1024x64xf32, #tpu.memory_space<vmem>>, vector<1x16xf32>,
        %get3A_665 = vector.shape_cast %get3A_664 : vector<1x16xf32> to vector<16xf32>
        %add3A_666 = arith.constant 9 : i32
        %add3A_667 = arith.addi %multiple_of3A_98, %add3A_666 : i32
        %get3A_668 = arith.index_cast %add3A_667 : i32 to index
        %get3A_669 = arith.constant 32 : index
        %get3A_670 = tpu.vector_load %arg7[%get3A_668, %get3A_669] {strides = array<i32>} : memref<1024x64xf32, #tpu.memory_space<vmem>>, vector<1x16xf32>,
        %get3A_671 = vector.shape_cast %get3A_670 : vector<1x16xf32> to vector<16xf32>
        %add3A_672 = arith.constant 9 : i32
        %add3A_673 = arith.addi %multiple_of3A_98, %add3A_672 : i32
        %get3A_674 = arith.index_cast %add3A_673 : i32 to index
        %get3A_675 = arith.constant 48 : index
        %get3A_676 = tpu.vector_load %arg7[%get3A_674, %get3A_675] {strides = array<i32>} : memref<1024x64xf32, #tpu.memory_space<vmem>>, vector<1x16xf32>,
        %get3A_677 = vector.shape_cast %get3A_676 : vector<1x16xf32> to vector<16xf32>
        %select_n3A_678 = arith.select %ne3A_653, %broadcast_in_dim3A_3, %max3A_619 : vector<16xf32>
        %max3A_679 = arith.maximumf %select_n3A_678, %get3A_659 : vector<16xf32>
        %select_n3A_680 = arith.select %ne3A_653, %broadcast_in_dim3A_3, %max3A_621 : vector<16xf32>
        %max3A_681 = arith.maximumf %select_n3A_680, %get3A_665 : vector<16xf32>
        %select_n3A_682 = arith.select %ne3A_653, %broadcast_in_dim3A_3, %max3A_623 : vector<16xf32>
        %max3A_683 = arith.maximumf %select_n3A_682, %get3A_671 : vector<16xf32>
        %select_n3A_684 = arith.select %ne3A_653, %broadcast_in_dim3A_3, %max3A_625 : vector<16xf32>
        %max3A_685 = arith.maximumf %select_n3A_684, %get3A_677 : vector<16xf32>
        %mul3A_686 = arith.constant 64 : i32
        %mul3A_687 = arith.muli %squeeze3A_652, %mul3A_686 : i32
        %multiple_of3A_688 = tpu.assume_multiple %mul3A_687, 8 : i32
        %swap3A_689 = arith.index_cast %multiple_of3A_688 : i32 to index
        %swap3A_690 = tpu.vector_load %arg9[%swap3A_689] {strides = array<i32>} : memref<20096xf32, #tpu.memory_space<vmem>>, vector<16xf32>,
        %swap3A_691 = vector.shape_cast %swap3A_690 : vector<16xf32> to vector<16xf32>
        %swap3A_692 = vector.shape_cast %max3A_679 : vector<16xf32> to vector<16xf32>
        tpu.vector_store %arg9[%swap3A_689], %swap3A_692 {strides = array<i32>} : memref<20096xf32, #tpu.memory_space<vmem>>, vector<16xf32>,
        %add3A_693 = arith.constant 16 : i32
        %add3A_694 = arith.addi %multiple_of3A_688, %add3A_693 : i32
        %swap3A_695 = arith.index_cast %add3A_694 : i32 to index
        %swap3A_696 = tpu.vector_load %arg9[%swap3A_695] {strides = array<i32>} : memref<20096xf32, #tpu.memory_space<vmem>>, vector<16xf32>,
        %swap3A_697 = vector.shape_cast %swap3A_696 : vector<16xf32> to vector<16xf32>
        %swap3A_698 = vector.shape_cast %max3A_681 : vector<16xf32> to vector<16xf32>
        tpu.vector_store %arg9[%swap3A_695], %swap3A_698 {strides = array<i32>} : memref<20096xf32, #tpu.memory_space<vmem>>, vector<16xf32>,
        %add3A_699 = arith.constant 32 : i32
        %add3A_700 = arith.addi %multiple_of3A_688, %add3A_699 : i32
        %swap3A_701 = arith.index_cast %add3A_700 : i32 to index
        %swap3A_702 = tpu.vector_load %arg9[%swap3A_701] {strides = array<i32>} : memref<20096xf32, #tpu.memory_space<vmem>>, vector<16xf32>,
        %swap3A_703 = vector.shape_cast %swap3A_702 : vector<16xf32> to vector<16xf32>
        %swap3A_704 = vector.shape_cast %max3A_683 : vector<16xf32> to vector<16xf32>
        tpu.vector_store %arg9[%swap3A_701], %swap3A_704 {strides = array<i32>} : memref<20096xf32, #tpu.memory_space<vmem>>, vector<16xf32>,
        %add3A_705 = arith.constant 48 : i32
        %add3A_706 = arith.addi %multiple_of3A_688, %add3A_705 : i32
        %swap3A_707 = arith.index_cast %add3A_706 : i32 to index
        %swap3A_708 = tpu.vector_load %arg9[%swap3A_707] {strides = array<i32>} : memref<20096xf32, #tpu.memory_space<vmem>>, vector<16xf32>,
        %swap3A_709 = vector.shape_cast %swap3A_708 : vector<16xf32> to vector<16xf32>
        %swap3A_710 = vector.shape_cast %max3A_685 : vector<16xf32> to vector<16xf32>
        tpu.vector_store %arg9[%swap3A_707], %swap3A_710 {strides = array<i32>} : memref<20096xf32, #tpu.memory_space<vmem>>, vector<16xf32>,
        %slice3A_711 = vector.extract_strided_slice %select_n3A_112 {offsets = [10], sizes = [1], strides = [1]} : vector<16xi32> to vector<1xi32>
        %squeeze3A_712 = vector.extract %slice3A_711[0] : i32 from vector<1xi32>
        %ne3A_713 = arith.cmpi ne, %squeeze3A_712, %squeeze3A_652 : i32
        %add3A_714 = arith.constant 10 : i32
        %add3A_715 = arith.addi %multiple_of3A_98, %add3A_714 : i32
        %get3A_716 = arith.index_cast %add3A_715 : i32 to index
        %get3A_717 = arith.constant 0 : index
        %get3A_718 = tpu.vector_load %arg7[%get3A_716, %get3A_717] {strides = array<i32>} : memref<1024x64xf32, #tpu.memory_space<vmem>>, vector<1x16xf32>,
        %get3A_719 = vector.shape_cast %get3A_718 : vector<1x16xf32> to vector<16xf32>
        %add3A_720 = arith.constant 10 : i32
        %add3A_721 = arith.addi %multiple_of3A_98, %add3A_720 : i32
        %get3A_722 = arith.index_cast %add3A_721 : i32 to index
        %get3A_723 = arith.constant 16 : index
        %get3A_724 = tpu.vector_load %arg7[%get3A_722, %get3A_723] {strides = array<i32>} : memref<1024x64xf32, #tpu.memory_space<vmem>>, vector<1x16xf32>,
        %get3A_725 = vector.shape_cast %get3A_724 : vector<1x16xf32> to vector<16xf32>
        %add3A_726 = arith.constant 10 : i32
        %add3A_727 = arith.addi %multiple_of3A_98, %add3A_726 : i32
        %get3A_728 = arith.index_cast %add3A_727 : i32 to index
        %get3A_729 = arith.constant 32 : index
        %get3A_730 = tpu.vector_load %arg7[%get3A_728, %get3A_729] {strides = array<i32>} : memref<1024x64xf32, #tpu.memory_space<vmem>>, vector<1x16xf32>,
        %get3A_731 = vector.shape_cast %get3A_730 : vector<1x16xf32> to vector<16xf32>
        %add3A_732 = arith.constant 10 : i32
        %add3A_733 = arith.addi %multiple_of3A_98, %add3A_732 : i32
        %get3A_734 = arith.index_cast %add3A_733 : i32 to index
        %get3A_735 = arith.constant 48 : index
        %get3A_736 = tpu.vector_load %arg7[%get3A_734, %get3A_735] {strides = array<i32>} : memref<1024x64xf32, #tpu.memory_space<vmem>>, vector<1x16xf32>,
        %get3A_737 = vector.shape_cast %get3A_736 : vector<1x16xf32> to vector<16xf32>
        %select_n3A_738 = arith.select %ne3A_713, %broadcast_in_dim3A_3, %max3A_679 : vector<16xf32>
        %max3A_739 = arith.maximumf %select_n3A_738, %get3A_719 : vector<16xf32>
        %select_n3A_740 = arith.select %ne3A_713, %broadcast_in_dim3A_3, %max3A_681 : vector<16xf32>
        %max3A_741 = arith.maximumf %select_n3A_740, %get3A_725 : vector<16xf32>
        %select_n3A_742 = arith.select %ne3A_713, %broadcast_in_dim3A_3, %max3A_683 : vector<16xf32>
        %max3A_743 = arith.maximumf %select_n3A_742, %get3A_731 : vector<16xf32>
        %select_n3A_744 = arith.select %ne3A_713, %broadcast_in_dim3A_3, %max3A_685 : vector<16xf32>
        %max3A_745 = arith.maximumf %select_n3A_744, %get3A_737 : vector<16xf32>
        %mul3A_746 = arith.constant 64 : i32
        %mul3A_747 = arith.muli %squeeze3A_712, %mul3A_746 : i32
        %multiple_of3A_748 = tpu.assume_multiple %mul3A_747, 8 : i32
        %swap3A_749 = arith.index_cast %multiple_of3A_748 : i32 to index
        %swap3A_750 = tpu.vector_load %arg9[%swap3A_749] {strides = array<i32>} : memref<20096xf32, #tpu.memory_space<vmem>>, vector<16xf32>,
        %swap3A_751 = vector.shape_cast %swap3A_750 : vector<16xf32> to vector<16xf32>
        %swap3A_752 = vector.shape_cast %max3A_739 : vector<16xf32> to vector<16xf32>
        tpu.vector_store %arg9[%swap3A_749], %swap3A_752 {strides = array<i32>} : memref<20096xf32, #tpu.memory_space<vmem>>, vector<16xf32>,
        %add3A_753 = arith.constant 16 : i32
        %add3A_754 = arith.addi %multiple_of3A_748, %add3A_753 : i32
        %swap3A_755 = arith.index_cast %add3A_754 : i32 to index
        %swap3A_756 = tpu.vector_load %arg9[%swap3A_755] {strides = array<i32>} : memref<20096xf32, #tpu.memory_space<vmem>>, vector<16xf32>,
        %swap3A_757 = vector.shape_cast %swap3A_756 : vector<16xf32> to vector<16xf32>
        %swap3A_758 = vector.shape_cast %max3A_741 : vector<16xf32> to vector<16xf32>
        tpu.vector_store %arg9[%swap3A_755], %swap3A_758 {strides = array<i32>} : memref<20096xf32, #tpu.memory_space<vmem>>, vector<16xf32>,
        %add3A_759 = arith.constant 32 : i32
        %add3A_760 = arith.addi %multiple_of3A_748, %add3A_759 : i32
        %swap3A_761 = arith.index_cast %add3A_760 : i32 to index
        %swap3A_762 = tpu.vector_load %arg9[%swap3A_761] {strides = array<i32>} : memref<20096xf32, #tpu.memory_space<vmem>>, vector<16xf32>,
        %swap3A_763 = vector.shape_cast %swap3A_762 : vector<16xf32> to vector<16xf32>
        %swap3A_764 = vector.shape_cast %max3A_743 : vector<16xf32> to vector<16xf32>
        tpu.vector_store %arg9[%swap3A_761], %swap3A_764 {strides = array<i32>} : memref<20096xf32, #tpu.memory_space<vmem>>, vector<16xf32>,
        %add3A_765 = arith.constant 48 : i32
        %add3A_766 = arith.addi %multiple_of3A_748, %add3A_765 : i32
        %swap3A_767 = arith.index_cast %add3A_766 : i32 to index
        %swap3A_768 = tpu.vector_load %arg9[%swap3A_767] {strides = array<i32>} : memref<20096xf32, #tpu.memory_space<vmem>>, vector<16xf32>,
        %swap3A_769 = vector.shape_cast %swap3A_768 : vector<16xf32> to vector<16xf32>
        %swap3A_770 = vector.shape_cast %max3A_745 : vector<16xf32> to vector<16xf32>
        tpu.vector_store %arg9[%swap3A_767], %swap3A_770 {strides = array<i32>} : memref<20096xf32, #tpu.memory_space<vmem>>, vector<16xf32>,
        %slice3A_771 = vector.extract_strided_slice %select_n3A_112 {offsets = [11], sizes = [1], strides = [1]} : vector<16xi32> to vector<1xi32>
        %squeeze3A_772 = vector.extract %slice3A_771[0] : i32 from vector<1xi32>
        %ne3A_773 = arith.cmpi ne, %squeeze3A_772, %squeeze3A_712 : i32
        %add3A_774 = arith.constant 11 : i32
        %add3A_775 = arith.addi %multiple_of3A_98, %add3A_774 : i32
        %get3A_776 = arith.index_cast %add3A_775 : i32 to index
        %get3A_777 = arith.constant 0 : index
        %get3A_778 = tpu.vector_load %arg7[%get3A_776, %get3A_777] {strides = array<i32>} : memref<1024x64xf32, #tpu.memory_space<vmem>>, vector<1x16xf32>,
        %get3A_779 = vector.shape_cast %get3A_778 : vector<1x16xf32> to vector<16xf32>
        %add3A_780 = arith.constant 11 : i32
        %add3A_781 = arith.addi %multiple_of3A_98, %add3A_780 : i32
        %get3A_782 = arith.index_cast %add3A_781 : i32 to index
        %get3A_783 = arith.constant 16 : index
        %get3A_784 = tpu.vector_load %arg7[%get3A_782, %get3A_783] {strides = array<i32>} : memref<1024x64xf32, #tpu.memory_space<vmem>>, vector<1x16xf32>,
        %get3A_785 = vector.shape_cast %get3A_784 : vector<1x16xf32> to vector<16xf32>
        %add3A_786 = arith.constant 11 : i32
        %add3A_787 = arith.addi %multiple_of3A_98, %add3A_786 : i32
        %get3A_788 = arith.index_cast %add3A_787 : i32 to index
        %get3A_789 = arith.constant 32 : index
        %get3A_790 = tpu.vector_load %arg7[%get3A_788, %get3A_789] {strides = array<i32>} : memref<1024x64xf32, #tpu.memory_space<vmem>>, vector<1x16xf32>,
        %get3A_791 = vector.shape_cast %get3A_790 : vector<1x16xf32> to vector<16xf32>
        %add3A_792 = arith.constant 11 : i32
        %add3A_793 = arith.addi %multiple_of3A_98, %add3A_792 : i32
        %get3A_794 = arith.index_cast %add3A_793 : i32 to index
        %get3A_795 = arith.constant 48 : index
        %get3A_796 = tpu.vector_load %arg7[%get3A_794, %get3A_795] {strides = array<i32>} : memref<1024x64xf32, #tpu.memory_space<vmem>>, vector<1x16xf32>,
        %get3A_797 = vector.shape_cast %get3A_796 : vector<1x16xf32> to vector<16xf32>
        %select_n3A_798 = arith.select %ne3A_773, %broadcast_in_dim3A_3, %max3A_739 : vector<16xf32>
        %max3A_799 = arith.maximumf %select_n3A_798, %get3A_779 : vector<16xf32>
        %select_n3A_800 = arith.select %ne3A_773, %broadcast_in_dim3A_3, %max3A_741 : vector<16xf32>
        %max3A_801 = arith.maximumf %select_n3A_800, %get3A_785 : vector<16xf32>
        %select_n3A_802 = arith.select %ne3A_773, %broadcast_in_dim3A_3, %max3A_743 : vector<16xf32>
        %max3A_803 = arith.maximumf %select_n3A_802, %get3A_791 : vector<16xf32>
        %select_n3A_804 = arith.select %ne3A_773, %broadcast_in_dim3A_3, %max3A_745 : vector<16xf32>
        %max3A_805 = arith.maximumf %select_n3A_804, %get3A_797 : vector<16xf32>
        %mul3A_806 = arith.constant 64 : i32
        %mul3A_807 = arith.muli %squeeze3A_772, %mul3A_806 : i32
        %multiple_of3A_808 = tpu.assume_multiple %mul3A_807, 8 : i32
        %swap3A_809 = arith.index_cast %multiple_of3A_808 : i32 to index
        %swap3A_810 = tpu.vector_load %arg9[%swap3A_809] {strides = array<i32>} : memref<20096xf32, #tpu.memory_space<vmem>>, vector<16xf32>,
        %swap3A_811 = vector.shape_cast %swap3A_810 : vector<16xf32> to vector<16xf32>
        %swap3A_812 = vector.shape_cast %max3A_799 : vector<16xf32> to vector<16xf32>
        tpu.vector_store %arg9[%swap3A_809], %swap3A_812 {strides = array<i32>} : memref<20096xf32, #tpu.memory_space<vmem>>, vector<16xf32>,
        %add3A_813 = arith.constant 16 : i32
        %add3A_814 = arith.addi %multiple_of3A_808, %add3A_813 : i32
        %swap3A_815 = arith.index_cast %add3A_814 : i32 to index
        %swap3A_816 = tpu.vector_load %arg9[%swap3A_815] {strides = array<i32>} : memref<20096xf32, #tpu.memory_space<vmem>>, vector<16xf32>,
        %swap3A_817 = vector.shape_cast %swap3A_816 : vector<16xf32> to vector<16xf32>
        %swap3A_818 = vector.shape_cast %max3A_801 : vector<16xf32> to vector<16xf32>
        tpu.vector_store %arg9[%swap3A_815], %swap3A_818 {strides = array<i32>} : memref<20096xf32, #tpu.memory_space<vmem>>, vector<16xf32>,
        %add3A_819 = arith.constant 32 : i32
        %add3A_820 = arith.addi %multiple_of3A_808, %add3A_819 : i32
        %swap3A_821 = arith.index_cast %add3A_820 : i32 to index
        %swap3A_822 = tpu.vector_load %arg9[%swap3A_821] {strides = array<i32>} : memref<20096xf32, #tpu.memory_space<vmem>>, vector<16xf32>,
        %swap3A_823 = vector.shape_cast %swap3A_822 : vector<16xf32> to vector<16xf32>
        %swap3A_824 = vector.shape_cast %max3A_803 : vector<16xf32> to vector<16xf32>
        tpu.vector_store %arg9[%swap3A_821], %swap3A_824 {strides = array<i32>} : memref<20096xf32, #tpu.memory_space<vmem>>, vector<16xf32>,
        %add3A_825 = arith.constant 48 : i32
        %add3A_826 = arith.addi %multiple_of3A_808, %add3A_825 : i32
        %swap3A_827 = arith.index_cast %add3A_826 : i32 to index
        %swap3A_828 = tpu.vector_load %arg9[%swap3A_827] {strides = array<i32>} : memref<20096xf32, #tpu.memory_space<vmem>>, vector<16xf32>,
        %swap3A_829 = vector.shape_cast %swap3A_828 : vector<16xf32> to vector<16xf32>
        %swap3A_830 = vector.shape_cast %max3A_805 : vector<16xf32> to vector<16xf32>
        tpu.vector_store %arg9[%swap3A_827], %swap3A_830 {strides = array<i32>} : memref<20096xf32, #tpu.memory_space<vmem>>, vector<16xf32>,
        %slice3A_831 = vector.extract_strided_slice %select_n3A_112 {offsets = [12], sizes = [1], strides = [1]} : vector<16xi32> to vector<1xi32>
        %squeeze3A_832 = vector.extract %slice3A_831[0] : i32 from vector<1xi32>
        %ne3A_833 = arith.cmpi ne, %squeeze3A_832, %squeeze3A_772 : i32
        %add3A_834 = arith.constant 12 : i32
        %add3A_835 = arith.addi %multiple_of3A_98, %add3A_834 : i32
        %get3A_836 = arith.index_cast %add3A_835 : i32 to index
        %get3A_837 = arith.constant 0 : index
        %get3A_838 = tpu.vector_load %arg7[%get3A_836, %get3A_837] {strides = array<i32>} : memref<1024x64xf32, #tpu.memory_space<vmem>>, vector<1x16xf32>,
        %get3A_839 = vector.shape_cast %get3A_838 : vector<1x16xf32> to vector<16xf32>
        %add3A_840 = arith.constant 12 : i32
        %add3A_841 = arith.addi %multiple_of3A_98, %add3A_840 : i32
        %get3A_842 = arith.index_cast %add3A_841 : i32 to index
        %get3A_843 = arith.constant 16 : index
        %get3A_844 = tpu.vector_load %arg7[%get3A_842, %get3A_843] {strides = array<i32>} : memref<1024x64xf32, #tpu.memory_space<vmem>>, vector<1x16xf32>,
        %get3A_845 = vector.shape_cast %get3A_844 : vector<1x16xf32> to vector<16xf32>
        %add3A_846 = arith.constant 12 : i32
        %add3A_847 = arith.addi %multiple_of3A_98, %add3A_846 : i32
        %get3A_848 = arith.index_cast %add3A_847 : i32 to index
        %get3A_849 = arith.constant 32 : index
        %get3A_850 = tpu.vector_load %arg7[%get3A_848, %get3A_849] {strides = array<i32>} : memref<1024x64xf32, #tpu.memory_space<vmem>>, vector<1x16xf32>,
        %get3A_851 = vector.shape_cast %get3A_850 : vector<1x16xf32> to vector<16xf32>
        %add3A_852 = arith.constant 12 : i32
        %add3A_853 = arith.addi %multiple_of3A_98, %add3A_852 : i32
        %get3A_854 = arith.index_cast %add3A_853 : i32 to index
        %get3A_855 = arith.constant 48 : index
        %get3A_856 = tpu.vector_load %arg7[%get3A_854, %get3A_855] {strides = array<i32>} : memref<1024x64xf32, #tpu.memory_space<vmem>>, vector<1x16xf32>,
        %get3A_857 = vector.shape_cast %get3A_856 : vector<1x16xf32> to vector<16xf32>
        %select_n3A_858 = arith.select %ne3A_833, %broadcast_in_dim3A_3, %max3A_799 : vector<16xf32>
        %max3A_859 = arith.maximumf %select_n3A_858, %get3A_839 : vector<16xf32>
        %select_n3A_860 = arith.select %ne3A_833, %broadcast_in_dim3A_3, %max3A_801 : vector<16xf32>
        %max3A_861 = arith.maximumf %select_n3A_860, %get3A_845 : vector<16xf32>
        %select_n3A_862 = arith.select %ne3A_833, %broadcast_in_dim3A_3, %max3A_803 : vector<16xf32>
        %max3A_863 = arith.maximumf %select_n3A_862, %get3A_851 : vector<16xf32>
        %select_n3A_864 = arith.select %ne3A_833, %broadcast_in_dim3A_3, %max3A_805 : vector<16xf32>
        %max3A_865 = arith.maximumf %select_n3A_864, %get3A_857 : vector<16xf32>
        %mul3A_866 = arith.constant 64 : i32
        %mul3A_867 = arith.muli %squeeze3A_832, %mul3A_866 : i32
        %multiple_of3A_868 = tpu.assume_multiple %mul3A_867, 8 : i32
        %swap3A_869 = arith.index_cast %multiple_of3A_868 : i32 to index
        %swap3A_870 = tpu.vector_load %arg9[%swap3A_869] {strides = array<i32>} : memref<20096xf32, #tpu.memory_space<vmem>>, vector<16xf32>,
        %swap3A_871 = vector.shape_cast %swap3A_870 : vector<16xf32> to vector<16xf32>
        %swap3A_872 = vector.shape_cast %max3A_859 : vector<16xf32> to vector<16xf32>
        tpu.vector_store %arg9[%swap3A_869], %swap3A_872 {strides = array<i32>} : memref<20096xf32, #tpu.memory_space<vmem>>, vector<16xf32>,
        %add3A_873 = arith.constant 16 : i32
        %add3A_874 = arith.addi %multiple_of3A_868, %add3A_873 : i32
        %swap3A_875 = arith.index_cast %add3A_874 : i32 to index
        %swap3A_876 = tpu.vector_load %arg9[%swap3A_875] {strides = array<i32>} : memref<20096xf32, #tpu.memory_space<vmem>>, vector<16xf32>,
        %swap3A_877 = vector.shape_cast %swap3A_876 : vector<16xf32> to vector<16xf32>
        %swap3A_878 = vector.shape_cast %max3A_861 : vector<16xf32> to vector<16xf32>
        tpu.vector_store %arg9[%swap3A_875], %swap3A_878 {strides = array<i32>} : memref<20096xf32, #tpu.memory_space<vmem>>, vector<16xf32>,
        %add3A_879 = arith.constant 32 : i32
        %add3A_880 = arith.addi %multiple_of3A_868, %add3A_879 : i32
        %swap3A_881 = arith.index_cast %add3A_880 : i32 to index
        %swap3A_882 = tpu.vector_load %arg9[%swap3A_881] {strides = array<i32>} : memref<20096xf32, #tpu.memory_space<vmem>>, vector<16xf32>,
        %swap3A_883 = vector.shape_cast %swap3A_882 : vector<16xf32> to vector<16xf32>
        %swap3A_884 = vector.shape_cast %max3A_863 : vector<16xf32> to vector<16xf32>
        tpu.vector_store %arg9[%swap3A_881], %swap3A_884 {strides = array<i32>} : memref<20096xf32, #tpu.memory_space<vmem>>, vector<16xf32>,
        %add3A_885 = arith.constant 48 : i32
        %add3A_886 = arith.addi %multiple_of3A_868, %add3A_885 : i32
        %swap3A_887 = arith.index_cast %add3A_886 : i32 to index
        %swap3A_888 = tpu.vector_load %arg9[%swap3A_887] {strides = array<i32>} : memref<20096xf32, #tpu.memory_space<vmem>>, vector<16xf32>,
        %swap3A_889 = vector.shape_cast %swap3A_888 : vector<16xf32> to vector<16xf32>
        %swap3A_890 = vector.shape_cast %max3A_865 : vector<16xf32> to vector<16xf32>
        tpu.vector_store %arg9[%swap3A_887], %swap3A_890 {strides = array<i32>} : memref<20096xf32, #tpu.memory_space<vmem>>, vector<16xf32>,
        %slice3A_891 = vector.extract_strided_slice %select_n3A_112 {offsets = [13], sizes = [1], strides = [1]} : vector<16xi32> to vector<1xi32>
        %squeeze3A_892 = vector.extract %slice3A_891[0] : i32 from vector<1xi32>
        %ne3A_893 = arith.cmpi ne, %squeeze3A_892, %squeeze3A_832 : i32
        %add3A_894 = arith.constant 13 : i32
        %add3A_895 = arith.addi %multiple_of3A_98, %add3A_894 : i32
        %get3A_896 = arith.index_cast %add3A_895 : i32 to index
        %get3A_897 = arith.constant 0 : index
        %get3A_898 = tpu.vector_load %arg7[%get3A_896, %get3A_897] {strides = array<i32>} : memref<1024x64xf32, #tpu.memory_space<vmem>>, vector<1x16xf32>,
        %get3A_899 = vector.shape_cast %get3A_898 : vector<1x16xf32> to vector<16xf32>
        %add3A_900 = arith.constant 13 : i32
        %add3A_901 = arith.addi %multiple_of3A_98, %add3A_900 : i32
        %get3A_902 = arith.index_cast %add3A_901 : i32 to index
        %get3A_903 = arith.constant 16 : index
        %get3A_904 = tpu.vector_load %arg7[%get3A_902, %get3A_903] {strides = array<i32>} : memref<1024x64xf32, #tpu.memory_space<vmem>>, vector<1x16xf32>,
        %get3A_905 = vector.shape_cast %get3A_904 : vector<1x16xf32> to vector<16xf32>
        %add3A_906 = arith.constant 13 : i32
        %add3A_907 = arith.addi %multiple_of3A_98, %add3A_906 : i32
        %get3A_908 = arith.index_cast %add3A_907 : i32 to index
        %get3A_909 = arith.constant 32 : index
        %get3A_910 = tpu.vector_load %arg7[%get3A_908, %get3A_909] {strides = array<i32>} : memref<1024x64xf32, #tpu.memory_space<vmem>>, vector<1x16xf32>,
        %get3A_911 = vector.shape_cast %get3A_910 : vector<1x16xf32> to vector<16xf32>
        %add3A_912 = arith.constant 13 : i32
        %add3A_913 = arith.addi %multiple_of3A_98, %add3A_912 : i32
        %get3A_914 = arith.index_cast %add3A_913 : i32 to index
        %get3A_915 = arith.constant 48 : index
        %get3A_916 = tpu.vector_load %arg7[%get3A_914, %get3A_915] {strides = array<i32>} : memref<1024x64xf32, #tpu.memory_space<vmem>>, vector<1x16xf32>,
        %get3A_917 = vector.shape_cast %get3A_916 : vector<1x16xf32> to vector<16xf32>
        %select_n3A_918 = arith.select %ne3A_893, %broadcast_in_dim3A_3, %max3A_859 : vector<16xf32>
        %max3A_919 = arith.maximumf %select_n3A_918, %get3A_899 : vector<16xf32>
        %select_n3A_920 = arith.select %ne3A_893, %broadcast_in_dim3A_3, %max3A_861 : vector<16xf32>
        %max3A_921 = arith.maximumf %select_n3A_920, %get3A_905 : vector<16xf32>
        %select_n3A_922 = arith.select %ne3A_893, %broadcast_in_dim3A_3, %max3A_863 : vector<16xf32>
        %max3A_923 = arith.maximumf %select_n3A_922, %get3A_911 : vector<16xf32>
        %select_n3A_924 = arith.select %ne3A_893, %broadcast_in_dim3A_3, %max3A_865 : vector<16xf32>
        %max3A_925 = arith.maximumf %select_n3A_924, %get3A_917 : vector<16xf32>
        %mul3A_926 = arith.constant 64 : i32
        %mul3A_927 = arith.muli %squeeze3A_892, %mul3A_926 : i32
        %multiple_of3A_928 = tpu.assume_multiple %mul3A_927, 8 : i32
        %swap3A_929 = arith.index_cast %multiple_of3A_928 : i32 to index
        %swap3A_930 = tpu.vector_load %arg9[%swap3A_929] {strides = array<i32>} : memref<20096xf32, #tpu.memory_space<vmem>>, vector<16xf32>,
        %swap3A_931 = vector.shape_cast %swap3A_930 : vector<16xf32> to vector<16xf32>
        %swap3A_932 = vector.shape_cast %max3A_919 : vector<16xf32> to vector<16xf32>
        tpu.vector_store %arg9[%swap3A_929], %swap3A_932 {strides = array<i32>} : memref<20096xf32, #tpu.memory_space<vmem>>, vector<16xf32>,
        %add3A_933 = arith.constant 16 : i32
        %add3A_934 = arith.addi %multiple_of3A_928, %add3A_933 : i32
        %swap3A_935 = arith.index_cast %add3A_934 : i32 to index
        %swap3A_936 = tpu.vector_load %arg9[%swap3A_935] {strides = array<i32>} : memref<20096xf32, #tpu.memory_space<vmem>>, vector<16xf32>,
        %swap3A_937 = vector.shape_cast %swap3A_936 : vector<16xf32> to vector<16xf32>
        %swap3A_938 = vector.shape_cast %max3A_921 : vector<16xf32> to vector<16xf32>
        tpu.vector_store %arg9[%swap3A_935], %swap3A_938 {strides = array<i32>} : memref<20096xf32, #tpu.memory_space<vmem>>, vector<16xf32>,
        %add3A_939 = arith.constant 32 : i32
        %add3A_940 = arith.addi %multiple_of3A_928, %add3A_939 : i32
        %swap3A_941 = arith.index_cast %add3A_940 : i32 to index
        %swap3A_942 = tpu.vector_load %arg9[%swap3A_941] {strides = array<i32>} : memref<20096xf32, #tpu.memory_space<vmem>>, vector<16xf32>,
        %swap3A_943 = vector.shape_cast %swap3A_942 : vector<16xf32> to vector<16xf32>
        %swap3A_944 = vector.shape_cast %max3A_923 : vector<16xf32> to vector<16xf32>
        tpu.vector_store %arg9[%swap3A_941], %swap3A_944 {strides = array<i32>} : memref<20096xf32, #tpu.memory_space<vmem>>, vector<16xf32>,
        %add3A_945 = arith.constant 48 : i32
        %add3A_946 = arith.addi %multiple_of3A_928, %add3A_945 : i32
        %swap3A_947 = arith.index_cast %add3A_946 : i32 to index
        %swap3A_948 = tpu.vector_load %arg9[%swap3A_947] {strides = array<i32>} : memref<20096xf32, #tpu.memory_space<vmem>>, vector<16xf32>,
        %swap3A_949 = vector.shape_cast %swap3A_948 : vector<16xf32> to vector<16xf32>
        %swap3A_950 = vector.shape_cast %max3A_925 : vector<16xf32> to vector<16xf32>
        tpu.vector_store %arg9[%swap3A_947], %swap3A_950 {strides = array<i32>} : memref<20096xf32, #tpu.memory_space<vmem>>, vector<16xf32>,
        %slice3A_951 = vector.extract_strided_slice %select_n3A_112 {offsets = [14], sizes = [1], strides = [1]} : vector<16xi32> to vector<1xi32>
        %squeeze3A_952 = vector.extract %slice3A_951[0] : i32 from vector<1xi32>
        %ne3A_953 = arith.cmpi ne, %squeeze3A_952, %squeeze3A_892 : i32
        %add3A_954 = arith.constant 14 : i32
        %add3A_955 = arith.addi %multiple_of3A_98, %add3A_954 : i32
        %get3A_956 = arith.index_cast %add3A_955 : i32 to index
        %get3A_957 = arith.constant 0 : index
        %get3A_958 = tpu.vector_load %arg7[%get3A_956, %get3A_957] {strides = array<i32>} : memref<1024x64xf32, #tpu.memory_space<vmem>>, vector<1x16xf32>,
        %get3A_959 = vector.shape_cast %get3A_958 : vector<1x16xf32> to vector<16xf32>
        %add3A_960 = arith.constant 14 : i32
        %add3A_961 = arith.addi %multiple_of3A_98, %add3A_960 : i32
        %get3A_962 = arith.index_cast %add3A_961 : i32 to index
        %get3A_963 = arith.constant 16 : index
        %get3A_964 = tpu.vector_load %arg7[%get3A_962, %get3A_963] {strides = array<i32>} : memref<1024x64xf32, #tpu.memory_space<vmem>>, vector<1x16xf32>,
        %get3A_965 = vector.shape_cast %get3A_964 : vector<1x16xf32> to vector<16xf32>
        %add3A_966 = arith.constant 14 : i32
        %add3A_967 = arith.addi %multiple_of3A_98, %add3A_966 : i32
        %get3A_968 = arith.index_cast %add3A_967 : i32 to index
        %get3A_969 = arith.constant 32 : index
        %get3A_970 = tpu.vector_load %arg7[%get3A_968, %get3A_969] {strides = array<i32>} : memref<1024x64xf32, #tpu.memory_space<vmem>>, vector<1x16xf32>,
        %get3A_971 = vector.shape_cast %get3A_970 : vector<1x16xf32> to vector<16xf32>
        %add3A_972 = arith.constant 14 : i32
        %add3A_973 = arith.addi %multiple_of3A_98, %add3A_972 : i32
        %get3A_974 = arith.index_cast %add3A_973 : i32 to index
        %get3A_975 = arith.constant 48 : index
        %get3A_976 = tpu.vector_load %arg7[%get3A_974, %get3A_975] {strides = array<i32>} : memref<1024x64xf32, #tpu.memory_space<vmem>>, vector<1x16xf32>,
        %get3A_977 = vector.shape_cast %get3A_976 : vector<1x16xf32> to vector<16xf32>
        %select_n3A_978 = arith.select %ne3A_953, %broadcast_in_dim3A_3, %max3A_919 : vector<16xf32>
        %max3A_979 = arith.maximumf %select_n3A_978, %get3A_959 : vector<16xf32>
        %select_n3A_980 = arith.select %ne3A_953, %broadcast_in_dim3A_3, %max3A_921 : vector<16xf32>
        %max3A_981 = arith.maximumf %select_n3A_980, %get3A_965 : vector<16xf32>
        %select_n3A_982 = arith.select %ne3A_953, %broadcast_in_dim3A_3, %max3A_923 : vector<16xf32>
        %max3A_983 = arith.maximumf %select_n3A_982, %get3A_971 : vector<16xf32>
        %select_n3A_984 = arith.select %ne3A_953, %broadcast_in_dim3A_3, %max3A_925 : vector<16xf32>
        %max3A_985 = arith.maximumf %select_n3A_984, %get3A_977 : vector<16xf32>
        %mul3A_986 = arith.constant 64 : i32
        %mul3A_987 = arith.muli %squeeze3A_952, %mul3A_986 : i32
        %multiple_of3A_988 = tpu.assume_multiple %mul3A_987, 8 : i32
        %swap3A_989 = arith.index_cast %multiple_of3A_988 : i32 to index
        %swap3A_990 = tpu.vector_load %arg9[%swap3A_989] {strides = array<i32>} : memref<20096xf32, #tpu.memory_space<vmem>>, vector<16xf32>,
        %swap3A_991 = vector.shape_cast %swap3A_990 : vector<16xf32> to vector<16xf32>
        %swap3A_992 = vector.shape_cast %max3A_979 : vector<16xf32> to vector<16xf32>
        tpu.vector_store %arg9[%swap3A_989], %swap3A_992 {strides = array<i32>} : memref<20096xf32, #tpu.memory_space<vmem>>, vector<16xf32>,
        %add3A_993 = arith.constant 16 : i32
        %add3A_994 = arith.addi %multiple_of3A_988, %add3A_993 : i32
        %swap3A_995 = arith.index_cast %add3A_994 : i32 to index
        %swap3A_996 = tpu.vector_load %arg9[%swap3A_995] {strides = array<i32>} : memref<20096xf32, #tpu.memory_space<vmem>>, vector<16xf32>,
        %swap3A_997 = vector.shape_cast %swap3A_996 : vector<16xf32> to vector<16xf32>
        %swap3A_998 = vector.shape_cast %max3A_981 : vector<16xf32> to vector<16xf32>
        tpu.vector_store %arg9[%swap3A_995], %swap3A_998 {strides = array<i32>} : memref<20096xf32, #tpu.memory_space<vmem>>, vector<16xf32>,
        %add3A_999 = arith.constant 32 : i32
        %add3A_1000 = arith.addi %multiple_of3A_988, %add3A_999 : i32
        %swap3A_1001 = arith.index_cast %add3A_1000 : i32 to index
        %swap3A_1002 = tpu.vector_load %arg9[%swap3A_1001] {strides = array<i32>} : memref<20096xf32, #tpu.memory_space<vmem>>, vector<16xf32>,
        %swap3A_1003 = vector.shape_cast %swap3A_1002 : vector<16xf32> to vector<16xf32>
        %swap3A_1004 = vector.shape_cast %max3A_983 : vector<16xf32> to vector<16xf32>
        tpu.vector_store %arg9[%swap3A_1001], %swap3A_1004 {strides = array<i32>} : memref<20096xf32, #tpu.memory_space<vmem>>, vector<16xf32>,
        %add3A_1005 = arith.constant 48 : i32
        %add3A_1006 = arith.addi %multiple_of3A_988, %add3A_1005 : i32
        %swap3A_1007 = arith.index_cast %add3A_1006 : i32 to index
        %swap3A_1008 = tpu.vector_load %arg9[%swap3A_1007] {strides = array<i32>} : memref<20096xf32, #tpu.memory_space<vmem>>, vector<16xf32>,
        %swap3A_1009 = vector.shape_cast %swap3A_1008 : vector<16xf32> to vector<16xf32>
        %swap3A_1010 = vector.shape_cast %max3A_985 : vector<16xf32> to vector<16xf32>
        tpu.vector_store %arg9[%swap3A_1007], %swap3A_1010 {strides = array<i32>} : memref<20096xf32, #tpu.memory_space<vmem>>, vector<16xf32>,
        %slice3A_1011 = vector.extract_strided_slice %select_n3A_112 {offsets = [15], sizes = [1], strides = [1]} : vector<16xi32> to vector<1xi32>
        %squeeze3A_1012 = vector.extract %slice3A_1011[0] : i32 from vector<1xi32>
        %ne3A_1013 = arith.cmpi ne, %squeeze3A_1012, %squeeze3A_952 : i32
        %add3A_1014 = arith.constant 15 : i32
        %add3A_1015 = arith.addi %multiple_of3A_98, %add3A_1014 : i32
        %get3A_1016 = arith.index_cast %add3A_1015 : i32 to index
        %get3A_1017 = arith.constant 0 : index
        %get3A_1018 = tpu.vector_load %arg7[%get3A_1016, %get3A_1017] {strides = array<i32>} : memref<1024x64xf32, #tpu.memory_space<vmem>>, vector<1x16xf32>,
        %get3A_1019 = vector.shape_cast %get3A_1018 : vector<1x16xf32> to vector<16xf32>
        %add3A_1020 = arith.constant 15 : i32
        %add3A_1021 = arith.addi %multiple_of3A_98, %add3A_1020 : i32
        %get3A_1022 = arith.index_cast %add3A_1021 : i32 to index
        %get3A_1023 = arith.constant 16 : index
        %get3A_1024 = tpu.vector_load %arg7[%get3A_1022, %get3A_1023] {strides = array<i32>} : memref<1024x64xf32, #tpu.memory_space<vmem>>, vector<1x16xf32>,
        %get3A_1025 = vector.shape_cast %get3A_1024 : vector<1x16xf32> to vector<16xf32>
        %add3A_1026 = arith.constant 15 : i32
        %add3A_1027 = arith.addi %multiple_of3A_98, %add3A_1026 : i32
        %get3A_1028 = arith.index_cast %add3A_1027 : i32 to index
        %get3A_1029 = arith.constant 32 : index
        %get3A_1030 = tpu.vector_load %arg7[%get3A_1028, %get3A_1029] {strides = array<i32>} : memref<1024x64xf32, #tpu.memory_space<vmem>>, vector<1x16xf32>,
        %get3A_1031 = vector.shape_cast %get3A_1030 : vector<1x16xf32> to vector<16xf32>
        %add3A_1032 = arith.constant 15 : i32
        %add3A_1033 = arith.addi %multiple_of3A_98, %add3A_1032 : i32
        %get3A_1034 = arith.index_cast %add3A_1033 : i32 to index
        %get3A_1035 = arith.constant 48 : index
        %get3A_1036 = tpu.vector_load %arg7[%get3A_1034, %get3A_1035] {strides = array<i32>} : memref<1024x64xf32, #tpu.memory_space<vmem>>, vector<1x16xf32>,
        %get3A_1037 = vector.shape_cast %get3A_1036 : vector<1x16xf32> to vector<16xf32>
        %select_n3A_1038 = arith.select %ne3A_1013, %broadcast_in_dim3A_3, %max3A_979 : vector<16xf32>
        %max3A_1039 = arith.maximumf %select_n3A_1038, %get3A_1019 : vector<16xf32>
        %select_n3A_1040 = arith.select %ne3A_1013, %broadcast_in_dim3A_3, %max3A_981 : vector<16xf32>
        %max3A_1041 = arith.maximumf %select_n3A_1040, %get3A_1025 : vector<16xf32>
        %select_n3A_1042 = arith.select %ne3A_1013, %broadcast_in_dim3A_3, %max3A_983 : vector<16xf32>
        %max3A_1043 = arith.maximumf %select_n3A_1042, %get3A_1031 : vector<16xf32>
        %select_n3A_1044 = arith.select %ne3A_1013, %broadcast_in_dim3A_3, %max3A_985 : vector<16xf32>
        %max3A_1045 = arith.maximumf %select_n3A_1044, %get3A_1037 : vector<16xf32>
        %mul3A_1046 = arith.constant 64 : i32
        %mul3A_1047 = arith.muli %squeeze3A_1012, %mul3A_1046 : i32
        %multiple_of3A_1048 = tpu.assume_multiple %mul3A_1047, 8 : i32
        %swap3A_1049 = arith.index_cast %multiple_of3A_1048 : i32 to index
        %swap3A_1050 = tpu.vector_load %arg9[%swap3A_1049] {strides = array<i32>} : memref<20096xf32, #tpu.memory_space<vmem>>, vector<16xf32>,
        %swap3A_1051 = vector.shape_cast %swap3A_1050 : vector<16xf32> to vector<16xf32>
        %swap3A_1052 = vector.shape_cast %max3A_1039 : vector<16xf32> to vector<16xf32>
        tpu.vector_store %arg9[%swap3A_1049], %swap3A_1052 {strides = array<i32>} : memref<20096xf32, #tpu.memory_space<vmem>>, vector<16xf32>,
        %add3A_1053 = arith.constant 16 : i32
        %add3A_1054 = arith.addi %multiple_of3A_1048, %add3A_1053 : i32
        %swap3A_1055 = arith.index_cast %add3A_1054 : i32 to index
        %swap3A_1056 = tpu.vector_load %arg9[%swap3A_1055] {strides = array<i32>} : memref<20096xf32, #tpu.memory_space<vmem>>, vector<16xf32>,
        %swap3A_1057 = vector.shape_cast %swap3A_1056 : vector<16xf32> to vector<16xf32>
        %swap3A_1058 = vector.shape_cast %max3A_1041 : vector<16xf32> to vector<16xf32>
        tpu.vector_store %arg9[%swap3A_1055], %swap3A_1058 {strides = array<i32>} : memref<20096xf32, #tpu.memory_space<vmem>>, vector<16xf32>,
        %add3A_1059 = arith.constant 32 : i32
        %add3A_1060 = arith.addi %multiple_of3A_1048, %add3A_1059 : i32
        %swap3A_1061 = arith.index_cast %add3A_1060 : i32 to index
        %swap3A_1062 = tpu.vector_load %arg9[%swap3A_1061] {strides = array<i32>} : memref<20096xf32, #tpu.memory_space<vmem>>, vector<16xf32>,
        %swap3A_1063 = vector.shape_cast %swap3A_1062 : vector<16xf32> to vector<16xf32>
        %swap3A_1064 = vector.shape_cast %max3A_1043 : vector<16xf32> to vector<16xf32>
        tpu.vector_store %arg9[%swap3A_1061], %swap3A_1064 {strides = array<i32>} : memref<20096xf32, #tpu.memory_space<vmem>>, vector<16xf32>,
        %add3A_1065 = arith.constant 48 : i32
        %add3A_1066 = arith.addi %multiple_of3A_1048, %add3A_1065 : i32
        %swap3A_1067 = arith.index_cast %add3A_1066 : i32 to index
        %swap3A_1068 = tpu.vector_load %arg9[%swap3A_1067] {strides = array<i32>} : memref<20096xf32, #tpu.memory_space<vmem>>, vector<16xf32>,
        %swap3A_1069 = vector.shape_cast %swap3A_1068 : vector<16xf32> to vector<16xf32>
        %swap3A_1070 = vector.shape_cast %max3A_1045 : vector<16xf32> to vector<16xf32>
        tpu.vector_store %arg9[%swap3A_1067], %swap3A_1070 {strides = array<i32>} : memref<20096xf32, #tpu.memory_space<vmem>>, vector<16xf32>,
        scf.yield %squeeze3A_1012, %max3A_1039, %max3A_1041, %max3A_1043, %max3A_1045 : i32, vector<16xf32>, vector<16xf32>, vector<16xf32>, vector<16xf32>
      }
      %scan3A_89 = arith.constant 64 : i32
      scf.yield %scan3A_88#0, %scan3A_88#1, %scan3A_88#2, %scan3A_88#3, %scan3A_88#4 : i32, vector<16xf32>, vector<16xf32>, vector<16xf32>, vector<16xf32>
    }
    %while3A_70 = arith.constant 1 : i32
    %while3A_71:5 = scf.for %while3A_74 = %while3A_67 to %while3A_63 step %while3A_70 iter_args(%while3A_75 = %while3A_69#0, %while3A_76 = %while3A_69#1, %while3A_77 = %while3A_69#2, %while3A_78 = %while3A_69#3, %while3A_79 = %while3A_69#4) -> (i32, vector<16xf32>, vector<16xf32>, vector<16xf32>, vector<16xf32>)  : i32 {
      %mul3A_80 = arith.constant 1024 : i32
      %mul3A_81 = arith.muli %while3A_74, %mul3A_80 : i32
      %add3A_82 = arith.addi %multiple_of3A, %mul3A_81 : i32
      %multiple_of3A_83 = tpu.assume_multiple %add3A_82, 8 : i32
      "tpu.region"() ({
        %run_scoped3A = tpu.sem_alloc : memref<!tpu.dma_semaphore, #tpu.memory_space<semaphore_mem>>
        %dma_start3A = arith.constant 0 : i32
        %dma_start3A_90 = tpu.memref_slice %arg2[%multiple_of3A_83, %dma_start3A] : memref<323200x64xf32, #tpu.memory_space<hbm>> -> memref<1024x64xf32, #tpu.memory_space<hbm>>
        %dma_start3A_91 = arith.constant 0 : i32
        %dma_start3A_92 = tpu.memref_slice %arg2[%multiple_of3A_83, %dma_start3A_91] : memref<323200x64xf32, #tpu.memory_space<hbm>> -> memref<1024x64xf32, #tpu.memory_space<hbm>>
        tpu.enqueue_dma source(%dma_start3A_92 : memref<1024x64xf32, #tpu.memory_space<hbm>>) target(%arg7 : memref<1024x64xf32, #tpu.memory_space<vmem>>) target_semaphore(%run_scoped3A : memref<!tpu.dma_semaphore, #tpu.memory_space<semaphore_mem>>)
        %dma_wait3A = arith.constant 0 : i32
        %dma_wait3A_93 = tpu.memref_slice %arg2[%multiple_of3A_83, %dma_wait3A] : memref<323200x64xf32, #tpu.memory_space<hbm>> -> memref<1024x64xf32, #tpu.memory_space<hbm>>
        %dma_wait3A_94 = arith.constant 0 : i32
        %dma_wait3A_95 = tpu.memref_slice %arg2[%multiple_of3A_83, %dma_wait3A_94] : memref<323200x64xf32, #tpu.memory_space<hbm>> -> memref<1024x64xf32, #tpu.memory_space<hbm>>
        tpu.wait_dma2 semaphore(%run_scoped3A : memref<!tpu.dma_semaphore, #tpu.memory_space<semaphore_mem>>) src(%dma_wait3A_95 : memref<1024x64xf32, #tpu.memory_space<hbm>>) dst(%arg7 : memref<1024x64xf32, #tpu.memory_space<vmem>>)
        tpu.yield
      }) : () -> ()
      "tpu.region"() ({
        %run_scoped3A = tpu.sem_alloc : memref<!tpu.dma_semaphore, #tpu.memory_space<semaphore_mem>>
        %dma_start3A = tpu.memref_slice %arg3[%multiple_of3A_83] : memref<323200xi32, #tpu.memory_space<hbm>> -> memref<1024xi32, #tpu.memory_space<hbm>>
        %dma_start3A_90 = tpu.memref_slice %arg3[%multiple_of3A_83] : memref<323200xi32, #tpu.memory_space<hbm>> -> memref<1024xi32, #tpu.memory_space<hbm>>
        tpu.enqueue_dma source(%dma_start3A_90 : memref<1024xi32, #tpu.memory_space<hbm>>) target(%arg8 : memref<1024xi32, #tpu.memory_space<vmem>>) target_semaphore(%run_scoped3A : memref<!tpu.dma_semaphore, #tpu.memory_space<semaphore_mem>>)
        %dma_wait3A = tpu.memref_slice %arg3[%multiple_of3A_83] : memref<323200xi32, #tpu.memory_space<hbm>> -> memref<1024xi32, #tpu.memory_space<hbm>>
        %dma_wait3A_91 = tpu.memref_slice %arg3[%multiple_of3A_83] : memref<323200xi32, #tpu.memory_space<hbm>> -> memref<1024xi32, #tpu.memory_space<hbm>>
        tpu.wait_dma2 semaphore(%run_scoped3A : memref<!tpu.dma_semaphore, #tpu.memory_space<semaphore_mem>>) src(%dma_wait3A_91 : memref<1024xi32, #tpu.memory_space<hbm>>) dst(%arg8 : memref<1024xi32, #tpu.memory_space<vmem>>)
        tpu.yield
      }) : () -> ()
      %scan3A_84 = arith.constant 0 : i32
      %scan3A_85 = arith.constant 64 : i32
      %scan3A_86 = arith.addi %scan3A_84, %scan3A_85 : i32
      %scan3A_87 = arith.constant 1 : i32
      %scan3A_88:5 = scf.for %scan3A_90 = %scan3A_84 to %scan3A_86 step %scan3A_87 iter_args(%scan3A_91 = %while3A_75, %scan3A_92 = %while3A_76, %scan3A_93 = %while3A_77, %scan3A_94 = %while3A_78, %scan3A_95 = %while3A_79) -> (i32, vector<16xf32>, vector<16xf32>, vector<16xf32>, vector<16xf32>)  : i32 {
        %mul3A_96 = arith.constant 16 : i32
        %mul3A_97 = arith.muli %scan3A_90, %mul3A_96 : i32
        %multiple_of3A_98 = tpu.assume_multiple %mul3A_97, 8 : i32
        %get3A_99 = arith.index_cast %multiple_of3A_98 : i32 to index
        %get3A_100 = tpu.vector_load %arg8[%get3A_99] {strides = array<i32>} : memref<1024xi32, #tpu.memory_space<vmem>>, vector<16xi32>,
        %get3A_101 = vector.shape_cast %get3A_100 : vector<16xi32> to vector<16xi32>
        %add3A_102 = arith.addi %multiple_of3A_83, %multiple_of3A_98 : i32
        %add3A_103 = vector.broadcast %add3A_102 : i32 to vector<16xi32>
        %add3A_104 = arith.addi %add3A_103, %iota3A : vector<16xi32>
        %ge3A = vector.broadcast %squeeze3A : i32 to vector<16xi32>
        %ge3A_105 = arith.cmpi sge, %add3A_104, %ge3A : vector<16xi32>
        %lt3A = vector.broadcast %squeeze3A_7 : i32 to vector<16xi32>
        %lt3A_106 = arith.cmpi slt, %add3A_104, %lt3A : vector<16xi32>
        %and3A_107 = arith.andi %ge3A_105, %lt3A_106 : vector<16xi1>
        %sub3A_108 = vector.broadcast %mul3A_2 : i32 to vector<16xi32>
        %sub3A_109 = arith.subi %get3A_101, %sub3A_108 : vector<16xi32>
        %jit3A_110 = arith.constant 313 : i32
        %broadcast_in_dim3A_111 = vector.broadcast %jit3A_110 : i32 to vector<16xi32>
        %select_n3A_112 = arith.select %and3A_107, %sub3A_109, %broadcast_in_dim3A_111 : vector<16xi1>, vector<16xi32>
        %slice3A_113 = vector.extract_strided_slice %select_n3A_112 {offsets = [0], sizes = [1], strides = [1]} : vector<16xi32> to vector<1xi32>
        %squeeze3A_114 = vector.extract %slice3A_113[0] : i32 from vector<1xi32>
        %ne3A_115 = arith.cmpi ne, %squeeze3A_114, %scan3A_91 : i32
        %add3A_116 = arith.constant 0 : i32
        %add3A_117 = arith.addi %multiple_of3A_98, %add3A_116 : i32
        %get3A_118 = arith.index_cast %add3A_117 : i32 to index
        %get3A_119 = arith.constant 0 : index
        %get3A_120 = tpu.vector_load %arg7[%get3A_118, %get3A_119] {strides = array<i32>} : memref<1024x64xf32, #tpu.memory_space<vmem>>, vector<1x16xf32>,
        %get3A_121 = vector.shape_cast %get3A_120 : vector<1x16xf32> to vector<16xf32>
        %add3A_122 = arith.constant 0 : i32
        %add3A_123 = arith.addi %multiple_of3A_98, %add3A_122 : i32
        %get3A_124 = arith.index_cast %add3A_123 : i32 to index
        %get3A_125 = arith.constant 16 : index
        %get3A_126 = tpu.vector_load %arg7[%get3A_124, %get3A_125] {strides = array<i32>} : memref<1024x64xf32, #tpu.memory_space<vmem>>, vector<1x16xf32>,
        %get3A_127 = vector.shape_cast %get3A_126 : vector<1x16xf32> to vector<16xf32>
        %add3A_128 = arith.constant 0 : i32
        %add3A_129 = arith.addi %multiple_of3A_98, %add3A_128 : i32
        %get3A_130 = arith.index_cast %add3A_129 : i32 to index
        %get3A_131 = arith.constant 32 : index
        %get3A_132 = tpu.vector_load %arg7[%get3A_130, %get3A_131] {strides = array<i32>} : memref<1024x64xf32, #tpu.memory_space<vmem>>, vector<1x16xf32>,
        %get3A_133 = vector.shape_cast %get3A_132 : vector<1x16xf32> to vector<16xf32>
        %add3A_134 = arith.constant 0 : i32
        %add3A_135 = arith.addi %multiple_of3A_98, %add3A_134 : i32
        %get3A_136 = arith.index_cast %add3A_135 : i32 to index
        %get3A_137 = arith.constant 48 : index
        %get3A_138 = tpu.vector_load %arg7[%get3A_136, %get3A_137] {strides = array<i32>} : memref<1024x64xf32, #tpu.memory_space<vmem>>, vector<1x16xf32>,
        %get3A_139 = vector.shape_cast %get3A_138 : vector<1x16xf32> to vector<16xf32>
        %select_n3A_140 = arith.select %ne3A_115, %broadcast_in_dim3A_3, %scan3A_92 : vector<16xf32>
        %max3A = arith.maximumf %select_n3A_140, %get3A_121 : vector<16xf32>
        %select_n3A_141 = arith.select %ne3A_115, %broadcast_in_dim3A_3, %scan3A_93 : vector<16xf32>
        %max3A_142 = arith.maximumf %select_n3A_141, %get3A_127 : vector<16xf32>
        %select_n3A_143 = arith.select %ne3A_115, %broadcast_in_dim3A_3, %scan3A_94 : vector<16xf32>
        %max3A_144 = arith.maximumf %select_n3A_143, %get3A_133 : vector<16xf32>
        %select_n3A_145 = arith.select %ne3A_115, %broadcast_in_dim3A_3, %scan3A_95 : vector<16xf32>
        %max3A_146 = arith.maximumf %select_n3A_145, %get3A_139 : vector<16xf32>
        %mul3A_147 = arith.constant 64 : i32
        %mul3A_148 = arith.muli %squeeze3A_114, %mul3A_147 : i32
        %multiple_of3A_149 = tpu.assume_multiple %mul3A_148, 8 : i32
        %swap3A = arith.index_cast %multiple_of3A_149 : i32 to index
        %swap3A_150 = tpu.vector_load %arg9[%swap3A] {strides = array<i32>} : memref<20096xf32, #tpu.memory_space<vmem>>, vector<16xf32>,
        %swap3A_151 = vector.shape_cast %swap3A_150 : vector<16xf32> to vector<16xf32>
        %swap3A_152 = vector.shape_cast %max3A : vector<16xf32> to vector<16xf32>
        tpu.vector_store %arg9[%swap3A], %swap3A_152 {strides = array<i32>} : memref<20096xf32, #tpu.memory_space<vmem>>, vector<16xf32>,
        %add3A_153 = arith.constant 16 : i32
        %add3A_154 = arith.addi %multiple_of3A_149, %add3A_153 : i32
        %swap3A_155 = arith.index_cast %add3A_154 : i32 to index
        %swap3A_156 = tpu.vector_load %arg9[%swap3A_155] {strides = array<i32>} : memref<20096xf32, #tpu.memory_space<vmem>>, vector<16xf32>,
        %swap3A_157 = vector.shape_cast %swap3A_156 : vector<16xf32> to vector<16xf32>
        %swap3A_158 = vector.shape_cast %max3A_142 : vector<16xf32> to vector<16xf32>
        tpu.vector_store %arg9[%swap3A_155], %swap3A_158 {strides = array<i32>} : memref<20096xf32, #tpu.memory_space<vmem>>, vector<16xf32>,
        %add3A_159 = arith.constant 32 : i32
        %add3A_160 = arith.addi %multiple_of3A_149, %add3A_159 : i32
        %swap3A_161 = arith.index_cast %add3A_160 : i32 to index
        %swap3A_162 = tpu.vector_load %arg9[%swap3A_161] {strides = array<i32>} : memref<20096xf32, #tpu.memory_space<vmem>>, vector<16xf32>,
        %swap3A_163 = vector.shape_cast %swap3A_162 : vector<16xf32> to vector<16xf32>
        %swap3A_164 = vector.shape_cast %max3A_144 : vector<16xf32> to vector<16xf32>
        tpu.vector_store %arg9[%swap3A_161], %swap3A_164 {strides = array<i32>} : memref<20096xf32, #tpu.memory_space<vmem>>, vector<16xf32>,
        %add3A_165 = arith.constant 48 : i32
        %add3A_166 = arith.addi %multiple_of3A_149, %add3A_165 : i32
        %swap3A_167 = arith.index_cast %add3A_166 : i32 to index
        %swap3A_168 = tpu.vector_load %arg9[%swap3A_167] {strides = array<i32>} : memref<20096xf32, #tpu.memory_space<vmem>>, vector<16xf32>,
        %swap3A_169 = vector.shape_cast %swap3A_168 : vector<16xf32> to vector<16xf32>
        %swap3A_170 = vector.shape_cast %max3A_146 : vector<16xf32> to vector<16xf32>
        tpu.vector_store %arg9[%swap3A_167], %swap3A_170 {strides = array<i32>} : memref<20096xf32, #tpu.memory_space<vmem>>, vector<16xf32>,
        %slice3A_171 = vector.extract_strided_slice %select_n3A_112 {offsets = [1], sizes = [1], strides = [1]} : vector<16xi32> to vector<1xi32>
        %squeeze3A_172 = vector.extract %slice3A_171[0] : i32 from vector<1xi32>
        %ne3A_173 = arith.cmpi ne, %squeeze3A_172, %squeeze3A_114 : i32
        %add3A_174 = arith.constant 1 : i32
        %add3A_175 = arith.addi %multiple_of3A_98, %add3A_174 : i32
        %get3A_176 = arith.index_cast %add3A_175 : i32 to index
        %get3A_177 = arith.constant 0 : index
        %get3A_178 = tpu.vector_load %arg7[%get3A_176, %get3A_177] {strides = array<i32>} : memref<1024x64xf32, #tpu.memory_space<vmem>>, vector<1x16xf32>,
        %get3A_179 = vector.shape_cast %get3A_178 : vector<1x16xf32> to vector<16xf32>
        %add3A_180 = arith.constant 1 : i32
        %add3A_181 = arith.addi %multiple_of3A_98, %add3A_180 : i32
        %get3A_182 = arith.index_cast %add3A_181 : i32 to index
        %get3A_183 = arith.constant 16 : index
        %get3A_184 = tpu.vector_load %arg7[%get3A_182, %get3A_183] {strides = array<i32>} : memref<1024x64xf32, #tpu.memory_space<vmem>>, vector<1x16xf32>,
        %get3A_185 = vector.shape_cast %get3A_184 : vector<1x16xf32> to vector<16xf32>
        %add3A_186 = arith.constant 1 : i32
        %add3A_187 = arith.addi %multiple_of3A_98, %add3A_186 : i32
        %get3A_188 = arith.index_cast %add3A_187 : i32 to index
        %get3A_189 = arith.constant 32 : index
        %get3A_190 = tpu.vector_load %arg7[%get3A_188, %get3A_189] {strides = array<i32>} : memref<1024x64xf32, #tpu.memory_space<vmem>>, vector<1x16xf32>,
        %get3A_191 = vector.shape_cast %get3A_190 : vector<1x16xf32> to vector<16xf32>
        %add3A_192 = arith.constant 1 : i32
        %add3A_193 = arith.addi %multiple_of3A_98, %add3A_192 : i32
        %get3A_194 = arith.index_cast %add3A_193 : i32 to index
        %get3A_195 = arith.constant 48 : index
        %get3A_196 = tpu.vector_load %arg7[%get3A_194, %get3A_195] {strides = array<i32>} : memref<1024x64xf32, #tpu.memory_space<vmem>>, vector<1x16xf32>,
        %get3A_197 = vector.shape_cast %get3A_196 : vector<1x16xf32> to vector<16xf32>
        %select_n3A_198 = arith.select %ne3A_173, %broadcast_in_dim3A_3, %max3A : vector<16xf32>
        %max3A_199 = arith.maximumf %select_n3A_198, %get3A_179 : vector<16xf32>
        %select_n3A_200 = arith.select %ne3A_173, %broadcast_in_dim3A_3, %max3A_142 : vector<16xf32>
        %max3A_201 = arith.maximumf %select_n3A_200, %get3A_185 : vector<16xf32>
        %select_n3A_202 = arith.select %ne3A_173, %broadcast_in_dim3A_3, %max3A_144 : vector<16xf32>
        %max3A_203 = arith.maximumf %select_n3A_202, %get3A_191 : vector<16xf32>
        %select_n3A_204 = arith.select %ne3A_173, %broadcast_in_dim3A_3, %max3A_146 : vector<16xf32>
        %max3A_205 = arith.maximumf %select_n3A_204, %get3A_197 : vector<16xf32>
        %mul3A_206 = arith.constant 64 : i32
        %mul3A_207 = arith.muli %squeeze3A_172, %mul3A_206 : i32
        %multiple_of3A_208 = tpu.assume_multiple %mul3A_207, 8 : i32
        %swap3A_209 = arith.index_cast %multiple_of3A_208 : i32 to index
        %swap3A_210 = tpu.vector_load %arg9[%swap3A_209] {strides = array<i32>} : memref<20096xf32, #tpu.memory_space<vmem>>, vector<16xf32>,
        %swap3A_211 = vector.shape_cast %swap3A_210 : vector<16xf32> to vector<16xf32>
        %swap3A_212 = vector.shape_cast %max3A_199 : vector<16xf32> to vector<16xf32>
        tpu.vector_store %arg9[%swap3A_209], %swap3A_212 {strides = array<i32>} : memref<20096xf32, #tpu.memory_space<vmem>>, vector<16xf32>,
        %add3A_213 = arith.constant 16 : i32
        %add3A_214 = arith.addi %multiple_of3A_208, %add3A_213 : i32
        %swap3A_215 = arith.index_cast %add3A_214 : i32 to index
        %swap3A_216 = tpu.vector_load %arg9[%swap3A_215] {strides = array<i32>} : memref<20096xf32, #tpu.memory_space<vmem>>, vector<16xf32>,
        %swap3A_217 = vector.shape_cast %swap3A_216 : vector<16xf32> to vector<16xf32>
        %swap3A_218 = vector.shape_cast %max3A_201 : vector<16xf32> to vector<16xf32>
        tpu.vector_store %arg9[%swap3A_215], %swap3A_218 {strides = array<i32>} : memref<20096xf32, #tpu.memory_space<vmem>>, vector<16xf32>,
        %add3A_219 = arith.constant 32 : i32
        %add3A_220 = arith.addi %multiple_of3A_208, %add3A_219 : i32
        %swap3A_221 = arith.index_cast %add3A_220 : i32 to index
        %swap3A_222 = tpu.vector_load %arg9[%swap3A_221] {strides = array<i32>} : memref<20096xf32, #tpu.memory_space<vmem>>, vector<16xf32>,
        %swap3A_223 = vector.shape_cast %swap3A_222 : vector<16xf32> to vector<16xf32>
        %swap3A_224 = vector.shape_cast %max3A_203 : vector<16xf32> to vector<16xf32>
        tpu.vector_store %arg9[%swap3A_221], %swap3A_224 {strides = array<i32>} : memref<20096xf32, #tpu.memory_space<vmem>>, vector<16xf32>,
        %add3A_225 = arith.constant 48 : i32
        %add3A_226 = arith.addi %multiple_of3A_208, %add3A_225 : i32
        %swap3A_227 = arith.index_cast %add3A_226 : i32 to index
        %swap3A_228 = tpu.vector_load %arg9[%swap3A_227] {strides = array<i32>} : memref<20096xf32, #tpu.memory_space<vmem>>, vector<16xf32>,
        %swap3A_229 = vector.shape_cast %swap3A_228 : vector<16xf32> to vector<16xf32>
        %swap3A_230 = vector.shape_cast %max3A_205 : vector<16xf32> to vector<16xf32>
        tpu.vector_store %arg9[%swap3A_227], %swap3A_230 {strides = array<i32>} : memref<20096xf32, #tpu.memory_space<vmem>>, vector<16xf32>,
        %slice3A_231 = vector.extract_strided_slice %select_n3A_112 {offsets = [2], sizes = [1], strides = [1]} : vector<16xi32> to vector<1xi32>
        %squeeze3A_232 = vector.extract %slice3A_231[0] : i32 from vector<1xi32>
        %ne3A_233 = arith.cmpi ne, %squeeze3A_232, %squeeze3A_172 : i32
        %add3A_234 = arith.constant 2 : i32
        %add3A_235 = arith.addi %multiple_of3A_98, %add3A_234 : i32
        %get3A_236 = arith.index_cast %add3A_235 : i32 to index
        %get3A_237 = arith.constant 0 : index
        %get3A_238 = tpu.vector_load %arg7[%get3A_236, %get3A_237] {strides = array<i32>} : memref<1024x64xf32, #tpu.memory_space<vmem>>, vector<1x16xf32>,
        %get3A_239 = vector.shape_cast %get3A_238 : vector<1x16xf32> to vector<16xf32>
        %add3A_240 = arith.constant 2 : i32
        %add3A_241 = arith.addi %multiple_of3A_98, %add3A_240 : i32
        %get3A_242 = arith.index_cast %add3A_241 : i32 to index
        %get3A_243 = arith.constant 16 : index
        %get3A_244 = tpu.vector_load %arg7[%get3A_242, %get3A_243] {strides = array<i32>} : memref<1024x64xf32, #tpu.memory_space<vmem>>, vector<1x16xf32>,
        %get3A_245 = vector.shape_cast %get3A_244 : vector<1x16xf32> to vector<16xf32>
        %add3A_246 = arith.constant 2 : i32
        %add3A_247 = arith.addi %multiple_of3A_98, %add3A_246 : i32
        %get3A_248 = arith.index_cast %add3A_247 : i32 to index
        %get3A_249 = arith.constant 32 : index
        %get3A_250 = tpu.vector_load %arg7[%get3A_248, %get3A_249] {strides = array<i32>} : memref<1024x64xf32, #tpu.memory_space<vmem>>, vector<1x16xf32>,
        %get3A_251 = vector.shape_cast %get3A_250 : vector<1x16xf32> to vector<16xf32>
        %add3A_252 = arith.constant 2 : i32
        %add3A_253 = arith.addi %multiple_of3A_98, %add3A_252 : i32
        %get3A_254 = arith.index_cast %add3A_253 : i32 to index
        %get3A_255 = arith.constant 48 : index
        %get3A_256 = tpu.vector_load %arg7[%get3A_254, %get3A_255] {strides = array<i32>} : memref<1024x64xf32, #tpu.memory_space<vmem>>, vector<1x16xf32>,
        %get3A_257 = vector.shape_cast %get3A_256 : vector<1x16xf32> to vector<16xf32>
        %select_n3A_258 = arith.select %ne3A_233, %broadcast_in_dim3A_3, %max3A_199 : vector<16xf32>
        %max3A_259 = arith.maximumf %select_n3A_258, %get3A_239 : vector<16xf32>
        %select_n3A_260 = arith.select %ne3A_233, %broadcast_in_dim3A_3, %max3A_201 : vector<16xf32>
        %max3A_261 = arith.maximumf %select_n3A_260, %get3A_245 : vector<16xf32>
        %select_n3A_262 = arith.select %ne3A_233, %broadcast_in_dim3A_3, %max3A_203 : vector<16xf32>
        %max3A_263 = arith.maximumf %select_n3A_262, %get3A_251 : vector<16xf32>
        %select_n3A_264 = arith.select %ne3A_233, %broadcast_in_dim3A_3, %max3A_205 : vector<16xf32>
        %max3A_265 = arith.maximumf %select_n3A_264, %get3A_257 : vector<16xf32>
        %mul3A_266 = arith.constant 64 : i32
        %mul3A_267 = arith.muli %squeeze3A_232, %mul3A_266 : i32
        %multiple_of3A_268 = tpu.assume_multiple %mul3A_267, 8 : i32
        %swap3A_269 = arith.index_cast %multiple_of3A_268 : i32 to index
        %swap3A_270 = tpu.vector_load %arg9[%swap3A_269] {strides = array<i32>} : memref<20096xf32, #tpu.memory_space<vmem>>, vector<16xf32>,
        %swap3A_271 = vector.shape_cast %swap3A_270 : vector<16xf32> to vector<16xf32>
        %swap3A_272 = vector.shape_cast %max3A_259 : vector<16xf32> to vector<16xf32>
        tpu.vector_store %arg9[%swap3A_269], %swap3A_272 {strides = array<i32>} : memref<20096xf32, #tpu.memory_space<vmem>>, vector<16xf32>,
        %add3A_273 = arith.constant 16 : i32
        %add3A_274 = arith.addi %multiple_of3A_268, %add3A_273 : i32
        %swap3A_275 = arith.index_cast %add3A_274 : i32 to index
        %swap3A_276 = tpu.vector_load %arg9[%swap3A_275] {strides = array<i32>} : memref<20096xf32, #tpu.memory_space<vmem>>, vector<16xf32>,
        %swap3A_277 = vector.shape_cast %swap3A_276 : vector<16xf32> to vector<16xf32>
        %swap3A_278 = vector.shape_cast %max3A_261 : vector<16xf32> to vector<16xf32>
        tpu.vector_store %arg9[%swap3A_275], %swap3A_278 {strides = array<i32>} : memref<20096xf32, #tpu.memory_space<vmem>>, vector<16xf32>,
        %add3A_279 = arith.constant 32 : i32
        %add3A_280 = arith.addi %multiple_of3A_268, %add3A_279 : i32
        %swap3A_281 = arith.index_cast %add3A_280 : i32 to index
        %swap3A_282 = tpu.vector_load %arg9[%swap3A_281] {strides = array<i32>} : memref<20096xf32, #tpu.memory_space<vmem>>, vector<16xf32>,
        %swap3A_283 = vector.shape_cast %swap3A_282 : vector<16xf32> to vector<16xf32>
        %swap3A_284 = vector.shape_cast %max3A_263 : vector<16xf32> to vector<16xf32>
        tpu.vector_store %arg9[%swap3A_281], %swap3A_284 {strides = array<i32>} : memref<20096xf32, #tpu.memory_space<vmem>>, vector<16xf32>,
        %add3A_285 = arith.constant 48 : i32
        %add3A_286 = arith.addi %multiple_of3A_268, %add3A_285 : i32
        %swap3A_287 = arith.index_cast %add3A_286 : i32 to index
        %swap3A_288 = tpu.vector_load %arg9[%swap3A_287] {strides = array<i32>} : memref<20096xf32, #tpu.memory_space<vmem>>, vector<16xf32>,
        %swap3A_289 = vector.shape_cast %swap3A_288 : vector<16xf32> to vector<16xf32>
        %swap3A_290 = vector.shape_cast %max3A_265 : vector<16xf32> to vector<16xf32>
        tpu.vector_store %arg9[%swap3A_287], %swap3A_290 {strides = array<i32>} : memref<20096xf32, #tpu.memory_space<vmem>>, vector<16xf32>,
        %slice3A_291 = vector.extract_strided_slice %select_n3A_112 {offsets = [3], sizes = [1], strides = [1]} : vector<16xi32> to vector<1xi32>
        %squeeze3A_292 = vector.extract %slice3A_291[0] : i32 from vector<1xi32>
        %ne3A_293 = arith.cmpi ne, %squeeze3A_292, %squeeze3A_232 : i32
        %add3A_294 = arith.constant 3 : i32
        %add3A_295 = arith.addi %multiple_of3A_98, %add3A_294 : i32
        %get3A_296 = arith.index_cast %add3A_295 : i32 to index
        %get3A_297 = arith.constant 0 : index
        %get3A_298 = tpu.vector_load %arg7[%get3A_296, %get3A_297] {strides = array<i32>} : memref<1024x64xf32, #tpu.memory_space<vmem>>, vector<1x16xf32>,
        %get3A_299 = vector.shape_cast %get3A_298 : vector<1x16xf32> to vector<16xf32>
        %add3A_300 = arith.constant 3 : i32
        %add3A_301 = arith.addi %multiple_of3A_98, %add3A_300 : i32
        %get3A_302 = arith.index_cast %add3A_301 : i32 to index
        %get3A_303 = arith.constant 16 : index
        %get3A_304 = tpu.vector_load %arg7[%get3A_302, %get3A_303] {strides = array<i32>} : memref<1024x64xf32, #tpu.memory_space<vmem>>, vector<1x16xf32>,
        %get3A_305 = vector.shape_cast %get3A_304 : vector<1x16xf32> to vector<16xf32>
        %add3A_306 = arith.constant 3 : i32
        %add3A_307 = arith.addi %multiple_of3A_98, %add3A_306 : i32
        %get3A_308 = arith.index_cast %add3A_307 : i32 to index
        %get3A_309 = arith.constant 32 : index
        %get3A_310 = tpu.vector_load %arg7[%get3A_308, %get3A_309] {strides = array<i32>} : memref<1024x64xf32, #tpu.memory_space<vmem>>, vector<1x16xf32>,
        %get3A_311 = vector.shape_cast %get3A_310 : vector<1x16xf32> to vector<16xf32>
        %add3A_312 = arith.constant 3 : i32
        %add3A_313 = arith.addi %multiple_of3A_98, %add3A_312 : i32
        %get3A_314 = arith.index_cast %add3A_313 : i32 to index
        %get3A_315 = arith.constant 48 : index
        %get3A_316 = tpu.vector_load %arg7[%get3A_314, %get3A_315] {strides = array<i32>} : memref<1024x64xf32, #tpu.memory_space<vmem>>, vector<1x16xf32>,
        %get3A_317 = vector.shape_cast %get3A_316 : vector<1x16xf32> to vector<16xf32>
        %select_n3A_318 = arith.select %ne3A_293, %broadcast_in_dim3A_3, %max3A_259 : vector<16xf32>
        %max3A_319 = arith.maximumf %select_n3A_318, %get3A_299 : vector<16xf32>
        %select_n3A_320 = arith.select %ne3A_293, %broadcast_in_dim3A_3, %max3A_261 : vector<16xf32>
        %max3A_321 = arith.maximumf %select_n3A_320, %get3A_305 : vector<16xf32>
        %select_n3A_322 = arith.select %ne3A_293, %broadcast_in_dim3A_3, %max3A_263 : vector<16xf32>
        %max3A_323 = arith.maximumf %select_n3A_322, %get3A_311 : vector<16xf32>
        %select_n3A_324 = arith.select %ne3A_293, %broadcast_in_dim3A_3, %max3A_265 : vector<16xf32>
        %max3A_325 = arith.maximumf %select_n3A_324, %get3A_317 : vector<16xf32>
        %mul3A_326 = arith.constant 64 : i32
        %mul3A_327 = arith.muli %squeeze3A_292, %mul3A_326 : i32
        %multiple_of3A_328 = tpu.assume_multiple %mul3A_327, 8 : i32
        %swap3A_329 = arith.index_cast %multiple_of3A_328 : i32 to index
        %swap3A_330 = tpu.vector_load %arg9[%swap3A_329] {strides = array<i32>} : memref<20096xf32, #tpu.memory_space<vmem>>, vector<16xf32>,
        %swap3A_331 = vector.shape_cast %swap3A_330 : vector<16xf32> to vector<16xf32>
        %swap3A_332 = vector.shape_cast %max3A_319 : vector<16xf32> to vector<16xf32>
        tpu.vector_store %arg9[%swap3A_329], %swap3A_332 {strides = array<i32>} : memref<20096xf32, #tpu.memory_space<vmem>>, vector<16xf32>,
        %add3A_333 = arith.constant 16 : i32
        %add3A_334 = arith.addi %multiple_of3A_328, %add3A_333 : i32
        %swap3A_335 = arith.index_cast %add3A_334 : i32 to index
        %swap3A_336 = tpu.vector_load %arg9[%swap3A_335] {strides = array<i32>} : memref<20096xf32, #tpu.memory_space<vmem>>, vector<16xf32>,
        %swap3A_337 = vector.shape_cast %swap3A_336 : vector<16xf32> to vector<16xf32>
        %swap3A_338 = vector.shape_cast %max3A_321 : vector<16xf32> to vector<16xf32>
        tpu.vector_store %arg9[%swap3A_335], %swap3A_338 {strides = array<i32>} : memref<20096xf32, #tpu.memory_space<vmem>>, vector<16xf32>,
        %add3A_339 = arith.constant 32 : i32
        %add3A_340 = arith.addi %multiple_of3A_328, %add3A_339 : i32
        %swap3A_341 = arith.index_cast %add3A_340 : i32 to index
        %swap3A_342 = tpu.vector_load %arg9[%swap3A_341] {strides = array<i32>} : memref<20096xf32, #tpu.memory_space<vmem>>, vector<16xf32>,
        %swap3A_343 = vector.shape_cast %swap3A_342 : vector<16xf32> to vector<16xf32>
        %swap3A_344 = vector.shape_cast %max3A_323 : vector<16xf32> to vector<16xf32>
        tpu.vector_store %arg9[%swap3A_341], %swap3A_344 {strides = array<i32>} : memref<20096xf32, #tpu.memory_space<vmem>>, vector<16xf32>,
        %add3A_345 = arith.constant 48 : i32
        %add3A_346 = arith.addi %multiple_of3A_328, %add3A_345 : i32
        %swap3A_347 = arith.index_cast %add3A_346 : i32 to index
        %swap3A_348 = tpu.vector_load %arg9[%swap3A_347] {strides = array<i32>} : memref<20096xf32, #tpu.memory_space<vmem>>, vector<16xf32>,
        %swap3A_349 = vector.shape_cast %swap3A_348 : vector<16xf32> to vector<16xf32>
        %swap3A_350 = vector.shape_cast %max3A_325 : vector<16xf32> to vector<16xf32>
        tpu.vector_store %arg9[%swap3A_347], %swap3A_350 {strides = array<i32>} : memref<20096xf32, #tpu.memory_space<vmem>>, vector<16xf32>,
        %slice3A_351 = vector.extract_strided_slice %select_n3A_112 {offsets = [4], sizes = [1], strides = [1]} : vector<16xi32> to vector<1xi32>
        %squeeze3A_352 = vector.extract %slice3A_351[0] : i32 from vector<1xi32>
        %ne3A_353 = arith.cmpi ne, %squeeze3A_352, %squeeze3A_292 : i32
        %add3A_354 = arith.constant 4 : i32
        %add3A_355 = arith.addi %multiple_of3A_98, %add3A_354 : i32
        %get3A_356 = arith.index_cast %add3A_355 : i32 to index
        %get3A_357 = arith.constant 0 : index
        %get3A_358 = tpu.vector_load %arg7[%get3A_356, %get3A_357] {strides = array<i32>} : memref<1024x64xf32, #tpu.memory_space<vmem>>, vector<1x16xf32>,
        %get3A_359 = vector.shape_cast %get3A_358 : vector<1x16xf32> to vector<16xf32>
        %add3A_360 = arith.constant 4 : i32
        %add3A_361 = arith.addi %multiple_of3A_98, %add3A_360 : i32
        %get3A_362 = arith.index_cast %add3A_361 : i32 to index
        %get3A_363 = arith.constant 16 : index
        %get3A_364 = tpu.vector_load %arg7[%get3A_362, %get3A_363] {strides = array<i32>} : memref<1024x64xf32, #tpu.memory_space<vmem>>, vector<1x16xf32>,
        %get3A_365 = vector.shape_cast %get3A_364 : vector<1x16xf32> to vector<16xf32>
        %add3A_366 = arith.constant 4 : i32
        %add3A_367 = arith.addi %multiple_of3A_98, %add3A_366 : i32
        %get3A_368 = arith.index_cast %add3A_367 : i32 to index
        %get3A_369 = arith.constant 32 : index
        %get3A_370 = tpu.vector_load %arg7[%get3A_368, %get3A_369] {strides = array<i32>} : memref<1024x64xf32, #tpu.memory_space<vmem>>, vector<1x16xf32>,
        %get3A_371 = vector.shape_cast %get3A_370 : vector<1x16xf32> to vector<16xf32>
        %add3A_372 = arith.constant 4 : i32
        %add3A_373 = arith.addi %multiple_of3A_98, %add3A_372 : i32
        %get3A_374 = arith.index_cast %add3A_373 : i32 to index
        %get3A_375 = arith.constant 48 : index
        %get3A_376 = tpu.vector_load %arg7[%get3A_374, %get3A_375] {strides = array<i32>} : memref<1024x64xf32, #tpu.memory_space<vmem>>, vector<1x16xf32>,
        %get3A_377 = vector.shape_cast %get3A_376 : vector<1x16xf32> to vector<16xf32>
        %select_n3A_378 = arith.select %ne3A_353, %broadcast_in_dim3A_3, %max3A_319 : vector<16xf32>
        %max3A_379 = arith.maximumf %select_n3A_378, %get3A_359 : vector<16xf32>
        %select_n3A_380 = arith.select %ne3A_353, %broadcast_in_dim3A_3, %max3A_321 : vector<16xf32>
        %max3A_381 = arith.maximumf %select_n3A_380, %get3A_365 : vector<16xf32>
        %select_n3A_382 = arith.select %ne3A_353, %broadcast_in_dim3A_3, %max3A_323 : vector<16xf32>
        %max3A_383 = arith.maximumf %select_n3A_382, %get3A_371 : vector<16xf32>
        %select_n3A_384 = arith.select %ne3A_353, %broadcast_in_dim3A_3, %max3A_325 : vector<16xf32>
        %max3A_385 = arith.maximumf %select_n3A_384, %get3A_377 : vector<16xf32>
        %mul3A_386 = arith.constant 64 : i32
        %mul3A_387 = arith.muli %squeeze3A_352, %mul3A_386 : i32
        %multiple_of3A_388 = tpu.assume_multiple %mul3A_387, 8 : i32
        %swap3A_389 = arith.index_cast %multiple_of3A_388 : i32 to index
        %swap3A_390 = tpu.vector_load %arg9[%swap3A_389] {strides = array<i32>} : memref<20096xf32, #tpu.memory_space<vmem>>, vector<16xf32>,
        %swap3A_391 = vector.shape_cast %swap3A_390 : vector<16xf32> to vector<16xf32>
        %swap3A_392 = vector.shape_cast %max3A_379 : vector<16xf32> to vector<16xf32>
        tpu.vector_store %arg9[%swap3A_389], %swap3A_392 {strides = array<i32>} : memref<20096xf32, #tpu.memory_space<vmem>>, vector<16xf32>,
        %add3A_393 = arith.constant 16 : i32
        %add3A_394 = arith.addi %multiple_of3A_388, %add3A_393 : i32
        %swap3A_395 = arith.index_cast %add3A_394 : i32 to index
        %swap3A_396 = tpu.vector_load %arg9[%swap3A_395] {strides = array<i32>} : memref<20096xf32, #tpu.memory_space<vmem>>, vector<16xf32>,
        %swap3A_397 = vector.shape_cast %swap3A_396 : vector<16xf32> to vector<16xf32>
        %swap3A_398 = vector.shape_cast %max3A_381 : vector<16xf32> to vector<16xf32>
        tpu.vector_store %arg9[%swap3A_395], %swap3A_398 {strides = array<i32>} : memref<20096xf32, #tpu.memory_space<vmem>>, vector<16xf32>,
        %add3A_399 = arith.constant 32 : i32
        %add3A_400 = arith.addi %multiple_of3A_388, %add3A_399 : i32
        %swap3A_401 = arith.index_cast %add3A_400 : i32 to index
        %swap3A_402 = tpu.vector_load %arg9[%swap3A_401] {strides = array<i32>} : memref<20096xf32, #tpu.memory_space<vmem>>, vector<16xf32>,
        %swap3A_403 = vector.shape_cast %swap3A_402 : vector<16xf32> to vector<16xf32>
        %swap3A_404 = vector.shape_cast %max3A_383 : vector<16xf32> to vector<16xf32>
        tpu.vector_store %arg9[%swap3A_401], %swap3A_404 {strides = array<i32>} : memref<20096xf32, #tpu.memory_space<vmem>>, vector<16xf32>,
        %add3A_405 = arith.constant 48 : i32
        %add3A_406 = arith.addi %multiple_of3A_388, %add3A_405 : i32
        %swap3A_407 = arith.index_cast %add3A_406 : i32 to index
        %swap3A_408 = tpu.vector_load %arg9[%swap3A_407] {strides = array<i32>} : memref<20096xf32, #tpu.memory_space<vmem>>, vector<16xf32>,
        %swap3A_409 = vector.shape_cast %swap3A_408 : vector<16xf32> to vector<16xf32>
        %swap3A_410 = vector.shape_cast %max3A_385 : vector<16xf32> to vector<16xf32>
        tpu.vector_store %arg9[%swap3A_407], %swap3A_410 {strides = array<i32>} : memref<20096xf32, #tpu.memory_space<vmem>>, vector<16xf32>,
        %slice3A_411 = vector.extract_strided_slice %select_n3A_112 {offsets = [5], sizes = [1], strides = [1]} : vector<16xi32> to vector<1xi32>
        %squeeze3A_412 = vector.extract %slice3A_411[0] : i32 from vector<1xi32>
        %ne3A_413 = arith.cmpi ne, %squeeze3A_412, %squeeze3A_352 : i32
        %add3A_414 = arith.constant 5 : i32
        %add3A_415 = arith.addi %multiple_of3A_98, %add3A_414 : i32
        %get3A_416 = arith.index_cast %add3A_415 : i32 to index
        %get3A_417 = arith.constant 0 : index
        %get3A_418 = tpu.vector_load %arg7[%get3A_416, %get3A_417] {strides = array<i32>} : memref<1024x64xf32, #tpu.memory_space<vmem>>, vector<1x16xf32>,
        %get3A_419 = vector.shape_cast %get3A_418 : vector<1x16xf32> to vector<16xf32>
        %add3A_420 = arith.constant 5 : i32
        %add3A_421 = arith.addi %multiple_of3A_98, %add3A_420 : i32
        %get3A_422 = arith.index_cast %add3A_421 : i32 to index
        %get3A_423 = arith.constant 16 : index
        %get3A_424 = tpu.vector_load %arg7[%get3A_422, %get3A_423] {strides = array<i32>} : memref<1024x64xf32, #tpu.memory_space<vmem>>, vector<1x16xf32>,
        %get3A_425 = vector.shape_cast %get3A_424 : vector<1x16xf32> to vector<16xf32>
        %add3A_426 = arith.constant 5 : i32
        %add3A_427 = arith.addi %multiple_of3A_98, %add3A_426 : i32
        %get3A_428 = arith.index_cast %add3A_427 : i32 to index
        %get3A_429 = arith.constant 32 : index
        %get3A_430 = tpu.vector_load %arg7[%get3A_428, %get3A_429] {strides = array<i32>} : memref<1024x64xf32, #tpu.memory_space<vmem>>, vector<1x16xf32>,
        %get3A_431 = vector.shape_cast %get3A_430 : vector<1x16xf32> to vector<16xf32>
        %add3A_432 = arith.constant 5 : i32
        %add3A_433 = arith.addi %multiple_of3A_98, %add3A_432 : i32
        %get3A_434 = arith.index_cast %add3A_433 : i32 to index
        %get3A_435 = arith.constant 48 : index
        %get3A_436 = tpu.vector_load %arg7[%get3A_434, %get3A_435] {strides = array<i32>} : memref<1024x64xf32, #tpu.memory_space<vmem>>, vector<1x16xf32>,
        %get3A_437 = vector.shape_cast %get3A_436 : vector<1x16xf32> to vector<16xf32>
        %select_n3A_438 = arith.select %ne3A_413, %broadcast_in_dim3A_3, %max3A_379 : vector<16xf32>
        %max3A_439 = arith.maximumf %select_n3A_438, %get3A_419 : vector<16xf32>
        %select_n3A_440 = arith.select %ne3A_413, %broadcast_in_dim3A_3, %max3A_381 : vector<16xf32>
        %max3A_441 = arith.maximumf %select_n3A_440, %get3A_425 : vector<16xf32>
        %select_n3A_442 = arith.select %ne3A_413, %broadcast_in_dim3A_3, %max3A_383 : vector<16xf32>
        %max3A_443 = arith.maximumf %select_n3A_442, %get3A_431 : vector<16xf32>
        %select_n3A_444 = arith.select %ne3A_413, %broadcast_in_dim3A_3, %max3A_385 : vector<16xf32>
        %max3A_445 = arith.maximumf %select_n3A_444, %get3A_437 : vector<16xf32>
        %mul3A_446 = arith.constant 64 : i32
        %mul3A_447 = arith.muli %squeeze3A_412, %mul3A_446 : i32
        %multiple_of3A_448 = tpu.assume_multiple %mul3A_447, 8 : i32
        %swap3A_449 = arith.index_cast %multiple_of3A_448 : i32 to index
        %swap3A_450 = tpu.vector_load %arg9[%swap3A_449] {strides = array<i32>} : memref<20096xf32, #tpu.memory_space<vmem>>, vector<16xf32>,
        %swap3A_451 = vector.shape_cast %swap3A_450 : vector<16xf32> to vector<16xf32>
        %swap3A_452 = vector.shape_cast %max3A_439 : vector<16xf32> to vector<16xf32>
        tpu.vector_store %arg9[%swap3A_449], %swap3A_452 {strides = array<i32>} : memref<20096xf32, #tpu.memory_space<vmem>>, vector<16xf32>,
        %add3A_453 = arith.constant 16 : i32
        %add3A_454 = arith.addi %multiple_of3A_448, %add3A_453 : i32
        %swap3A_455 = arith.index_cast %add3A_454 : i32 to index
        %swap3A_456 = tpu.vector_load %arg9[%swap3A_455] {strides = array<i32>} : memref<20096xf32, #tpu.memory_space<vmem>>, vector<16xf32>,
        %swap3A_457 = vector.shape_cast %swap3A_456 : vector<16xf32> to vector<16xf32>
        %swap3A_458 = vector.shape_cast %max3A_441 : vector<16xf32> to vector<16xf32>
        tpu.vector_store %arg9[%swap3A_455], %swap3A_458 {strides = array<i32>} : memref<20096xf32, #tpu.memory_space<vmem>>, vector<16xf32>,
        %add3A_459 = arith.constant 32 : i32
        %add3A_460 = arith.addi %multiple_of3A_448, %add3A_459 : i32
        %swap3A_461 = arith.index_cast %add3A_460 : i32 to index
        %swap3A_462 = tpu.vector_load %arg9[%swap3A_461] {strides = array<i32>} : memref<20096xf32, #tpu.memory_space<vmem>>, vector<16xf32>,
        %swap3A_463 = vector.shape_cast %swap3A_462 : vector<16xf32> to vector<16xf32>
        %swap3A_464 = vector.shape_cast %max3A_443 : vector<16xf32> to vector<16xf32>
        tpu.vector_store %arg9[%swap3A_461], %swap3A_464 {strides = array<i32>} : memref<20096xf32, #tpu.memory_space<vmem>>, vector<16xf32>,
        %add3A_465 = arith.constant 48 : i32
        %add3A_466 = arith.addi %multiple_of3A_448, %add3A_465 : i32
        %swap3A_467 = arith.index_cast %add3A_466 : i32 to index
        %swap3A_468 = tpu.vector_load %arg9[%swap3A_467] {strides = array<i32>} : memref<20096xf32, #tpu.memory_space<vmem>>, vector<16xf32>,
        %swap3A_469 = vector.shape_cast %swap3A_468 : vector<16xf32> to vector<16xf32>
        %swap3A_470 = vector.shape_cast %max3A_445 : vector<16xf32> to vector<16xf32>
        tpu.vector_store %arg9[%swap3A_467], %swap3A_470 {strides = array<i32>} : memref<20096xf32, #tpu.memory_space<vmem>>, vector<16xf32>,
        %slice3A_471 = vector.extract_strided_slice %select_n3A_112 {offsets = [6], sizes = [1], strides = [1]} : vector<16xi32> to vector<1xi32>
        %squeeze3A_472 = vector.extract %slice3A_471[0] : i32 from vector<1xi32>
        %ne3A_473 = arith.cmpi ne, %squeeze3A_472, %squeeze3A_412 : i32
        %add3A_474 = arith.constant 6 : i32
        %add3A_475 = arith.addi %multiple_of3A_98, %add3A_474 : i32
        %get3A_476 = arith.index_cast %add3A_475 : i32 to index
        %get3A_477 = arith.constant 0 : index
        %get3A_478 = tpu.vector_load %arg7[%get3A_476, %get3A_477] {strides = array<i32>} : memref<1024x64xf32, #tpu.memory_space<vmem>>, vector<1x16xf32>,
        %get3A_479 = vector.shape_cast %get3A_478 : vector<1x16xf32> to vector<16xf32>
        %add3A_480 = arith.constant 6 : i32
        %add3A_481 = arith.addi %multiple_of3A_98, %add3A_480 : i32
        %get3A_482 = arith.index_cast %add3A_481 : i32 to index
        %get3A_483 = arith.constant 16 : index
        %get3A_484 = tpu.vector_load %arg7[%get3A_482, %get3A_483] {strides = array<i32>} : memref<1024x64xf32, #tpu.memory_space<vmem>>, vector<1x16xf32>,
        %get3A_485 = vector.shape_cast %get3A_484 : vector<1x16xf32> to vector<16xf32>
        %add3A_486 = arith.constant 6 : i32
        %add3A_487 = arith.addi %multiple_of3A_98, %add3A_486 : i32
        %get3A_488 = arith.index_cast %add3A_487 : i32 to index
        %get3A_489 = arith.constant 32 : index
        %get3A_490 = tpu.vector_load %arg7[%get3A_488, %get3A_489] {strides = array<i32>} : memref<1024x64xf32, #tpu.memory_space<vmem>>, vector<1x16xf32>,
        %get3A_491 = vector.shape_cast %get3A_490 : vector<1x16xf32> to vector<16xf32>
        %add3A_492 = arith.constant 6 : i32
        %add3A_493 = arith.addi %multiple_of3A_98, %add3A_492 : i32
        %get3A_494 = arith.index_cast %add3A_493 : i32 to index
        %get3A_495 = arith.constant 48 : index
        %get3A_496 = tpu.vector_load %arg7[%get3A_494, %get3A_495] {strides = array<i32>} : memref<1024x64xf32, #tpu.memory_space<vmem>>, vector<1x16xf32>,
        %get3A_497 = vector.shape_cast %get3A_496 : vector<1x16xf32> to vector<16xf32>
        %select_n3A_498 = arith.select %ne3A_473, %broadcast_in_dim3A_3, %max3A_439 : vector<16xf32>
        %max3A_499 = arith.maximumf %select_n3A_498, %get3A_479 : vector<16xf32>
        %select_n3A_500 = arith.select %ne3A_473, %broadcast_in_dim3A_3, %max3A_441 : vector<16xf32>
        %max3A_501 = arith.maximumf %select_n3A_500, %get3A_485 : vector<16xf32>
        %select_n3A_502 = arith.select %ne3A_473, %broadcast_in_dim3A_3, %max3A_443 : vector<16xf32>
        %max3A_503 = arith.maximumf %select_n3A_502, %get3A_491 : vector<16xf32>
        %select_n3A_504 = arith.select %ne3A_473, %broadcast_in_dim3A_3, %max3A_445 : vector<16xf32>
        %max3A_505 = arith.maximumf %select_n3A_504, %get3A_497 : vector<16xf32>
        %mul3A_506 = arith.constant 64 : i32
        %mul3A_507 = arith.muli %squeeze3A_472, %mul3A_506 : i32
        %multiple_of3A_508 = tpu.assume_multiple %mul3A_507, 8 : i32
        %swap3A_509 = arith.index_cast %multiple_of3A_508 : i32 to index
        %swap3A_510 = tpu.vector_load %arg9[%swap3A_509] {strides = array<i32>} : memref<20096xf32, #tpu.memory_space<vmem>>, vector<16xf32>,
        %swap3A_511 = vector.shape_cast %swap3A_510 : vector<16xf32> to vector<16xf32>
        %swap3A_512 = vector.shape_cast %max3A_499 : vector<16xf32> to vector<16xf32>
        tpu.vector_store %arg9[%swap3A_509], %swap3A_512 {strides = array<i32>} : memref<20096xf32, #tpu.memory_space<vmem>>, vector<16xf32>,
        %add3A_513 = arith.constant 16 : i32
        %add3A_514 = arith.addi %multiple_of3A_508, %add3A_513 : i32
        %swap3A_515 = arith.index_cast %add3A_514 : i32 to index
        %swap3A_516 = tpu.vector_load %arg9[%swap3A_515] {strides = array<i32>} : memref<20096xf32, #tpu.memory_space<vmem>>, vector<16xf32>,
        %swap3A_517 = vector.shape_cast %swap3A_516 : vector<16xf32> to vector<16xf32>
        %swap3A_518 = vector.shape_cast %max3A_501 : vector<16xf32> to vector<16xf32>
        tpu.vector_store %arg9[%swap3A_515], %swap3A_518 {strides = array<i32>} : memref<20096xf32, #tpu.memory_space<vmem>>, vector<16xf32>,
        %add3A_519 = arith.constant 32 : i32
        %add3A_520 = arith.addi %multiple_of3A_508, %add3A_519 : i32
        %swap3A_521 = arith.index_cast %add3A_520 : i32 to index
        %swap3A_522 = tpu.vector_load %arg9[%swap3A_521] {strides = array<i32>} : memref<20096xf32, #tpu.memory_space<vmem>>, vector<16xf32>,
        %swap3A_523 = vector.shape_cast %swap3A_522 : vector<16xf32> to vector<16xf32>
        %swap3A_524 = vector.shape_cast %max3A_503 : vector<16xf32> to vector<16xf32>
        tpu.vector_store %arg9[%swap3A_521], %swap3A_524 {strides = array<i32>} : memref<20096xf32, #tpu.memory_space<vmem>>, vector<16xf32>,
        %add3A_525 = arith.constant 48 : i32
        %add3A_526 = arith.addi %multiple_of3A_508, %add3A_525 : i32
        %swap3A_527 = arith.index_cast %add3A_526 : i32 to index
        %swap3A_528 = tpu.vector_load %arg9[%swap3A_527] {strides = array<i32>} : memref<20096xf32, #tpu.memory_space<vmem>>, vector<16xf32>,
        %swap3A_529 = vector.shape_cast %swap3A_528 : vector<16xf32> to vector<16xf32>
        %swap3A_530 = vector.shape_cast %max3A_505 : vector<16xf32> to vector<16xf32>
        tpu.vector_store %arg9[%swap3A_527], %swap3A_530 {strides = array<i32>} : memref<20096xf32, #tpu.memory_space<vmem>>, vector<16xf32>,
        %slice3A_531 = vector.extract_strided_slice %select_n3A_112 {offsets = [7], sizes = [1], strides = [1]} : vector<16xi32> to vector<1xi32>
        %squeeze3A_532 = vector.extract %slice3A_531[0] : i32 from vector<1xi32>
        %ne3A_533 = arith.cmpi ne, %squeeze3A_532, %squeeze3A_472 : i32
        %add3A_534 = arith.constant 7 : i32
        %add3A_535 = arith.addi %multiple_of3A_98, %add3A_534 : i32
        %get3A_536 = arith.index_cast %add3A_535 : i32 to index
        %get3A_537 = arith.constant 0 : index
        %get3A_538 = tpu.vector_load %arg7[%get3A_536, %get3A_537] {strides = array<i32>} : memref<1024x64xf32, #tpu.memory_space<vmem>>, vector<1x16xf32>,
        %get3A_539 = vector.shape_cast %get3A_538 : vector<1x16xf32> to vector<16xf32>
        %add3A_540 = arith.constant 7 : i32
        %add3A_541 = arith.addi %multiple_of3A_98, %add3A_540 : i32
        %get3A_542 = arith.index_cast %add3A_541 : i32 to index
        %get3A_543 = arith.constant 16 : index
        %get3A_544 = tpu.vector_load %arg7[%get3A_542, %get3A_543] {strides = array<i32>} : memref<1024x64xf32, #tpu.memory_space<vmem>>, vector<1x16xf32>,
        %get3A_545 = vector.shape_cast %get3A_544 : vector<1x16xf32> to vector<16xf32>
        %add3A_546 = arith.constant 7 : i32
        %add3A_547 = arith.addi %multiple_of3A_98, %add3A_546 : i32
        %get3A_548 = arith.index_cast %add3A_547 : i32 to index
        %get3A_549 = arith.constant 32 : index
        %get3A_550 = tpu.vector_load %arg7[%get3A_548, %get3A_549] {strides = array<i32>} : memref<1024x64xf32, #tpu.memory_space<vmem>>, vector<1x16xf32>,
        %get3A_551 = vector.shape_cast %get3A_550 : vector<1x16xf32> to vector<16xf32>
        %add3A_552 = arith.constant 7 : i32
        %add3A_553 = arith.addi %multiple_of3A_98, %add3A_552 : i32
        %get3A_554 = arith.index_cast %add3A_553 : i32 to index
        %get3A_555 = arith.constant 48 : index
        %get3A_556 = tpu.vector_load %arg7[%get3A_554, %get3A_555] {strides = array<i32>} : memref<1024x64xf32, #tpu.memory_space<vmem>>, vector<1x16xf32>,
        %get3A_557 = vector.shape_cast %get3A_556 : vector<1x16xf32> to vector<16xf32>
        %select_n3A_558 = arith.select %ne3A_533, %broadcast_in_dim3A_3, %max3A_499 : vector<16xf32>
        %max3A_559 = arith.maximumf %select_n3A_558, %get3A_539 : vector<16xf32>
        %select_n3A_560 = arith.select %ne3A_533, %broadcast_in_dim3A_3, %max3A_501 : vector<16xf32>
        %max3A_561 = arith.maximumf %select_n3A_560, %get3A_545 : vector<16xf32>
        %select_n3A_562 = arith.select %ne3A_533, %broadcast_in_dim3A_3, %max3A_503 : vector<16xf32>
        %max3A_563 = arith.maximumf %select_n3A_562, %get3A_551 : vector<16xf32>
        %select_n3A_564 = arith.select %ne3A_533, %broadcast_in_dim3A_3, %max3A_505 : vector<16xf32>
        %max3A_565 = arith.maximumf %select_n3A_564, %get3A_557 : vector<16xf32>
        %mul3A_566 = arith.constant 64 : i32
        %mul3A_567 = arith.muli %squeeze3A_532, %mul3A_566 : i32
        %multiple_of3A_568 = tpu.assume_multiple %mul3A_567, 8 : i32
        %swap3A_569 = arith.index_cast %multiple_of3A_568 : i32 to index
        %swap3A_570 = tpu.vector_load %arg9[%swap3A_569] {strides = array<i32>} : memref<20096xf32, #tpu.memory_space<vmem>>, vector<16xf32>,
        %swap3A_571 = vector.shape_cast %swap3A_570 : vector<16xf32> to vector<16xf32>
        %swap3A_572 = vector.shape_cast %max3A_559 : vector<16xf32> to vector<16xf32>
        tpu.vector_store %arg9[%swap3A_569], %swap3A_572 {strides = array<i32>} : memref<20096xf32, #tpu.memory_space<vmem>>, vector<16xf32>,
        %add3A_573 = arith.constant 16 : i32
        %add3A_574 = arith.addi %multiple_of3A_568, %add3A_573 : i32
        %swap3A_575 = arith.index_cast %add3A_574 : i32 to index
        %swap3A_576 = tpu.vector_load %arg9[%swap3A_575] {strides = array<i32>} : memref<20096xf32, #tpu.memory_space<vmem>>, vector<16xf32>,
        %swap3A_577 = vector.shape_cast %swap3A_576 : vector<16xf32> to vector<16xf32>
        %swap3A_578 = vector.shape_cast %max3A_561 : vector<16xf32> to vector<16xf32>
        tpu.vector_store %arg9[%swap3A_575], %swap3A_578 {strides = array<i32>} : memref<20096xf32, #tpu.memory_space<vmem>>, vector<16xf32>,
        %add3A_579 = arith.constant 32 : i32
        %add3A_580 = arith.addi %multiple_of3A_568, %add3A_579 : i32
        %swap3A_581 = arith.index_cast %add3A_580 : i32 to index
        %swap3A_582 = tpu.vector_load %arg9[%swap3A_581] {strides = array<i32>} : memref<20096xf32, #tpu.memory_space<vmem>>, vector<16xf32>,
        %swap3A_583 = vector.shape_cast %swap3A_582 : vector<16xf32> to vector<16xf32>
        %swap3A_584 = vector.shape_cast %max3A_563 : vector<16xf32> to vector<16xf32>
        tpu.vector_store %arg9[%swap3A_581], %swap3A_584 {strides = array<i32>} : memref<20096xf32, #tpu.memory_space<vmem>>, vector<16xf32>,
        %add3A_585 = arith.constant 48 : i32
        %add3A_586 = arith.addi %multiple_of3A_568, %add3A_585 : i32
        %swap3A_587 = arith.index_cast %add3A_586 : i32 to index
        %swap3A_588 = tpu.vector_load %arg9[%swap3A_587] {strides = array<i32>} : memref<20096xf32, #tpu.memory_space<vmem>>, vector<16xf32>,
        %swap3A_589 = vector.shape_cast %swap3A_588 : vector<16xf32> to vector<16xf32>
        %swap3A_590 = vector.shape_cast %max3A_565 : vector<16xf32> to vector<16xf32>
        tpu.vector_store %arg9[%swap3A_587], %swap3A_590 {strides = array<i32>} : memref<20096xf32, #tpu.memory_space<vmem>>, vector<16xf32>,
        %slice3A_591 = vector.extract_strided_slice %select_n3A_112 {offsets = [8], sizes = [1], strides = [1]} : vector<16xi32> to vector<1xi32>
        %squeeze3A_592 = vector.extract %slice3A_591[0] : i32 from vector<1xi32>
        %ne3A_593 = arith.cmpi ne, %squeeze3A_592, %squeeze3A_532 : i32
        %add3A_594 = arith.constant 8 : i32
        %add3A_595 = arith.addi %multiple_of3A_98, %add3A_594 : i32
        %get3A_596 = arith.index_cast %add3A_595 : i32 to index
        %get3A_597 = arith.constant 0 : index
        %get3A_598 = tpu.vector_load %arg7[%get3A_596, %get3A_597] {strides = array<i32>} : memref<1024x64xf32, #tpu.memory_space<vmem>>, vector<1x16xf32>,
        %get3A_599 = vector.shape_cast %get3A_598 : vector<1x16xf32> to vector<16xf32>
        %add3A_600 = arith.constant 8 : i32
        %add3A_601 = arith.addi %multiple_of3A_98, %add3A_600 : i32
        %get3A_602 = arith.index_cast %add3A_601 : i32 to index
        %get3A_603 = arith.constant 16 : index
        %get3A_604 = tpu.vector_load %arg7[%get3A_602, %get3A_603] {strides = array<i32>} : memref<1024x64xf32, #tpu.memory_space<vmem>>, vector<1x16xf32>,
        %get3A_605 = vector.shape_cast %get3A_604 : vector<1x16xf32> to vector<16xf32>
        %add3A_606 = arith.constant 8 : i32
        %add3A_607 = arith.addi %multiple_of3A_98, %add3A_606 : i32
        %get3A_608 = arith.index_cast %add3A_607 : i32 to index
        %get3A_609 = arith.constant 32 : index
        %get3A_610 = tpu.vector_load %arg7[%get3A_608, %get3A_609] {strides = array<i32>} : memref<1024x64xf32, #tpu.memory_space<vmem>>, vector<1x16xf32>,
        %get3A_611 = vector.shape_cast %get3A_610 : vector<1x16xf32> to vector<16xf32>
        %add3A_612 = arith.constant 8 : i32
        %add3A_613 = arith.addi %multiple_of3A_98, %add3A_612 : i32
        %get3A_614 = arith.index_cast %add3A_613 : i32 to index
        %get3A_615 = arith.constant 48 : index
        %get3A_616 = tpu.vector_load %arg7[%get3A_614, %get3A_615] {strides = array<i32>} : memref<1024x64xf32, #tpu.memory_space<vmem>>, vector<1x16xf32>,
        %get3A_617 = vector.shape_cast %get3A_616 : vector<1x16xf32> to vector<16xf32>
        %select_n3A_618 = arith.select %ne3A_593, %broadcast_in_dim3A_3, %max3A_559 : vector<16xf32>
        %max3A_619 = arith.maximumf %select_n3A_618, %get3A_599 : vector<16xf32>
        %select_n3A_620 = arith.select %ne3A_593, %broadcast_in_dim3A_3, %max3A_561 : vector<16xf32>
        %max3A_621 = arith.maximumf %select_n3A_620, %get3A_605 : vector<16xf32>
        %select_n3A_622 = arith.select %ne3A_593, %broadcast_in_dim3A_3, %max3A_563 : vector<16xf32>
        %max3A_623 = arith.maximumf %select_n3A_622, %get3A_611 : vector<16xf32>
        %select_n3A_624 = arith.select %ne3A_593, %broadcast_in_dim3A_3, %max3A_565 : vector<16xf32>
        %max3A_625 = arith.maximumf %select_n3A_624, %get3A_617 : vector<16xf32>
        %mul3A_626 = arith.constant 64 : i32
        %mul3A_627 = arith.muli %squeeze3A_592, %mul3A_626 : i32
        %multiple_of3A_628 = tpu.assume_multiple %mul3A_627, 8 : i32
        %swap3A_629 = arith.index_cast %multiple_of3A_628 : i32 to index
        %swap3A_630 = tpu.vector_load %arg9[%swap3A_629] {strides = array<i32>} : memref<20096xf32, #tpu.memory_space<vmem>>, vector<16xf32>,
        %swap3A_631 = vector.shape_cast %swap3A_630 : vector<16xf32> to vector<16xf32>
        %swap3A_632 = vector.shape_cast %max3A_619 : vector<16xf32> to vector<16xf32>
        tpu.vector_store %arg9[%swap3A_629], %swap3A_632 {strides = array<i32>} : memref<20096xf32, #tpu.memory_space<vmem>>, vector<16xf32>,
        %add3A_633 = arith.constant 16 : i32
        %add3A_634 = arith.addi %multiple_of3A_628, %add3A_633 : i32
        %swap3A_635 = arith.index_cast %add3A_634 : i32 to index
        %swap3A_636 = tpu.vector_load %arg9[%swap3A_635] {strides = array<i32>} : memref<20096xf32, #tpu.memory_space<vmem>>, vector<16xf32>,
        %swap3A_637 = vector.shape_cast %swap3A_636 : vector<16xf32> to vector<16xf32>
        %swap3A_638 = vector.shape_cast %max3A_621 : vector<16xf32> to vector<16xf32>
        tpu.vector_store %arg9[%swap3A_635], %swap3A_638 {strides = array<i32>} : memref<20096xf32, #tpu.memory_space<vmem>>, vector<16xf32>,
        %add3A_639 = arith.constant 32 : i32
        %add3A_640 = arith.addi %multiple_of3A_628, %add3A_639 : i32
        %swap3A_641 = arith.index_cast %add3A_640 : i32 to index
        %swap3A_642 = tpu.vector_load %arg9[%swap3A_641] {strides = array<i32>} : memref<20096xf32, #tpu.memory_space<vmem>>, vector<16xf32>,
        %swap3A_643 = vector.shape_cast %swap3A_642 : vector<16xf32> to vector<16xf32>
        %swap3A_644 = vector.shape_cast %max3A_623 : vector<16xf32> to vector<16xf32>
        tpu.vector_store %arg9[%swap3A_641], %swap3A_644 {strides = array<i32>} : memref<20096xf32, #tpu.memory_space<vmem>>, vector<16xf32>,
        %add3A_645 = arith.constant 48 : i32
        %add3A_646 = arith.addi %multiple_of3A_628, %add3A_645 : i32
        %swap3A_647 = arith.index_cast %add3A_646 : i32 to index
        %swap3A_648 = tpu.vector_load %arg9[%swap3A_647] {strides = array<i32>} : memref<20096xf32, #tpu.memory_space<vmem>>, vector<16xf32>,
        %swap3A_649 = vector.shape_cast %swap3A_648 : vector<16xf32> to vector<16xf32>
        %swap3A_650 = vector.shape_cast %max3A_625 : vector<16xf32> to vector<16xf32>
        tpu.vector_store %arg9[%swap3A_647], %swap3A_650 {strides = array<i32>} : memref<20096xf32, #tpu.memory_space<vmem>>, vector<16xf32>,
        %slice3A_651 = vector.extract_strided_slice %select_n3A_112 {offsets = [9], sizes = [1], strides = [1]} : vector<16xi32> to vector<1xi32>
        %squeeze3A_652 = vector.extract %slice3A_651[0] : i32 from vector<1xi32>
        %ne3A_653 = arith.cmpi ne, %squeeze3A_652, %squeeze3A_592 : i32
        %add3A_654 = arith.constant 9 : i32
        %add3A_655 = arith.addi %multiple_of3A_98, %add3A_654 : i32
        %get3A_656 = arith.index_cast %add3A_655 : i32 to index
        %get3A_657 = arith.constant 0 : index
        %get3A_658 = tpu.vector_load %arg7[%get3A_656, %get3A_657] {strides = array<i32>} : memref<1024x64xf32, #tpu.memory_space<vmem>>, vector<1x16xf32>,
        %get3A_659 = vector.shape_cast %get3A_658 : vector<1x16xf32> to vector<16xf32>
        %add3A_660 = arith.constant 9 : i32
        %add3A_661 = arith.addi %multiple_of3A_98, %add3A_660 : i32
        %get3A_662 = arith.index_cast %add3A_661 : i32 to index
        %get3A_663 = arith.constant 16 : index
        %get3A_664 = tpu.vector_load %arg7[%get3A_662, %get3A_663] {strides = array<i32>} : memref<1024x64xf32, #tpu.memory_space<vmem>>, vector<1x16xf32>,
        %get3A_665 = vector.shape_cast %get3A_664 : vector<1x16xf32> to vector<16xf32>
        %add3A_666 = arith.constant 9 : i32
        %add3A_667 = arith.addi %multiple_of3A_98, %add3A_666 : i32
        %get3A_668 = arith.index_cast %add3A_667 : i32 to index
        %get3A_669 = arith.constant 32 : index
        %get3A_670 = tpu.vector_load %arg7[%get3A_668, %get3A_669] {strides = array<i32>} : memref<1024x64xf32, #tpu.memory_space<vmem>>, vector<1x16xf32>,
        %get3A_671 = vector.shape_cast %get3A_670 : vector<1x16xf32> to vector<16xf32>
        %add3A_672 = arith.constant 9 : i32
        %add3A_673 = arith.addi %multiple_of3A_98, %add3A_672 : i32
        %get3A_674 = arith.index_cast %add3A_673 : i32 to index
        %get3A_675 = arith.constant 48 : index
        %get3A_676 = tpu.vector_load %arg7[%get3A_674, %get3A_675] {strides = array<i32>} : memref<1024x64xf32, #tpu.memory_space<vmem>>, vector<1x16xf32>,
        %get3A_677 = vector.shape_cast %get3A_676 : vector<1x16xf32> to vector<16xf32>
        %select_n3A_678 = arith.select %ne3A_653, %broadcast_in_dim3A_3, %max3A_619 : vector<16xf32>
        %max3A_679 = arith.maximumf %select_n3A_678, %get3A_659 : vector<16xf32>
        %select_n3A_680 = arith.select %ne3A_653, %broadcast_in_dim3A_3, %max3A_621 : vector<16xf32>
        %max3A_681 = arith.maximumf %select_n3A_680, %get3A_665 : vector<16xf32>
        %select_n3A_682 = arith.select %ne3A_653, %broadcast_in_dim3A_3, %max3A_623 : vector<16xf32>
        %max3A_683 = arith.maximumf %select_n3A_682, %get3A_671 : vector<16xf32>
        %select_n3A_684 = arith.select %ne3A_653, %broadcast_in_dim3A_3, %max3A_625 : vector<16xf32>
        %max3A_685 = arith.maximumf %select_n3A_684, %get3A_677 : vector<16xf32>
        %mul3A_686 = arith.constant 64 : i32
        %mul3A_687 = arith.muli %squeeze3A_652, %mul3A_686 : i32
        %multiple_of3A_688 = tpu.assume_multiple %mul3A_687, 8 : i32
        %swap3A_689 = arith.index_cast %multiple_of3A_688 : i32 to index
        %swap3A_690 = tpu.vector_load %arg9[%swap3A_689] {strides = array<i32>} : memref<20096xf32, #tpu.memory_space<vmem>>, vector<16xf32>,
        %swap3A_691 = vector.shape_cast %swap3A_690 : vector<16xf32> to vector<16xf32>
        %swap3A_692 = vector.shape_cast %max3A_679 : vector<16xf32> to vector<16xf32>
        tpu.vector_store %arg9[%swap3A_689], %swap3A_692 {strides = array<i32>} : memref<20096xf32, #tpu.memory_space<vmem>>, vector<16xf32>,
        %add3A_693 = arith.constant 16 : i32
        %add3A_694 = arith.addi %multiple_of3A_688, %add3A_693 : i32
        %swap3A_695 = arith.index_cast %add3A_694 : i32 to index
        %swap3A_696 = tpu.vector_load %arg9[%swap3A_695] {strides = array<i32>} : memref<20096xf32, #tpu.memory_space<vmem>>, vector<16xf32>,
        %swap3A_697 = vector.shape_cast %swap3A_696 : vector<16xf32> to vector<16xf32>
        %swap3A_698 = vector.shape_cast %max3A_681 : vector<16xf32> to vector<16xf32>
        tpu.vector_store %arg9[%swap3A_695], %swap3A_698 {strides = array<i32>} : memref<20096xf32, #tpu.memory_space<vmem>>, vector<16xf32>,
        %add3A_699 = arith.constant 32 : i32
        %add3A_700 = arith.addi %multiple_of3A_688, %add3A_699 : i32
        %swap3A_701 = arith.index_cast %add3A_700 : i32 to index
        %swap3A_702 = tpu.vector_load %arg9[%swap3A_701] {strides = array<i32>} : memref<20096xf32, #tpu.memory_space<vmem>>, vector<16xf32>,
        %swap3A_703 = vector.shape_cast %swap3A_702 : vector<16xf32> to vector<16xf32>
        %swap3A_704 = vector.shape_cast %max3A_683 : vector<16xf32> to vector<16xf32>
        tpu.vector_store %arg9[%swap3A_701], %swap3A_704 {strides = array<i32>} : memref<20096xf32, #tpu.memory_space<vmem>>, vector<16xf32>,
        %add3A_705 = arith.constant 48 : i32
        %add3A_706 = arith.addi %multiple_of3A_688, %add3A_705 : i32
        %swap3A_707 = arith.index_cast %add3A_706 : i32 to index
        %swap3A_708 = tpu.vector_load %arg9[%swap3A_707] {strides = array<i32>} : memref<20096xf32, #tpu.memory_space<vmem>>, vector<16xf32>,
        %swap3A_709 = vector.shape_cast %swap3A_708 : vector<16xf32> to vector<16xf32>
        %swap3A_710 = vector.shape_cast %max3A_685 : vector<16xf32> to vector<16xf32>
        tpu.vector_store %arg9[%swap3A_707], %swap3A_710 {strides = array<i32>} : memref<20096xf32, #tpu.memory_space<vmem>>, vector<16xf32>,
        %slice3A_711 = vector.extract_strided_slice %select_n3A_112 {offsets = [10], sizes = [1], strides = [1]} : vector<16xi32> to vector<1xi32>
        %squeeze3A_712 = vector.extract %slice3A_711[0] : i32 from vector<1xi32>
        %ne3A_713 = arith.cmpi ne, %squeeze3A_712, %squeeze3A_652 : i32
        %add3A_714 = arith.constant 10 : i32
        %add3A_715 = arith.addi %multiple_of3A_98, %add3A_714 : i32
        %get3A_716 = arith.index_cast %add3A_715 : i32 to index
        %get3A_717 = arith.constant 0 : index
        %get3A_718 = tpu.vector_load %arg7[%get3A_716, %get3A_717] {strides = array<i32>} : memref<1024x64xf32, #tpu.memory_space<vmem>>, vector<1x16xf32>,
        %get3A_719 = vector.shape_cast %get3A_718 : vector<1x16xf32> to vector<16xf32>
        %add3A_720 = arith.constant 10 : i32
        %add3A_721 = arith.addi %multiple_of3A_98, %add3A_720 : i32
        %get3A_722 = arith.index_cast %add3A_721 : i32 to index
        %get3A_723 = arith.constant 16 : index
        %get3A_724 = tpu.vector_load %arg7[%get3A_722, %get3A_723] {strides = array<i32>} : memref<1024x64xf32, #tpu.memory_space<vmem>>, vector<1x16xf32>,
        %get3A_725 = vector.shape_cast %get3A_724 : vector<1x16xf32> to vector<16xf32>
        %add3A_726 = arith.constant 10 : i32
        %add3A_727 = arith.addi %multiple_of3A_98, %add3A_726 : i32
        %get3A_728 = arith.index_cast %add3A_727 : i32 to index
        %get3A_729 = arith.constant 32 : index
        %get3A_730 = tpu.vector_load %arg7[%get3A_728, %get3A_729] {strides = array<i32>} : memref<1024x64xf32, #tpu.memory_space<vmem>>, vector<1x16xf32>,
        %get3A_731 = vector.shape_cast %get3A_730 : vector<1x16xf32> to vector<16xf32>
        %add3A_732 = arith.constant 10 : i32
        %add3A_733 = arith.addi %multiple_of3A_98, %add3A_732 : i32
        %get3A_734 = arith.index_cast %add3A_733 : i32 to index
        %get3A_735 = arith.constant 48 : index
        %get3A_736 = tpu.vector_load %arg7[%get3A_734, %get3A_735] {strides = array<i32>} : memref<1024x64xf32, #tpu.memory_space<vmem>>, vector<1x16xf32>,
        %get3A_737 = vector.shape_cast %get3A_736 : vector<1x16xf32> to vector<16xf32>
        %select_n3A_738 = arith.select %ne3A_713, %broadcast_in_dim3A_3, %max3A_679 : vector<16xf32>
        %max3A_739 = arith.maximumf %select_n3A_738, %get3A_719 : vector<16xf32>
        %select_n3A_740 = arith.select %ne3A_713, %broadcast_in_dim3A_3, %max3A_681 : vector<16xf32>
        %max3A_741 = arith.maximumf %select_n3A_740, %get3A_725 : vector<16xf32>
        %select_n3A_742 = arith.select %ne3A_713, %broadcast_in_dim3A_3, %max3A_683 : vector<16xf32>
        %max3A_743 = arith.maximumf %select_n3A_742, %get3A_731 : vector<16xf32>
        %select_n3A_744 = arith.select %ne3A_713, %broadcast_in_dim3A_3, %max3A_685 : vector<16xf32>
        %max3A_745 = arith.maximumf %select_n3A_744, %get3A_737 : vector<16xf32>
        %mul3A_746 = arith.constant 64 : i32
        %mul3A_747 = arith.muli %squeeze3A_712, %mul3A_746 : i32
        %multiple_of3A_748 = tpu.assume_multiple %mul3A_747, 8 : i32
        %swap3A_749 = arith.index_cast %multiple_of3A_748 : i32 to index
        %swap3A_750 = tpu.vector_load %arg9[%swap3A_749] {strides = array<i32>} : memref<20096xf32, #tpu.memory_space<vmem>>, vector<16xf32>,
        %swap3A_751 = vector.shape_cast %swap3A_750 : vector<16xf32> to vector<16xf32>
        %swap3A_752 = vector.shape_cast %max3A_739 : vector<16xf32> to vector<16xf32>
        tpu.vector_store %arg9[%swap3A_749], %swap3A_752 {strides = array<i32>} : memref<20096xf32, #tpu.memory_space<vmem>>, vector<16xf32>,
        %add3A_753 = arith.constant 16 : i32
        %add3A_754 = arith.addi %multiple_of3A_748, %add3A_753 : i32
        %swap3A_755 = arith.index_cast %add3A_754 : i32 to index
        %swap3A_756 = tpu.vector_load %arg9[%swap3A_755] {strides = array<i32>} : memref<20096xf32, #tpu.memory_space<vmem>>, vector<16xf32>,
        %swap3A_757 = vector.shape_cast %swap3A_756 : vector<16xf32> to vector<16xf32>
        %swap3A_758 = vector.shape_cast %max3A_741 : vector<16xf32> to vector<16xf32>
        tpu.vector_store %arg9[%swap3A_755], %swap3A_758 {strides = array<i32>} : memref<20096xf32, #tpu.memory_space<vmem>>, vector<16xf32>,
        %add3A_759 = arith.constant 32 : i32
        %add3A_760 = arith.addi %multiple_of3A_748, %add3A_759 : i32
        %swap3A_761 = arith.index_cast %add3A_760 : i32 to index
        %swap3A_762 = tpu.vector_load %arg9[%swap3A_761] {strides = array<i32>} : memref<20096xf32, #tpu.memory_space<vmem>>, vector<16xf32>,
        %swap3A_763 = vector.shape_cast %swap3A_762 : vector<16xf32> to vector<16xf32>
        %swap3A_764 = vector.shape_cast %max3A_743 : vector<16xf32> to vector<16xf32>
        tpu.vector_store %arg9[%swap3A_761], %swap3A_764 {strides = array<i32>} : memref<20096xf32, #tpu.memory_space<vmem>>, vector<16xf32>,
        %add3A_765 = arith.constant 48 : i32
        %add3A_766 = arith.addi %multiple_of3A_748, %add3A_765 : i32
        %swap3A_767 = arith.index_cast %add3A_766 : i32 to index
        %swap3A_768 = tpu.vector_load %arg9[%swap3A_767] {strides = array<i32>} : memref<20096xf32, #tpu.memory_space<vmem>>, vector<16xf32>,
        %swap3A_769 = vector.shape_cast %swap3A_768 : vector<16xf32> to vector<16xf32>
        %swap3A_770 = vector.shape_cast %max3A_745 : vector<16xf32> to vector<16xf32>
        tpu.vector_store %arg9[%swap3A_767], %swap3A_770 {strides = array<i32>} : memref<20096xf32, #tpu.memory_space<vmem>>, vector<16xf32>,
        %slice3A_771 = vector.extract_strided_slice %select_n3A_112 {offsets = [11], sizes = [1], strides = [1]} : vector<16xi32> to vector<1xi32>
        %squeeze3A_772 = vector.extract %slice3A_771[0] : i32 from vector<1xi32>
        %ne3A_773 = arith.cmpi ne, %squeeze3A_772, %squeeze3A_712 : i32
        %add3A_774 = arith.constant 11 : i32
        %add3A_775 = arith.addi %multiple_of3A_98, %add3A_774 : i32
        %get3A_776 = arith.index_cast %add3A_775 : i32 to index
        %get3A_777 = arith.constant 0 : index
        %get3A_778 = tpu.vector_load %arg7[%get3A_776, %get3A_777] {strides = array<i32>} : memref<1024x64xf32, #tpu.memory_space<vmem>>, vector<1x16xf32>,
        %get3A_779 = vector.shape_cast %get3A_778 : vector<1x16xf32> to vector<16xf32>
        %add3A_780 = arith.constant 11 : i32
        %add3A_781 = arith.addi %multiple_of3A_98, %add3A_780 : i32
        %get3A_782 = arith.index_cast %add3A_781 : i32 to index
        %get3A_783 = arith.constant 16 : index
        %get3A_784 = tpu.vector_load %arg7[%get3A_782, %get3A_783] {strides = array<i32>} : memref<1024x64xf32, #tpu.memory_space<vmem>>, vector<1x16xf32>,
        %get3A_785 = vector.shape_cast %get3A_784 : vector<1x16xf32> to vector<16xf32>
        %add3A_786 = arith.constant 11 : i32
        %add3A_787 = arith.addi %multiple_of3A_98, %add3A_786 : i32
        %get3A_788 = arith.index_cast %add3A_787 : i32 to index
        %get3A_789 = arith.constant 32 : index
        %get3A_790 = tpu.vector_load %arg7[%get3A_788, %get3A_789] {strides = array<i32>} : memref<1024x64xf32, #tpu.memory_space<vmem>>, vector<1x16xf32>,
        %get3A_791 = vector.shape_cast %get3A_790 : vector<1x16xf32> to vector<16xf32>
        %add3A_792 = arith.constant 11 : i32
        %add3A_793 = arith.addi %multiple_of3A_98, %add3A_792 : i32
        %get3A_794 = arith.index_cast %add3A_793 : i32 to index
        %get3A_795 = arith.constant 48 : index
        %get3A_796 = tpu.vector_load %arg7[%get3A_794, %get3A_795] {strides = array<i32>} : memref<1024x64xf32, #tpu.memory_space<vmem>>, vector<1x16xf32>,
        %get3A_797 = vector.shape_cast %get3A_796 : vector<1x16xf32> to vector<16xf32>
        %select_n3A_798 = arith.select %ne3A_773, %broadcast_in_dim3A_3, %max3A_739 : vector<16xf32>
        %max3A_799 = arith.maximumf %select_n3A_798, %get3A_779 : vector<16xf32>
        %select_n3A_800 = arith.select %ne3A_773, %broadcast_in_dim3A_3, %max3A_741 : vector<16xf32>
        %max3A_801 = arith.maximumf %select_n3A_800, %get3A_785 : vector<16xf32>
        %select_n3A_802 = arith.select %ne3A_773, %broadcast_in_dim3A_3, %max3A_743 : vector<16xf32>
        %max3A_803 = arith.maximumf %select_n3A_802, %get3A_791 : vector<16xf32>
        %select_n3A_804 = arith.select %ne3A_773, %broadcast_in_dim3A_3, %max3A_745 : vector<16xf32>
        %max3A_805 = arith.maximumf %select_n3A_804, %get3A_797 : vector<16xf32>
        %mul3A_806 = arith.constant 64 : i32
        %mul3A_807 = arith.muli %squeeze3A_772, %mul3A_806 : i32
        %multiple_of3A_808 = tpu.assume_multiple %mul3A_807, 8 : i32
        %swap3A_809 = arith.index_cast %multiple_of3A_808 : i32 to index
        %swap3A_810 = tpu.vector_load %arg9[%swap3A_809] {strides = array<i32>} : memref<20096xf32, #tpu.memory_space<vmem>>, vector<16xf32>,
        %swap3A_811 = vector.shape_cast %swap3A_810 : vector<16xf32> to vector<16xf32>
        %swap3A_812 = vector.shape_cast %max3A_799 : vector<16xf32> to vector<16xf32>
        tpu.vector_store %arg9[%swap3A_809], %swap3A_812 {strides = array<i32>} : memref<20096xf32, #tpu.memory_space<vmem>>, vector<16xf32>,
        %add3A_813 = arith.constant 16 : i32
        %add3A_814 = arith.addi %multiple_of3A_808, %add3A_813 : i32
        %swap3A_815 = arith.index_cast %add3A_814 : i32 to index
        %swap3A_816 = tpu.vector_load %arg9[%swap3A_815] {strides = array<i32>} : memref<20096xf32, #tpu.memory_space<vmem>>, vector<16xf32>,
        %swap3A_817 = vector.shape_cast %swap3A_816 : vector<16xf32> to vector<16xf32>
        %swap3A_818 = vector.shape_cast %max3A_801 : vector<16xf32> to vector<16xf32>
        tpu.vector_store %arg9[%swap3A_815], %swap3A_818 {strides = array<i32>} : memref<20096xf32, #tpu.memory_space<vmem>>, vector<16xf32>,
        %add3A_819 = arith.constant 32 : i32
        %add3A_820 = arith.addi %multiple_of3A_808, %add3A_819 : i32
        %swap3A_821 = arith.index_cast %add3A_820 : i32 to index
        %swap3A_822 = tpu.vector_load %arg9[%swap3A_821] {strides = array<i32>} : memref<20096xf32, #tpu.memory_space<vmem>>, vector<16xf32>,
        %swap3A_823 = vector.shape_cast %swap3A_822 : vector<16xf32> to vector<16xf32>
        %swap3A_824 = vector.shape_cast %max3A_803 : vector<16xf32> to vector<16xf32>
        tpu.vector_store %arg9[%swap3A_821], %swap3A_824 {strides = array<i32>} : memref<20096xf32, #tpu.memory_space<vmem>>, vector<16xf32>,
        %add3A_825 = arith.constant 48 : i32
        %add3A_826 = arith.addi %multiple_of3A_808, %add3A_825 : i32
        %swap3A_827 = arith.index_cast %add3A_826 : i32 to index
        %swap3A_828 = tpu.vector_load %arg9[%swap3A_827] {strides = array<i32>} : memref<20096xf32, #tpu.memory_space<vmem>>, vector<16xf32>,
        %swap3A_829 = vector.shape_cast %swap3A_828 : vector<16xf32> to vector<16xf32>
        %swap3A_830 = vector.shape_cast %max3A_805 : vector<16xf32> to vector<16xf32>
        tpu.vector_store %arg9[%swap3A_827], %swap3A_830 {strides = array<i32>} : memref<20096xf32, #tpu.memory_space<vmem>>, vector<16xf32>,
        %slice3A_831 = vector.extract_strided_slice %select_n3A_112 {offsets = [12], sizes = [1], strides = [1]} : vector<16xi32> to vector<1xi32>
        %squeeze3A_832 = vector.extract %slice3A_831[0] : i32 from vector<1xi32>
        %ne3A_833 = arith.cmpi ne, %squeeze3A_832, %squeeze3A_772 : i32
        %add3A_834 = arith.constant 12 : i32
        %add3A_835 = arith.addi %multiple_of3A_98, %add3A_834 : i32
        %get3A_836 = arith.index_cast %add3A_835 : i32 to index
        %get3A_837 = arith.constant 0 : index
        %get3A_838 = tpu.vector_load %arg7[%get3A_836, %get3A_837] {strides = array<i32>} : memref<1024x64xf32, #tpu.memory_space<vmem>>, vector<1x16xf32>,
        %get3A_839 = vector.shape_cast %get3A_838 : vector<1x16xf32> to vector<16xf32>
        %add3A_840 = arith.constant 12 : i32
        %add3A_841 = arith.addi %multiple_of3A_98, %add3A_840 : i32
        %get3A_842 = arith.index_cast %add3A_841 : i32 to index
        %get3A_843 = arith.constant 16 : index
        %get3A_844 = tpu.vector_load %arg7[%get3A_842, %get3A_843] {strides = array<i32>} : memref<1024x64xf32, #tpu.memory_space<vmem>>, vector<1x16xf32>,
        %get3A_845 = vector.shape_cast %get3A_844 : vector<1x16xf32> to vector<16xf32>
        %add3A_846 = arith.constant 12 : i32
        %add3A_847 = arith.addi %multiple_of3A_98, %add3A_846 : i32
        %get3A_848 = arith.index_cast %add3A_847 : i32 to index
        %get3A_849 = arith.constant 32 : index
        %get3A_850 = tpu.vector_load %arg7[%get3A_848, %get3A_849] {strides = array<i32>} : memref<1024x64xf32, #tpu.memory_space<vmem>>, vector<1x16xf32>,
        %get3A_851 = vector.shape_cast %get3A_850 : vector<1x16xf32> to vector<16xf32>
        %add3A_852 = arith.constant 12 : i32
        %add3A_853 = arith.addi %multiple_of3A_98, %add3A_852 : i32
        %get3A_854 = arith.index_cast %add3A_853 : i32 to index
        %get3A_855 = arith.constant 48 : index
        %get3A_856 = tpu.vector_load %arg7[%get3A_854, %get3A_855] {strides = array<i32>} : memref<1024x64xf32, #tpu.memory_space<vmem>>, vector<1x16xf32>,
        %get3A_857 = vector.shape_cast %get3A_856 : vector<1x16xf32> to vector<16xf32>
        %select_n3A_858 = arith.select %ne3A_833, %broadcast_in_dim3A_3, %max3A_799 : vector<16xf32>
        %max3A_859 = arith.maximumf %select_n3A_858, %get3A_839 : vector<16xf32>
        %select_n3A_860 = arith.select %ne3A_833, %broadcast_in_dim3A_3, %max3A_801 : vector<16xf32>
        %max3A_861 = arith.maximumf %select_n3A_860, %get3A_845 : vector<16xf32>
        %select_n3A_862 = arith.select %ne3A_833, %broadcast_in_dim3A_3, %max3A_803 : vector<16xf32>
        %max3A_863 = arith.maximumf %select_n3A_862, %get3A_851 : vector<16xf32>
        %select_n3A_864 = arith.select %ne3A_833, %broadcast_in_dim3A_3, %max3A_805 : vector<16xf32>
        %max3A_865 = arith.maximumf %select_n3A_864, %get3A_857 : vector<16xf32>
        %mul3A_866 = arith.constant 64 : i32
        %mul3A_867 = arith.muli %squeeze3A_832, %mul3A_866 : i32
        %multiple_of3A_868 = tpu.assume_multiple %mul3A_867, 8 : i32
        %swap3A_869 = arith.index_cast %multiple_of3A_868 : i32 to index
        %swap3A_870 = tpu.vector_load %arg9[%swap3A_869] {strides = array<i32>} : memref<20096xf32, #tpu.memory_space<vmem>>, vector<16xf32>,
        %swap3A_871 = vector.shape_cast %swap3A_870 : vector<16xf32> to vector<16xf32>
        %swap3A_872 = vector.shape_cast %max3A_859 : vector<16xf32> to vector<16xf32>
        tpu.vector_store %arg9[%swap3A_869], %swap3A_872 {strides = array<i32>} : memref<20096xf32, #tpu.memory_space<vmem>>, vector<16xf32>,
        %add3A_873 = arith.constant 16 : i32
        %add3A_874 = arith.addi %multiple_of3A_868, %add3A_873 : i32
        %swap3A_875 = arith.index_cast %add3A_874 : i32 to index
        %swap3A_876 = tpu.vector_load %arg9[%swap3A_875] {strides = array<i32>} : memref<20096xf32, #tpu.memory_space<vmem>>, vector<16xf32>,
        %swap3A_877 = vector.shape_cast %swap3A_876 : vector<16xf32> to vector<16xf32>
        %swap3A_878 = vector.shape_cast %max3A_861 : vector<16xf32> to vector<16xf32>
        tpu.vector_store %arg9[%swap3A_875], %swap3A_878 {strides = array<i32>} : memref<20096xf32, #tpu.memory_space<vmem>>, vector<16xf32>,
        %add3A_879 = arith.constant 32 : i32
        %add3A_880 = arith.addi %multiple_of3A_868, %add3A_879 : i32
        %swap3A_881 = arith.index_cast %add3A_880 : i32 to index
        %swap3A_882 = tpu.vector_load %arg9[%swap3A_881] {strides = array<i32>} : memref<20096xf32, #tpu.memory_space<vmem>>, vector<16xf32>,
        %swap3A_883 = vector.shape_cast %swap3A_882 : vector<16xf32> to vector<16xf32>
        %swap3A_884 = vector.shape_cast %max3A_863 : vector<16xf32> to vector<16xf32>
        tpu.vector_store %arg9[%swap3A_881], %swap3A_884 {strides = array<i32>} : memref<20096xf32, #tpu.memory_space<vmem>>, vector<16xf32>,
        %add3A_885 = arith.constant 48 : i32
        %add3A_886 = arith.addi %multiple_of3A_868, %add3A_885 : i32
        %swap3A_887 = arith.index_cast %add3A_886 : i32 to index
        %swap3A_888 = tpu.vector_load %arg9[%swap3A_887] {strides = array<i32>} : memref<20096xf32, #tpu.memory_space<vmem>>, vector<16xf32>,
        %swap3A_889 = vector.shape_cast %swap3A_888 : vector<16xf32> to vector<16xf32>
        %swap3A_890 = vector.shape_cast %max3A_865 : vector<16xf32> to vector<16xf32>
        tpu.vector_store %arg9[%swap3A_887], %swap3A_890 {strides = array<i32>} : memref<20096xf32, #tpu.memory_space<vmem>>, vector<16xf32>,
        %slice3A_891 = vector.extract_strided_slice %select_n3A_112 {offsets = [13], sizes = [1], strides = [1]} : vector<16xi32> to vector<1xi32>
        %squeeze3A_892 = vector.extract %slice3A_891[0] : i32 from vector<1xi32>
        %ne3A_893 = arith.cmpi ne, %squeeze3A_892, %squeeze3A_832 : i32
        %add3A_894 = arith.constant 13 : i32
        %add3A_895 = arith.addi %multiple_of3A_98, %add3A_894 : i32
        %get3A_896 = arith.index_cast %add3A_895 : i32 to index
        %get3A_897 = arith.constant 0 : index
        %get3A_898 = tpu.vector_load %arg7[%get3A_896, %get3A_897] {strides = array<i32>} : memref<1024x64xf32, #tpu.memory_space<vmem>>, vector<1x16xf32>,
        %get3A_899 = vector.shape_cast %get3A_898 : vector<1x16xf32> to vector<16xf32>
        %add3A_900 = arith.constant 13 : i32
        %add3A_901 = arith.addi %multiple_of3A_98, %add3A_900 : i32
        %get3A_902 = arith.index_cast %add3A_901 : i32 to index
        %get3A_903 = arith.constant 16 : index
        %get3A_904 = tpu.vector_load %arg7[%get3A_902, %get3A_903] {strides = array<i32>} : memref<1024x64xf32, #tpu.memory_space<vmem>>, vector<1x16xf32>,
        %get3A_905 = vector.shape_cast %get3A_904 : vector<1x16xf32> to vector<16xf32>
        %add3A_906 = arith.constant 13 : i32
        %add3A_907 = arith.addi %multiple_of3A_98, %add3A_906 : i32
        %get3A_908 = arith.index_cast %add3A_907 : i32 to index
        %get3A_909 = arith.constant 32 : index
        %get3A_910 = tpu.vector_load %arg7[%get3A_908, %get3A_909] {strides = array<i32>} : memref<1024x64xf32, #tpu.memory_space<vmem>>, vector<1x16xf32>,
        %get3A_911 = vector.shape_cast %get3A_910 : vector<1x16xf32> to vector<16xf32>
        %add3A_912 = arith.constant 13 : i32
        %add3A_913 = arith.addi %multiple_of3A_98, %add3A_912 : i32
        %get3A_914 = arith.index_cast %add3A_913 : i32 to index
        %get3A_915 = arith.constant 48 : index
        %get3A_916 = tpu.vector_load %arg7[%get3A_914, %get3A_915] {strides = array<i32>} : memref<1024x64xf32, #tpu.memory_space<vmem>>, vector<1x16xf32>,
        %get3A_917 = vector.shape_cast %get3A_916 : vector<1x16xf32> to vector<16xf32>
        %select_n3A_918 = arith.select %ne3A_893, %broadcast_in_dim3A_3, %max3A_859 : vector<16xf32>
        %max3A_919 = arith.maximumf %select_n3A_918, %get3A_899 : vector<16xf32>
        %select_n3A_920 = arith.select %ne3A_893, %broadcast_in_dim3A_3, %max3A_861 : vector<16xf32>
        %max3A_921 = arith.maximumf %select_n3A_920, %get3A_905 : vector<16xf32>
        %select_n3A_922 = arith.select %ne3A_893, %broadcast_in_dim3A_3, %max3A_863 : vector<16xf32>
        %max3A_923 = arith.maximumf %select_n3A_922, %get3A_911 : vector<16xf32>
        %select_n3A_924 = arith.select %ne3A_893, %broadcast_in_dim3A_3, %max3A_865 : vector<16xf32>
        %max3A_925 = arith.maximumf %select_n3A_924, %get3A_917 : vector<16xf32>
        %mul3A_926 = arith.constant 64 : i32
        %mul3A_927 = arith.muli %squeeze3A_892, %mul3A_926 : i32
        %multiple_of3A_928 = tpu.assume_multiple %mul3A_927, 8 : i32
        %swap3A_929 = arith.index_cast %multiple_of3A_928 : i32 to index
        %swap3A_930 = tpu.vector_load %arg9[%swap3A_929] {strides = array<i32>} : memref<20096xf32, #tpu.memory_space<vmem>>, vector<16xf32>,
        %swap3A_931 = vector.shape_cast %swap3A_930 : vector<16xf32> to vector<16xf32>
        %swap3A_932 = vector.shape_cast %max3A_919 : vector<16xf32> to vector<16xf32>
        tpu.vector_store %arg9[%swap3A_929], %swap3A_932 {strides = array<i32>} : memref<20096xf32, #tpu.memory_space<vmem>>, vector<16xf32>,
        %add3A_933 = arith.constant 16 : i32
        %add3A_934 = arith.addi %multiple_of3A_928, %add3A_933 : i32
        %swap3A_935 = arith.index_cast %add3A_934 : i32 to index
        %swap3A_936 = tpu.vector_load %arg9[%swap3A_935] {strides = array<i32>} : memref<20096xf32, #tpu.memory_space<vmem>>, vector<16xf32>,
        %swap3A_937 = vector.shape_cast %swap3A_936 : vector<16xf32> to vector<16xf32>
        %swap3A_938 = vector.shape_cast %max3A_921 : vector<16xf32> to vector<16xf32>
        tpu.vector_store %arg9[%swap3A_935], %swap3A_938 {strides = array<i32>} : memref<20096xf32, #tpu.memory_space<vmem>>, vector<16xf32>,
        %add3A_939 = arith.constant 32 : i32
        %add3A_940 = arith.addi %multiple_of3A_928, %add3A_939 : i32
        %swap3A_941 = arith.index_cast %add3A_940 : i32 to index
        %swap3A_942 = tpu.vector_load %arg9[%swap3A_941] {strides = array<i32>} : memref<20096xf32, #tpu.memory_space<vmem>>, vector<16xf32>,
        %swap3A_943 = vector.shape_cast %swap3A_942 : vector<16xf32> to vector<16xf32>
        %swap3A_944 = vector.shape_cast %max3A_923 : vector<16xf32> to vector<16xf32>
        tpu.vector_store %arg9[%swap3A_941], %swap3A_944 {strides = array<i32>} : memref<20096xf32, #tpu.memory_space<vmem>>, vector<16xf32>,
        %add3A_945 = arith.constant 48 : i32
        %add3A_946 = arith.addi %multiple_of3A_928, %add3A_945 : i32
        %swap3A_947 = arith.index_cast %add3A_946 : i32 to index
        %swap3A_948 = tpu.vector_load %arg9[%swap3A_947] {strides = array<i32>} : memref<20096xf32, #tpu.memory_space<vmem>>, vector<16xf32>,
        %swap3A_949 = vector.shape_cast %swap3A_948 : vector<16xf32> to vector<16xf32>
        %swap3A_950 = vector.shape_cast %max3A_925 : vector<16xf32> to vector<16xf32>
        tpu.vector_store %arg9[%swap3A_947], %swap3A_950 {strides = array<i32>} : memref<20096xf32, #tpu.memory_space<vmem>>, vector<16xf32>,
        %slice3A_951 = vector.extract_strided_slice %select_n3A_112 {offsets = [14], sizes = [1], strides = [1]} : vector<16xi32> to vector<1xi32>
        %squeeze3A_952 = vector.extract %slice3A_951[0] : i32 from vector<1xi32>
        %ne3A_953 = arith.cmpi ne, %squeeze3A_952, %squeeze3A_892 : i32
        %add3A_954 = arith.constant 14 : i32
        %add3A_955 = arith.addi %multiple_of3A_98, %add3A_954 : i32
        %get3A_956 = arith.index_cast %add3A_955 : i32 to index
        %get3A_957 = arith.constant 0 : index
        %get3A_958 = tpu.vector_load %arg7[%get3A_956, %get3A_957] {strides = array<i32>} : memref<1024x64xf32, #tpu.memory_space<vmem>>, vector<1x16xf32>,
        %get3A_959 = vector.shape_cast %get3A_958 : vector<1x16xf32> to vector<16xf32>
        %add3A_960 = arith.constant 14 : i32
        %add3A_961 = arith.addi %multiple_of3A_98, %add3A_960 : i32
        %get3A_962 = arith.index_cast %add3A_961 : i32 to index
        %get3A_963 = arith.constant 16 : index
        %get3A_964 = tpu.vector_load %arg7[%get3A_962, %get3A_963] {strides = array<i32>} : memref<1024x64xf32, #tpu.memory_space<vmem>>, vector<1x16xf32>,
        %get3A_965 = vector.shape_cast %get3A_964 : vector<1x16xf32> to vector<16xf32>
        %add3A_966 = arith.constant 14 : i32
        %add3A_967 = arith.addi %multiple_of3A_98, %add3A_966 : i32
        %get3A_968 = arith.index_cast %add3A_967 : i32 to index
        %get3A_969 = arith.constant 32 : index
        %get3A_970 = tpu.vector_load %arg7[%get3A_968, %get3A_969] {strides = array<i32>} : memref<1024x64xf32, #tpu.memory_space<vmem>>, vector<1x16xf32>,
        %get3A_971 = vector.shape_cast %get3A_970 : vector<1x16xf32> to vector<16xf32>
        %add3A_972 = arith.constant 14 : i32
        %add3A_973 = arith.addi %multiple_of3A_98, %add3A_972 : i32
        %get3A_974 = arith.index_cast %add3A_973 : i32 to index
        %get3A_975 = arith.constant 48 : index
        %get3A_976 = tpu.vector_load %arg7[%get3A_974, %get3A_975] {strides = array<i32>} : memref<1024x64xf32, #tpu.memory_space<vmem>>, vector<1x16xf32>,
        %get3A_977 = vector.shape_cast %get3A_976 : vector<1x16xf32> to vector<16xf32>
        %select_n3A_978 = arith.select %ne3A_953, %broadcast_in_dim3A_3, %max3A_919 : vector<16xf32>
        %max3A_979 = arith.maximumf %select_n3A_978, %get3A_959 : vector<16xf32>
        %select_n3A_980 = arith.select %ne3A_953, %broadcast_in_dim3A_3, %max3A_921 : vector<16xf32>
        %max3A_981 = arith.maximumf %select_n3A_980, %get3A_965 : vector<16xf32>
        %select_n3A_982 = arith.select %ne3A_953, %broadcast_in_dim3A_3, %max3A_923 : vector<16xf32>
        %max3A_983 = arith.maximumf %select_n3A_982, %get3A_971 : vector<16xf32>
        %select_n3A_984 = arith.select %ne3A_953, %broadcast_in_dim3A_3, %max3A_925 : vector<16xf32>
        %max3A_985 = arith.maximumf %select_n3A_984, %get3A_977 : vector<16xf32>
        %mul3A_986 = arith.constant 64 : i32
        %mul3A_987 = arith.muli %squeeze3A_952, %mul3A_986 : i32
        %multiple_of3A_988 = tpu.assume_multiple %mul3A_987, 8 : i32
        %swap3A_989 = arith.index_cast %multiple_of3A_988 : i32 to index
        %swap3A_990 = tpu.vector_load %arg9[%swap3A_989] {strides = array<i32>} : memref<20096xf32, #tpu.memory_space<vmem>>, vector<16xf32>,
        %swap3A_991 = vector.shape_cast %swap3A_990 : vector<16xf32> to vector<16xf32>
        %swap3A_992 = vector.shape_cast %max3A_979 : vector<16xf32> to vector<16xf32>
        tpu.vector_store %arg9[%swap3A_989], %swap3A_992 {strides = array<i32>} : memref<20096xf32, #tpu.memory_space<vmem>>, vector<16xf32>,
        %add3A_993 = arith.constant 16 : i32
        %add3A_994 = arith.addi %multiple_of3A_988, %add3A_993 : i32
        %swap3A_995 = arith.index_cast %add3A_994 : i32 to index
        %swap3A_996 = tpu.vector_load %arg9[%swap3A_995] {strides = array<i32>} : memref<20096xf32, #tpu.memory_space<vmem>>, vector<16xf32>,
        %swap3A_997 = vector.shape_cast %swap3A_996 : vector<16xf32> to vector<16xf32>
        %swap3A_998 = vector.shape_cast %max3A_981 : vector<16xf32> to vector<16xf32>
        tpu.vector_store %arg9[%swap3A_995], %swap3A_998 {strides = array<i32>} : memref<20096xf32, #tpu.memory_space<vmem>>, vector<16xf32>,
        %add3A_999 = arith.constant 32 : i32
        %add3A_1000 = arith.addi %multiple_of3A_988, %add3A_999 : i32
        %swap3A_1001 = arith.index_cast %add3A_1000 : i32 to index
        %swap3A_1002 = tpu.vector_load %arg9[%swap3A_1001] {strides = array<i32>} : memref<20096xf32, #tpu.memory_space<vmem>>, vector<16xf32>,
        %swap3A_1003 = vector.shape_cast %swap3A_1002 : vector<16xf32> to vector<16xf32>
        %swap3A_1004 = vector.shape_cast %max3A_983 : vector<16xf32> to vector<16xf32>
        tpu.vector_store %arg9[%swap3A_1001], %swap3A_1004 {strides = array<i32>} : memref<20096xf32, #tpu.memory_space<vmem>>, vector<16xf32>,
        %add3A_1005 = arith.constant 48 : i32
        %add3A_1006 = arith.addi %multiple_of3A_988, %add3A_1005 : i32
        %swap3A_1007 = arith.index_cast %add3A_1006 : i32 to index
        %swap3A_1008 = tpu.vector_load %arg9[%swap3A_1007] {strides = array<i32>} : memref<20096xf32, #tpu.memory_space<vmem>>, vector<16xf32>,
        %swap3A_1009 = vector.shape_cast %swap3A_1008 : vector<16xf32> to vector<16xf32>
        %swap3A_1010 = vector.shape_cast %max3A_985 : vector<16xf32> to vector<16xf32>
        tpu.vector_store %arg9[%swap3A_1007], %swap3A_1010 {strides = array<i32>} : memref<20096xf32, #tpu.memory_space<vmem>>, vector<16xf32>,
        %slice3A_1011 = vector.extract_strided_slice %select_n3A_112 {offsets = [15], sizes = [1], strides = [1]} : vector<16xi32> to vector<1xi32>
        %squeeze3A_1012 = vector.extract %slice3A_1011[0] : i32 from vector<1xi32>
        %ne3A_1013 = arith.cmpi ne, %squeeze3A_1012, %squeeze3A_952 : i32
        %add3A_1014 = arith.constant 15 : i32
        %add3A_1015 = arith.addi %multiple_of3A_98, %add3A_1014 : i32
        %get3A_1016 = arith.index_cast %add3A_1015 : i32 to index
        %get3A_1017 = arith.constant 0 : index
        %get3A_1018 = tpu.vector_load %arg7[%get3A_1016, %get3A_1017] {strides = array<i32>} : memref<1024x64xf32, #tpu.memory_space<vmem>>, vector<1x16xf32>,
        %get3A_1019 = vector.shape_cast %get3A_1018 : vector<1x16xf32> to vector<16xf32>
        %add3A_1020 = arith.constant 15 : i32
        %add3A_1021 = arith.addi %multiple_of3A_98, %add3A_1020 : i32
        %get3A_1022 = arith.index_cast %add3A_1021 : i32 to index
        %get3A_1023 = arith.constant 16 : index
        %get3A_1024 = tpu.vector_load %arg7[%get3A_1022, %get3A_1023] {strides = array<i32>} : memref<1024x64xf32, #tpu.memory_space<vmem>>, vector<1x16xf32>,
        %get3A_1025 = vector.shape_cast %get3A_1024 : vector<1x16xf32> to vector<16xf32>
        %add3A_1026 = arith.constant 15 : i32
        %add3A_1027 = arith.addi %multiple_of3A_98, %add3A_1026 : i32
        %get3A_1028 = arith.index_cast %add3A_1027 : i32 to index
        %get3A_1029 = arith.constant 32 : index
        %get3A_1030 = tpu.vector_load %arg7[%get3A_1028, %get3A_1029] {strides = array<i32>} : memref<1024x64xf32, #tpu.memory_space<vmem>>, vector<1x16xf32>,
        %get3A_1031 = vector.shape_cast %get3A_1030 : vector<1x16xf32> to vector<16xf32>
        %add3A_1032 = arith.constant 15 : i32
        %add3A_1033 = arith.addi %multiple_of3A_98, %add3A_1032 : i32
        %get3A_1034 = arith.index_cast %add3A_1033 : i32 to index
        %get3A_1035 = arith.constant 48 : index
        %get3A_1036 = tpu.vector_load %arg7[%get3A_1034, %get3A_1035] {strides = array<i32>} : memref<1024x64xf32, #tpu.memory_space<vmem>>, vector<1x16xf32>,
        %get3A_1037 = vector.shape_cast %get3A_1036 : vector<1x16xf32> to vector<16xf32>
        %select_n3A_1038 = arith.select %ne3A_1013, %broadcast_in_dim3A_3, %max3A_979 : vector<16xf32>
        %max3A_1039 = arith.maximumf %select_n3A_1038, %get3A_1019 : vector<16xf32>
        %select_n3A_1040 = arith.select %ne3A_1013, %broadcast_in_dim3A_3, %max3A_981 : vector<16xf32>
        %max3A_1041 = arith.maximumf %select_n3A_1040, %get3A_1025 : vector<16xf32>
        %select_n3A_1042 = arith.select %ne3A_1013, %broadcast_in_dim3A_3, %max3A_983 : vector<16xf32>
        %max3A_1043 = arith.maximumf %select_n3A_1042, %get3A_1031 : vector<16xf32>
        %select_n3A_1044 = arith.select %ne3A_1013, %broadcast_in_dim3A_3, %max3A_985 : vector<16xf32>
        %max3A_1045 = arith.maximumf %select_n3A_1044, %get3A_1037 : vector<16xf32>
        %mul3A_1046 = arith.constant 64 : i32
        %mul3A_1047 = arith.muli %squeeze3A_1012, %mul3A_1046 : i32
        %multiple_of3A_1048 = tpu.assume_multiple %mul3A_1047, 8 : i32
        %swap3A_1049 = arith.index_cast %multiple_of3A_1048 : i32 to index
        %swap3A_1050 = tpu.vector_load %arg9[%swap3A_1049] {strides = array<i32>} : memref<20096xf32, #tpu.memory_space<vmem>>, vector<16xf32>,
        %swap3A_1051 = vector.shape_cast %swap3A_1050 : vector<16xf32> to vector<16xf32>
        %swap3A_1052 = vector.shape_cast %max3A_1039 : vector<16xf32> to vector<16xf32>
        tpu.vector_store %arg9[%swap3A_1049], %swap3A_1052 {strides = array<i32>} : memref<20096xf32, #tpu.memory_space<vmem>>, vector<16xf32>,
        %add3A_1053 = arith.constant 16 : i32
        %add3A_1054 = arith.addi %multiple_of3A_1048, %add3A_1053 : i32
        %swap3A_1055 = arith.index_cast %add3A_1054 : i32 to index
        %swap3A_1056 = tpu.vector_load %arg9[%swap3A_1055] {strides = array<i32>} : memref<20096xf32, #tpu.memory_space<vmem>>, vector<16xf32>,
        %swap3A_1057 = vector.shape_cast %swap3A_1056 : vector<16xf32> to vector<16xf32>
        %swap3A_1058 = vector.shape_cast %max3A_1041 : vector<16xf32> to vector<16xf32>
        tpu.vector_store %arg9[%swap3A_1055], %swap3A_1058 {strides = array<i32>} : memref<20096xf32, #tpu.memory_space<vmem>>, vector<16xf32>,
        %add3A_1059 = arith.constant 32 : i32
        %add3A_1060 = arith.addi %multiple_of3A_1048, %add3A_1059 : i32
        %swap3A_1061 = arith.index_cast %add3A_1060 : i32 to index
        %swap3A_1062 = tpu.vector_load %arg9[%swap3A_1061] {strides = array<i32>} : memref<20096xf32, #tpu.memory_space<vmem>>, vector<16xf32>,
        %swap3A_1063 = vector.shape_cast %swap3A_1062 : vector<16xf32> to vector<16xf32>
        %swap3A_1064 = vector.shape_cast %max3A_1043 : vector<16xf32> to vector<16xf32>
        tpu.vector_store %arg9[%swap3A_1061], %swap3A_1064 {strides = array<i32>} : memref<20096xf32, #tpu.memory_space<vmem>>, vector<16xf32>,
        %add3A_1065 = arith.constant 48 : i32
        %add3A_1066 = arith.addi %multiple_of3A_1048, %add3A_1065 : i32
        %swap3A_1067 = arith.index_cast %add3A_1066 : i32 to index
        %swap3A_1068 = tpu.vector_load %arg9[%swap3A_1067] {strides = array<i32>} : memref<20096xf32, #tpu.memory_space<vmem>>, vector<16xf32>,
        %swap3A_1069 = vector.shape_cast %swap3A_1068 : vector<16xf32> to vector<16xf32>
        %swap3A_1070 = vector.shape_cast %max3A_1045 : vector<16xf32> to vector<16xf32>
        tpu.vector_store %arg9[%swap3A_1067], %swap3A_1070 {strides = array<i32>} : memref<20096xf32, #tpu.memory_space<vmem>>, vector<16xf32>,
        scf.yield %squeeze3A_1012, %max3A_1039, %max3A_1041, %max3A_1043, %max3A_1045 : i32, vector<16xf32>, vector<16xf32>, vector<16xf32>, vector<16xf32>
      }
      %scan3A_89 = arith.constant 64 : i32
      scf.yield %scan3A_88#0, %scan3A_88#1, %scan3A_88#2, %scan3A_88#3, %scan3A_88#4 : i32, vector<16xf32>, vector<16xf32>, vector<16xf32>, vector<16xf32>
    }
    %mul3A_72 = arith.constant 20032 : i32
    %mul3A_73 = arith.muli %add3A, %mul3A_72 : i32
    "tpu.region"() ({
      %run_scoped3A = tpu.sem_alloc : memref<!tpu.dma_semaphore, #tpu.memory_space<semaphore_mem>>
      %dma_start3A = arith.constant 0 : i32
      %dma_start3A_74 = tpu.memref_slice %arg9[%dma_start3A] : memref<20096xf32, #tpu.memory_space<vmem>> -> memref<20032xf32, #tpu.memory_space<vmem>>
      %dma_start3A_75 = tpu.memref_slice %arg5[%mul3A_73] : memref<641024xf32, #tpu.memory_space<hbm>> -> memref<20032xf32, #tpu.memory_space<hbm>>
      %dma_start3A_76 = tpu.memref_slice %arg5[%mul3A_73] : memref<641024xf32, #tpu.memory_space<hbm>> -> memref<20032xf32, #tpu.memory_space<hbm>>
      %dma_start3A_77 = arith.constant 0 : i32
      %dma_start3A_78 = tpu.memref_slice %arg9[%dma_start3A_77] : memref<20096xf32, #tpu.memory_space<vmem>> -> memref<20032xf32, #tpu.memory_space<vmem>>
      tpu.enqueue_dma source(%dma_start3A_78 : memref<20032xf32, #tpu.memory_space<vmem>>) target(%dma_start3A_76 : memref<20032xf32, #tpu.memory_space<hbm>>) target_semaphore(%run_scoped3A : memref<!tpu.dma_semaphore, #tpu.memory_space<semaphore_mem>>)
      %dma_wait3A = arith.constant 0 : i32
      %dma_wait3A_79 = tpu.memref_slice %arg9[%dma_wait3A] : memref<20096xf32, #tpu.memory_space<vmem>> -> memref<20032xf32, #tpu.memory_space<vmem>>
      %dma_wait3A_80 = tpu.memref_slice %arg5[%mul3A_73] : memref<641024xf32, #tpu.memory_space<hbm>> -> memref<20032xf32, #tpu.memory_space<hbm>>
      %dma_wait3A_81 = tpu.memref_slice %arg5[%mul3A_73] : memref<641024xf32, #tpu.memory_space<hbm>> -> memref<20032xf32, #tpu.memory_space<hbm>>
      %dma_wait3A_82 = arith.constant 0 : i32
      %dma_wait3A_83 = tpu.memref_slice %arg9[%dma_wait3A_82] : memref<20096xf32, #tpu.memory_space<vmem>> -> memref<20032xf32, #tpu.memory_space<vmem>>
      tpu.wait_dma2 semaphore(%run_scoped3A : memref<!tpu.dma_semaphore, #tpu.memory_space<semaphore_mem>>) src(%dma_wait3A_83 : memref<20032xf32, #tpu.memory_space<vmem>>) dst(%dma_wait3A_81 : memref<20032xf32, #tpu.memory_space<hbm>>)
      tpu.yield
    }) : () -> ()
    return
  }
}

#map = affine_map<(d0, d1) -> (0, 0)>
#map1 = affine_map<(d0, d1) -> (0)>
module attributes {stable_mosaic.version = 14 : i64} {
  func.func @_gather_k(%arg0: i32, %arg1: i32, %arg2: memref<10008x32xf32, #tpu.memory_space<hbm>>, %arg3: memref<320000xi32, #tpu.memory_space<hbm>>, %arg4: memref<320000xi32, #tpu.memory_space<hbm>>, %arg5: memref<320000x32xf32, #tpu.memory_space<hbm>>, %arg6: memref<320000x32xf32, #tpu.memory_space<hbm>>, %arg7: memref<2000xi32, #tpu.memory_space<vmem>>, %arg8: memref<2000xi32, #tpu.memory_space<vmem>>, %arg9: memref<2000x32xf32, #tpu.memory_space<vmem>>, %arg10: memref<!tpu.dma_semaphore, #tpu.memory_space<semaphore_mem>>) attributes {dimension_semantics = [#tpu.dimension_semantics<core_parallel>, #tpu.dimension_semantics<subcore_parallel>], iteration_bounds = array<i64: 2, 16>, scalar_prefetch = 0 : i64, scratch_operands = 4 : i64, tpu.core_type = #tpu.core_type<sc_vector_subcore>, window_params = [{transform_indices = #map}, {transform_indices = #map1}, {transform_indices = #map1}, {transform_indices = #map}, {transform_indices = #map}]} {
    %mul3A = arith.constant 2 : i32
    %mul3A_0 = arith.muli %arg1, %mul3A : i32
    %add3A = arith.addi %mul3A_0, %arg0 : i32
    %scan3A = arith.constant 0 : i32
    %scan3A_1 = arith.constant 0 : i32
    %scan3A_2 = arith.constant 5 : i32
    %scan3A_3 = arith.addi %scan3A_1, %scan3A_2 : i32
    %scan3A_4 = arith.constant 1 : i32
    %scan3A_5 = scf.for %scan3A_7 = %scan3A_1 to %scan3A_3 step %scan3A_4 iter_args(%scan3A_8 = %scan3A) -> (i32)  : i32 {
      %mul3A_9 = arith.constant 10000 : i32
      %mul3A_10 = arith.muli %add3A, %mul3A_9 : i32
      %mul3A_11 = arith.constant 2000 : i32
      %mul3A_12 = arith.muli %scan3A_7, %mul3A_11 : i32
      %add3A_13 = arith.addi %mul3A_10, %mul3A_12 : i32
      %multiple_of3A = tpu.assume_multiple %add3A_13, 8 : i32
      "tpu.region"() ({
        %run_scoped3A = tpu.sem_alloc : memref<!tpu.dma_semaphore, #tpu.memory_space<semaphore_mem>>
        %dma_start3A_32 = tpu.memref_slice %arg3[%multiple_of3A] : memref<320000xi32, #tpu.memory_space<hbm>> -> memref<2000xi32, #tpu.memory_space<hbm>>
        %dma_start3A_33 = tpu.memref_slice %arg3[%multiple_of3A] : memref<320000xi32, #tpu.memory_space<hbm>> -> memref<2000xi32, #tpu.memory_space<hbm>>
        tpu.enqueue_dma source(%dma_start3A_33 : memref<2000xi32, #tpu.memory_space<hbm>>) target(%arg7 : memref<2000xi32, #tpu.memory_space<vmem>>) target_semaphore(%run_scoped3A : memref<!tpu.dma_semaphore, #tpu.memory_space<semaphore_mem>>)
        %dma_wait3A_34 = tpu.memref_slice %arg3[%multiple_of3A] : memref<320000xi32, #tpu.memory_space<hbm>> -> memref<2000xi32, #tpu.memory_space<hbm>>
        %dma_wait3A_35 = tpu.memref_slice %arg3[%multiple_of3A] : memref<320000xi32, #tpu.memory_space<hbm>> -> memref<2000xi32, #tpu.memory_space<hbm>>
        tpu.wait_dma2 semaphore(%run_scoped3A : memref<!tpu.dma_semaphore, #tpu.memory_space<semaphore_mem>>) src(%dma_wait3A_35 : memref<2000xi32, #tpu.memory_space<hbm>>) dst(%arg7 : memref<2000xi32, #tpu.memory_space<vmem>>)
        tpu.yield
      }) : () -> ()
      "tpu.region"() ({
        %run_scoped3A = tpu.sem_alloc : memref<!tpu.dma_semaphore, #tpu.memory_space<semaphore_mem>>
        %dma_start3A_32 = tpu.memref_slice %arg4[%multiple_of3A] : memref<320000xi32, #tpu.memory_space<hbm>> -> memref<2000xi32, #tpu.memory_space<hbm>>
        %dma_start3A_33 = tpu.memref_slice %arg4[%multiple_of3A] : memref<320000xi32, #tpu.memory_space<hbm>> -> memref<2000xi32, #tpu.memory_space<hbm>>
        tpu.enqueue_dma source(%dma_start3A_33 : memref<2000xi32, #tpu.memory_space<hbm>>) target(%arg8 : memref<2000xi32, #tpu.memory_space<vmem>>) target_semaphore(%run_scoped3A : memref<!tpu.dma_semaphore, #tpu.memory_space<semaphore_mem>>)
        %dma_wait3A_34 = tpu.memref_slice %arg4[%multiple_of3A] : memref<320000xi32, #tpu.memory_space<hbm>> -> memref<2000xi32, #tpu.memory_space<hbm>>
        %dma_wait3A_35 = tpu.memref_slice %arg4[%multiple_of3A] : memref<320000xi32, #tpu.memory_space<hbm>> -> memref<2000xi32, #tpu.memory_space<hbm>>
        tpu.wait_dma2 semaphore(%run_scoped3A : memref<!tpu.dma_semaphore, #tpu.memory_space<semaphore_mem>>) src(%dma_wait3A_35 : memref<2000xi32, #tpu.memory_space<hbm>>) dst(%arg8 : memref<2000xi32, #tpu.memory_space<vmem>>)
        tpu.yield
      }) : () -> ()
      %scan3A_14 = arith.constant 0 : i32
      %scan3A_15 = arith.constant 0 : i32
      %scan3A_16 = arith.constant 125 : i32
      %scan3A_17 = arith.addi %scan3A_15, %scan3A_16 : i32
      %scan3A_18 = arith.constant 1 : i32
      %scan3A_19 = scf.for %scan3A_32 = %scan3A_15 to %scan3A_17 step %scan3A_18 iter_args(%scan3A_33 = %scan3A_14) -> (i32)  : i32 {
        %mul3A_34 = arith.constant 16 : i32
        %mul3A_35 = arith.muli %scan3A_32, %mul3A_34 : i32
        %multiple_of3A_36 = tpu.assume_multiple %mul3A_35, 8 : i32
        %get3A = arith.index_cast %multiple_of3A_36 : i32 to index
        %get3A_37 = tpu.vector_load %arg7[%get3A] {strides = array<i32>} : memref<2000xi32, #tpu.memory_space<vmem>>, vector<16xi32>,
        %get3A_38 = vector.shape_cast %get3A_37 : vector<16xi32> to vector<16xi32>
        %get3A_39 = arith.index_cast %multiple_of3A_36 : i32 to index
        %get3A_40 = tpu.vector_load %arg8[%get3A_39] {strides = array<i32>} : memref<2000xi32, #tpu.memory_space<vmem>>, vector<16xi32>,
        %get3A_41 = vector.shape_cast %get3A_40 : vector<16xi32> to vector<16xi32>
        %eq3A = arith.cmpi eq, %get3A_38, %get3A_41 : vector<16xi32>
        %broadcast_in_dim3A = arith.constant 10000 : i32
        %broadcast_in_dim3A_42 = vector.broadcast %broadcast_in_dim3A : i32 to vector<16xi32>
        %select_n3A = arith.select %eq3A, %broadcast_in_dim3A_42, %get3A_41 : vector<16xi1>, vector<16xi32>
        %swap3A = arith.index_cast %multiple_of3A_36 : i32 to index
        %swap3A_43 = tpu.vector_load %arg8[%swap3A] {strides = array<i32>} : memref<2000xi32, #tpu.memory_space<vmem>>, vector<16xi32>,
        %swap3A_44 = vector.shape_cast %swap3A_43 : vector<16xi32> to vector<16xi32>
        %swap3A_45 = vector.shape_cast %select_n3A : vector<16xi32> to vector<16xi32>
        tpu.vector_store %arg8[%swap3A], %swap3A_45 {strides = array<i32>} : memref<2000xi32, #tpu.memory_space<vmem>>, vector<16xi32>,
        %scan3A_46 = arith.constant 0 : i32
        scf.yield %scan3A_46 : i32
      }
      %scan3A_20 = arith.constant 125 : i32
      %dma_start3A = arith.constant 0 : i32
      %dma_start3A_21 = arith.constant 0 : i32
      %dma_start3A_22 = tpu.memref_slice %arg2[%dma_start3A, %dma_start3A_21] : memref<10008x32xf32, #tpu.memory_space<hbm>> -> memref<10008x32xf32, #tpu.memory_space<hbm>>
      tpu.enqueue_indirect_dma source(%dma_start3A_22 : memref<10008x32xf32, #tpu.memory_space<hbm>>) target(%arg9 : memref<2000x32xf32, #tpu.memory_space<vmem>>) offsets(%arg7 : memref<2000xi32, #tpu.memory_space<vmem>>) semaphore(%arg10 : memref<!tpu.dma_semaphore, #tpu.memory_space<semaphore_mem>>)
      %dma_wait3A = arith.constant 0 : i32
      %dma_wait3A_23 = arith.constant 0 : i32
      %dma_wait3A_24 = tpu.memref_slice %arg2[%dma_wait3A, %dma_wait3A_23] : memref<10008x32xf32, #tpu.memory_space<hbm>> -> memref<10008x32xf32, #tpu.memory_space<hbm>>
      tpu.wait_indirect_dma semaphore(%arg10 : memref<!tpu.dma_semaphore, #tpu.memory_space<semaphore_mem>>) src(%dma_wait3A_24 : memref<10008x32xf32, #tpu.memory_space<hbm>>) dst(%arg9 : memref<2000x32xf32, #tpu.memory_space<vmem>>)
      "tpu.region"() ({
        %run_scoped3A = tpu.sem_alloc : memref<!tpu.dma_semaphore, #tpu.memory_space<semaphore_mem>>
        %dma_start3A_32 = arith.constant 0 : i32
        %dma_start3A_33 = tpu.memref_slice %arg5[%multiple_of3A, %dma_start3A_32] : memref<320000x32xf32, #tpu.memory_space<hbm>> -> memref<2000x32xf32, #tpu.memory_space<hbm>>
        %dma_start3A_34 = arith.constant 0 : i32
        %dma_start3A_35 = tpu.memref_slice %arg5[%multiple_of3A, %dma_start3A_34] : memref<320000x32xf32, #tpu.memory_space<hbm>> -> memref<2000x32xf32, #tpu.memory_space<hbm>>
        tpu.enqueue_dma source(%arg9 : memref<2000x32xf32, #tpu.memory_space<vmem>>) target(%dma_start3A_35 : memref<2000x32xf32, #tpu.memory_space<hbm>>) target_semaphore(%run_scoped3A : memref<!tpu.dma_semaphore, #tpu.memory_space<semaphore_mem>>)
        %dma_wait3A_36 = arith.constant 0 : i32
        %dma_wait3A_37 = tpu.memref_slice %arg5[%multiple_of3A, %dma_wait3A_36] : memref<320000x32xf32, #tpu.memory_space<hbm>> -> memref<2000x32xf32, #tpu.memory_space<hbm>>
        %dma_wait3A_38 = arith.constant 0 : i32
        %dma_wait3A_39 = tpu.memref_slice %arg5[%multiple_of3A, %dma_wait3A_38] : memref<320000x32xf32, #tpu.memory_space<hbm>> -> memref<2000x32xf32, #tpu.memory_space<hbm>>
        tpu.wait_dma2 semaphore(%run_scoped3A : memref<!tpu.dma_semaphore, #tpu.memory_space<semaphore_mem>>) src(%arg9 : memref<2000x32xf32, #tpu.memory_space<vmem>>) dst(%dma_wait3A_39 : memref<2000x32xf32, #tpu.memory_space<hbm>>)
        tpu.yield
      }) : () -> ()
      %dma_start3A_25 = arith.constant 0 : i32
      %dma_start3A_26 = arith.constant 0 : i32
      %dma_start3A_27 = tpu.memref_slice %arg2[%dma_start3A_25, %dma_start3A_26] : memref<10008x32xf32, #tpu.memory_space<hbm>> -> memref<10008x32xf32, #tpu.memory_space<hbm>>
      tpu.enqueue_indirect_dma source(%dma_start3A_27 : memref<10008x32xf32, #tpu.memory_space<hbm>>) target(%arg9 : memref<2000x32xf32, #tpu.memory_space<vmem>>) offsets(%arg8 : memref<2000xi32, #tpu.memory_space<vmem>>) semaphore(%arg10 : memref<!tpu.dma_semaphore, #tpu.memory_space<semaphore_mem>>)
      %dma_wait3A_28 = arith.constant 0 : i32
      %dma_wait3A_29 = arith.constant 0 : i32
      %dma_wait3A_30 = tpu.memref_slice %arg2[%dma_wait3A_28, %dma_wait3A_29] : memref<10008x32xf32, #tpu.memory_space<hbm>> -> memref<10008x32xf32, #tpu.memory_space<hbm>>
      tpu.wait_indirect_dma semaphore(%arg10 : memref<!tpu.dma_semaphore, #tpu.memory_space<semaphore_mem>>) src(%dma_wait3A_30 : memref<10008x32xf32, #tpu.memory_space<hbm>>) dst(%arg9 : memref<2000x32xf32, #tpu.memory_space<vmem>>)
      "tpu.region"() ({
        %run_scoped3A = tpu.sem_alloc : memref<!tpu.dma_semaphore, #tpu.memory_space<semaphore_mem>>
        %dma_start3A_32 = arith.constant 0 : i32
        %dma_start3A_33 = tpu.memref_slice %arg6[%multiple_of3A, %dma_start3A_32] : memref<320000x32xf32, #tpu.memory_space<hbm>> -> memref<2000x32xf32, #tpu.memory_space<hbm>>
        %dma_start3A_34 = arith.constant 0 : i32
        %dma_start3A_35 = tpu.memref_slice %arg6[%multiple_of3A, %dma_start3A_34] : memref<320000x32xf32, #tpu.memory_space<hbm>> -> memref<2000x32xf32, #tpu.memory_space<hbm>>
        tpu.enqueue_dma source(%arg9 : memref<2000x32xf32, #tpu.memory_space<vmem>>) target(%dma_start3A_35 : memref<2000x32xf32, #tpu.memory_space<hbm>>) target_semaphore(%run_scoped3A : memref<!tpu.dma_semaphore, #tpu.memory_space<semaphore_mem>>)
        %dma_wait3A_36 = arith.constant 0 : i32
        %dma_wait3A_37 = tpu.memref_slice %arg6[%multiple_of3A, %dma_wait3A_36] : memref<320000x32xf32, #tpu.memory_space<hbm>> -> memref<2000x32xf32, #tpu.memory_space<hbm>>
        %dma_wait3A_38 = arith.constant 0 : i32
        %dma_wait3A_39 = tpu.memref_slice %arg6[%multiple_of3A, %dma_wait3A_38] : memref<320000x32xf32, #tpu.memory_space<hbm>> -> memref<2000x32xf32, #tpu.memory_space<hbm>>
        tpu.wait_dma2 semaphore(%run_scoped3A : memref<!tpu.dma_semaphore, #tpu.memory_space<semaphore_mem>>) src(%arg9 : memref<2000x32xf32, #tpu.memory_space<vmem>>) dst(%dma_wait3A_39 : memref<2000x32xf32, #tpu.memory_space<hbm>>)
        tpu.yield
      }) : () -> ()
      %scan3A_31 = arith.constant 0 : i32
      scf.yield %scan3A_31 : i32
    }
    %scan3A_6 = arith.constant 5 : i32
    return
  }
}

module attributes {stable_mosaic.version = 14 : i64} {
  func.func @_k1_body(%arg0: memref<10000x128xf32, #tpu.memory_space<vmem>>, %arg1: memref<128x32xf32, #tpu.memory_space<vmem>>, %arg2: memref<1x32xf32, #tpu.memory_space<vmem>>, %arg3: memref<10000x32xf32, #tpu.memory_space<vmem>>) attributes {dimension_semantics = [], scalar_prefetch = 0 : i64, scratch_operands = 0 : i64, tpu.core_type = #tpu.core_type<tc>} {
    %get3A = arith.constant 0 : index
    %get3A_0 = arith.constant 0 : index
    %get3A_1 = vector.load %arg0[%get3A, %get3A_0] : memref<10000x128xf32, #tpu.memory_space<vmem>>, vector<10000x128xf32>
    %get3A_2 = arith.constant 0 : index
    %get3A_3 = arith.constant 0 : index
    %get3A_4 = vector.load %arg1[%get3A_2, %get3A_3] : memref<128x32xf32, #tpu.memory_space<vmem>>, vector<128x32xf32>
    %dot_general3A = arith.constant dense<0.000000e+00> : vector<10000x32xf32>
    %dot_general3A_5 = tpu.matmul %get3A_1, %get3A_4, %dot_general3A {dimension_numbers = #tpu.dot_dimension_numbers<[1], [0], [0], [1], [0, 0, 1, 1], [], []>, transpose_lhs_hint = false} : vector<10000x128xf32>, vector<128x32xf32>, vector<10000x32xf32> -> vector<10000x32xf32>
    %get3A_6 = arith.constant 0 : index
    %get3A_7 = arith.constant 0 : index
    %get3A_8 = vector.load %arg2[%get3A_6, %get3A_7] : memref<1x32xf32, #tpu.memory_space<vmem>>, vector<1x32xf32>
    %add3A = vector.broadcast %get3A_8 : vector<1x32xf32> to vector<10000x32xf32>
    %add3A_9 = arith.addf %dot_general3A_5, %add3A : vector<10000x32xf32>
    %max3A = arith.constant 0.000000e+00 : f32
    %max3A_10 = vector.broadcast %max3A : f32 to vector<10000x32xf32>
    %max3A_11 = arith.maximumf %add3A_9, %max3A_10 : vector<10000x32xf32>
    %swap3A = arith.constant 0 : index
    %swap3A_12 = arith.constant 0 : index
    %swap3A_13 = vector.load %arg3[%swap3A, %swap3A_12] : memref<10000x32xf32, #tpu.memory_space<vmem>>, vector<10000x32xf32>
    tpu.vector_store %arg3[%swap3A, %swap3A_12], %max3A_11 {strides = array<i32>} : memref<10000x32xf32, #tpu.memory_space<vmem>>, vector<10000x32xf32>,
    return
  }
}

module attributes {stable_mosaic.version = 14 : i64} {
  func.func @_k2_body(%arg0: i32, %arg1: memref<3200x32xf32, #tpu.memory_space<vmem>>, %arg2: memref<3200x32xf32, #tpu.memory_space<vmem>>, %arg3: memref<3200x32xf32, #tpu.memory_space<vmem>>, %arg4: memref<96x64xf32, #tpu.memory_space<vmem>>, %arg5: memref<1x64xf32, #tpu.memory_space<vmem>>, %arg6: memref<64x64xf32, #tpu.memory_space<vmem>>, %arg7: memref<1x64xf32, #tpu.memory_space<vmem>>, %arg8: memref<3200x64xf32, #tpu.memory_space<vmem>>) attributes {dimension_semantics = [#tpu.dimension_semantics<arbitrary>], iteration_bounds = array<i64: 101>, scalar_prefetch = 0 : i64, scratch_operands = 0 : i64, tpu.core_type = #tpu.core_type<tc>, window_params = [{transform_indices = @transform_0, window_bounds = array<i64: 3200, 32>}, {transform_indices = @transform_1, window_bounds = array<i64: 3200, 32>}, {transform_indices = @transform_2, window_bounds = array<i64: 3200, 32>}, {pipeline_mode = #tpu.pipeline_mode<synchronous>, transform_indices = @transform_3, window_bounds = array<i64: 96, 64>}, {pipeline_mode = #tpu.pipeline_mode<synchronous>, transform_indices = @transform_4, window_bounds = array<i64: 1, 64>}, {pipeline_mode = #tpu.pipeline_mode<synchronous>, transform_indices = @transform_5, window_bounds = array<i64: 64, 64>}, {pipeline_mode = #tpu.pipeline_mode<synchronous>, transform_indices = @transform_6, window_bounds = array<i64: 1, 64>}, {transform_indices = @transform_7, window_bounds = array<i64: 3200, 64>}]} {
    %get3A = arith.constant 0 : index
    %get3A_0 = arith.constant 0 : index
    %get3A_1 = vector.load %arg1[%get3A, %get3A_0] : memref<3200x32xf32, #tpu.memory_space<vmem>>, vector<3200x32xf32>
    %get3A_2 = arith.constant 0 : index
    %get3A_3 = arith.constant 0 : index
    %get3A_4 = vector.load %arg4[%get3A_2, %get3A_3] : memref<96x64xf32, #tpu.memory_space<vmem>>, vector<32x64xf32>
    %dot_general3A = arith.constant dense<0.000000e+00> : vector<3200x64xf32>
    %dot_general3A_5 = tpu.matmul %get3A_1, %get3A_4, %dot_general3A {dimension_numbers = #tpu.dot_dimension_numbers<[1], [0], [0], [1], [0, 0, 1, 1], [], []>, transpose_lhs_hint = false} : vector<3200x32xf32>, vector<32x64xf32>, vector<3200x64xf32> -> vector<3200x64xf32>
    %get3A_6 = arith.constant 0 : index
    %get3A_7 = arith.constant 0 : index
    %get3A_8 = vector.load %arg2[%get3A_6, %get3A_7] : memref<3200x32xf32, #tpu.memory_space<vmem>>, vector<3200x32xf32>
    %get3A_9 = arith.constant 32 : index
    %get3A_10 = arith.constant 0 : index
    %get3A_11 = vector.load %arg4[%get3A_9, %get3A_10] : memref<96x64xf32, #tpu.memory_space<vmem>>, vector<32x64xf32>
    %dot_general3A_12 = arith.constant dense<0.000000e+00> : vector<3200x64xf32>
    %dot_general3A_13 = tpu.matmul %get3A_8, %get3A_11, %dot_general3A_12 {dimension_numbers = #tpu.dot_dimension_numbers<[1], [0], [0], [1], [0, 0, 1, 1], [], []>, transpose_lhs_hint = false} : vector<3200x32xf32>, vector<32x64xf32>, vector<3200x64xf32> -> vector<3200x64xf32>
    %add3A = arith.addf %dot_general3A_5, %dot_general3A_13 : vector<3200x64xf32>
    %get3A_14 = arith.constant 0 : index
    %get3A_15 = arith.constant 0 : index
    %get3A_16 = vector.load %arg3[%get3A_14, %get3A_15] : memref<3200x32xf32, #tpu.memory_space<vmem>>, vector<3200x32xf32>
    %get3A_17 = arith.constant 64 : index
    %get3A_18 = arith.constant 0 : index
    %get3A_19 = vector.load %arg4[%get3A_17, %get3A_18] : memref<96x64xf32, #tpu.memory_space<vmem>>, vector<32x64xf32>
    %dot_general3A_20 = arith.constant dense<0.000000e+00> : vector<3200x64xf32>
    %dot_general3A_21 = tpu.matmul %get3A_16, %get3A_19, %dot_general3A_20 {dimension_numbers = #tpu.dot_dimension_numbers<[1], [0], [0], [1], [0, 0, 1, 1], [], []>, transpose_lhs_hint = false} : vector<3200x32xf32>, vector<32x64xf32>, vector<3200x64xf32> -> vector<3200x64xf32>
    %add3A_22 = arith.addf %add3A, %dot_general3A_21 : vector<3200x64xf32>
    %get3A_23 = arith.constant 0 : index
    %get3A_24 = arith.constant 0 : index
    %get3A_25 = vector.load %arg5[%get3A_23, %get3A_24] : memref<1x64xf32, #tpu.memory_space<vmem>>, vector<1x64xf32>
    %add3A_26 = vector.broadcast %get3A_25 : vector<1x64xf32> to vector<3200x64xf32>
    %add3A_27 = arith.addf %add3A_22, %add3A_26 : vector<3200x64xf32>
    %max3A = arith.constant 0.000000e+00 : f32
    %max3A_28 = vector.broadcast %max3A : f32 to vector<3200x64xf32>
    %max3A_29 = arith.maximumf %add3A_27, %max3A_28 : vector<3200x64xf32>
    %get3A_30 = arith.constant 0 : index
    %get3A_31 = arith.constant 0 : index
    %get3A_32 = vector.load %arg6[%get3A_30, %get3A_31] : memref<64x64xf32, #tpu.memory_space<vmem>>, vector<64x64xf32>
    %dot_general3A_33 = arith.constant dense<0.000000e+00> : vector<3200x64xf32>
    %dot_general3A_34 = tpu.matmul %max3A_29, %get3A_32, %dot_general3A_33 {dimension_numbers = #tpu.dot_dimension_numbers<[1], [0], [0], [1], [0, 0, 1, 1], [], []>, transpose_lhs_hint = false} : vector<3200x64xf32>, vector<64x64xf32>, vector<3200x64xf32> -> vector<3200x64xf32>
    %get3A_35 = arith.constant 0 : index
    %get3A_36 = arith.constant 0 : index
    %get3A_37 = vector.load %arg7[%get3A_35, %get3A_36] : memref<1x64xf32, #tpu.memory_space<vmem>>, vector<1x64xf32>
    %add3A_38 = vector.broadcast %get3A_37 : vector<1x64xf32> to vector<3200x64xf32>
    %add3A_39 = arith.addf %dot_general3A_34, %add3A_38 : vector<3200x64xf32>
    %max3A_40 = arith.constant 0.000000e+00 : f32
    %max3A_41 = vector.broadcast %max3A_40 : f32 to vector<3200x64xf32>
    %max3A_42 = arith.maximumf %add3A_39, %max3A_41 : vector<3200x64xf32>
    %swap3A = arith.constant 0 : index
    %swap3A_43 = arith.constant 0 : index
    %swap3A_44 = vector.load %arg8[%swap3A, %swap3A_43] : memref<3200x64xf32, #tpu.memory_space<vmem>>, vector<3200x64xf32>
    tpu.vector_store %arg8[%swap3A, %swap3A_43], %max3A_42 {strides = array<i32>} : memref<3200x64xf32, #tpu.memory_space<vmem>>, vector<3200x64xf32>,
    return
  }
  func.func @transform_0(%arg0: i32) -> (i32, i32) {
    %min3A = arith.constant 99 : i32
    %min3A_0 = arith.minsi %arg0, %min3A : i32
    %c0_i32 = arith.constant 0 : i32
    %c0_i32_1 = arith.constant 0 : i32
    return %min3A_0, %c0_i32 : i32, i32
  }
  func.func @transform_1(%arg0: i32) -> (i32, i32) {
    %min3A = arith.constant 99 : i32
    %min3A_0 = arith.minsi %arg0, %min3A : i32
    %c0_i32 = arith.constant 0 : i32
    %c0_i32_1 = arith.constant 0 : i32
    return %min3A_0, %c0_i32 : i32, i32
  }
  func.func @transform_2(%arg0: i32) -> (i32, i32) {
    %min3A = arith.constant 99 : i32
    %min3A_0 = arith.minsi %arg0, %min3A : i32
    %c0_i32 = arith.constant 0 : i32
    %c0_i32_1 = arith.constant 0 : i32
    return %min3A_0, %c0_i32 : i32, i32
  }
  func.func @transform_3(%arg0: i32) -> (i32, i32) {
    %c0_i32 = arith.constant 0 : i32
    %c0_i32_0 = arith.constant 0 : i32
    %c0_i32_1 = arith.constant 0 : i32
    return %c0_i32, %c0_i32_0 : i32, i32
  }
  func.func @transform_4(%arg0: i32) -> (i32, i32) {
    %c0_i32 = arith.constant 0 : i32
    %c0_i32_0 = arith.constant 0 : i32
    %c0_i32_1 = arith.constant 0 : i32
    return %c0_i32, %c0_i32_0 : i32, i32
  }
  func.func @transform_5(%arg0: i32) -> (i32, i32) {
    %c0_i32 = arith.constant 0 : i32
    %c0_i32_0 = arith.constant 0 : i32
    %c0_i32_1 = arith.constant 0 : i32
    return %c0_i32, %c0_i32_0 : i32, i32
  }
  func.func @transform_6(%arg0: i32) -> (i32, i32) {
    %c0_i32 = arith.constant 0 : i32
    %c0_i32_0 = arith.constant 0 : i32
    %c0_i32_1 = arith.constant 0 : i32
    return %c0_i32, %c0_i32_0 : i32, i32
  }
  func.func @transform_7(%arg0: i32) -> (i32, i32) {
    %c0_i32 = arith.constant 0 : i32
    %c0_i32_0 = arith.constant 0 : i32
    return %arg0, %c0_i32 : i32, i32
  }
}

module attributes {stable_mosaic.version = 14 : i64} {
  func.func @_k3_body(%arg0: memref<10000x64xf32, #tpu.memory_space<vmem>>, %arg1: memref<10000x128xf32, #tpu.memory_space<vmem>>, %arg2: memref<64x64xf32, #tpu.memory_space<vmem>>, %arg3: memref<1x64xf32, #tpu.memory_space<vmem>>, %arg4: memref<64x64xf32, #tpu.memory_space<vmem>>, %arg5: memref<1x64xf32, #tpu.memory_space<vmem>>, %arg6: memref<64x128xf32, #tpu.memory_space<vmem>>, %arg7: memref<1x128xf32, #tpu.memory_space<vmem>>, %arg8: memref<10000x128xf32, #tpu.memory_space<vmem>>) attributes {dimension_semantics = [], scalar_prefetch = 0 : i64, scratch_operands = 0 : i64, tpu.core_type = #tpu.core_type<tc>} {
    %get3A = arith.constant 0 : index
    %get3A_0 = arith.constant 0 : index
    %get3A_1 = vector.load %arg0[%get3A, %get3A_0] : memref<10000x64xf32, #tpu.memory_space<vmem>>, vector<10000x64xf32>
    %get3A_2 = arith.constant 0 : index
    %get3A_3 = arith.constant 0 : index
    %get3A_4 = vector.load %arg2[%get3A_2, %get3A_3] : memref<64x64xf32, #tpu.memory_space<vmem>>, vector<64x64xf32>
    %dot_general3A = arith.constant dense<0.000000e+00> : vector<10000x64xf32>
    %dot_general3A_5 = tpu.matmul %get3A_1, %get3A_4, %dot_general3A {dimension_numbers = #tpu.dot_dimension_numbers<[1], [0], [0], [1], [0, 0, 1, 1], [], []>, transpose_lhs_hint = false} : vector<10000x64xf32>, vector<64x64xf32>, vector<10000x64xf32> -> vector<10000x64xf32>
    %get3A_6 = arith.constant 0 : index
    %get3A_7 = arith.constant 0 : index
    %get3A_8 = vector.load %arg3[%get3A_6, %get3A_7] : memref<1x64xf32, #tpu.memory_space<vmem>>, vector<1x64xf32>
    %add3A = vector.broadcast %get3A_8 : vector<1x64xf32> to vector<10000x64xf32>
    %add3A_9 = arith.addf %dot_general3A_5, %add3A : vector<10000x64xf32>
    %max3A = arith.constant 0.000000e+00 : f32
    %max3A_10 = vector.broadcast %max3A : f32 to vector<10000x64xf32>
    %max3A_11 = arith.maximumf %add3A_9, %max3A_10 : vector<10000x64xf32>
    %get3A_12 = arith.constant 0 : index
    %get3A_13 = arith.constant 0 : index
    %get3A_14 = vector.load %arg4[%get3A_12, %get3A_13] : memref<64x64xf32, #tpu.memory_space<vmem>>, vector<64x64xf32>
    %dot_general3A_15 = arith.constant dense<0.000000e+00> : vector<10000x64xf32>
    %dot_general3A_16 = tpu.matmul %max3A_11, %get3A_14, %dot_general3A_15 {dimension_numbers = #tpu.dot_dimension_numbers<[1], [0], [0], [1], [0, 0, 1, 1], [], []>, transpose_lhs_hint = false} : vector<10000x64xf32>, vector<64x64xf32>, vector<10000x64xf32> -> vector<10000x64xf32>
    %get3A_17 = arith.constant 0 : index
    %get3A_18 = arith.constant 0 : index
    %get3A_19 = vector.load %arg5[%get3A_17, %get3A_18] : memref<1x64xf32, #tpu.memory_space<vmem>>, vector<1x64xf32>
    %add3A_20 = vector.broadcast %get3A_19 : vector<1x64xf32> to vector<10000x64xf32>
    %add3A_21 = arith.addf %dot_general3A_16, %add3A_20 : vector<10000x64xf32>
    %max3A_22 = arith.constant 0.000000e+00 : f32
    %max3A_23 = vector.broadcast %max3A_22 : f32 to vector<10000x64xf32>
    %max3A_24 = arith.maximumf %add3A_21, %max3A_23 : vector<10000x64xf32>
    %get3A_25 = arith.constant 0 : index
    %get3A_26 = arith.constant 0 : index
    %get3A_27 = vector.load %arg6[%get3A_25, %get3A_26] : memref<64x128xf32, #tpu.memory_space<vmem>>, vector<64x128xf32>
    %dot_general3A_28 = arith.constant dense<0.000000e+00> : vector<10000x128xf32>
    %dot_general3A_29 = tpu.matmul %max3A_24, %get3A_27, %dot_general3A_28 {dimension_numbers = #tpu.dot_dimension_numbers<[1], [0], [0], [1], [0, 0, 1, 1], [], []>, transpose_lhs_hint = false} : vector<10000x64xf32>, vector<64x128xf32>, vector<10000x128xf32> -> vector<10000x128xf32>
    %get3A_30 = arith.constant 0 : index
    %get3A_31 = arith.constant 0 : index
    %get3A_32 = vector.load %arg7[%get3A_30, %get3A_31] : memref<1x128xf32, #tpu.memory_space<vmem>>, vector<1x128xf32>
    %add3A_33 = vector.broadcast %get3A_32 : vector<1x128xf32> to vector<10000x128xf32>
    %add3A_34 = arith.addf %dot_general3A_29, %add3A_33 : vector<10000x128xf32>
    %get3A_35 = arith.constant 0 : index
    %get3A_36 = arith.constant 0 : index
    %get3A_37 = vector.load %arg1[%get3A_35, %get3A_36] : memref<10000x128xf32, #tpu.memory_space<vmem>>, vector<10000x128xf32>
    %add3A_38 = arith.addf %get3A_37, %add3A_34 : vector<10000x128xf32>
    %max3A_39 = arith.constant 0.000000e+00 : f32
    %max3A_40 = vector.broadcast %max3A_39 : f32 to vector<10000x128xf32>
    %max3A_41 = arith.maximumf %add3A_38, %max3A_40 : vector<10000x128xf32>
    %swap3A = arith.constant 0 : index
    %swap3A_42 = arith.constant 0 : index
    %swap3A_43 = vector.load %arg8[%swap3A, %swap3A_42] : memref<10000x128xf32, #tpu.memory_space<vmem>>, vector<10000x128xf32>
    tpu.vector_store %arg8[%swap3A, %swap3A_42], %max3A_41 {strides = array<i32>} : memref<10000x128xf32, #tpu.memory_space<vmem>>, vector<10000x128xf32>,
    return
  }
}

</mosaic_0001>

<sc_bundles>
// kernel: kernel.10.cloned.1.call-start
scs
__scs_entry_jumppad:
0x0: {  	(pc) =	sbr.rel $0x88, $3  }
0x1: {  	(tag) =	ssettag $0x0;
	lr =	simm.s32 $0x1  }
0x2: {  	[smem:$0x3F91] =	sst lr;
	_ =	strace $0xD0000000  }
0x3: {  	_ = 	snop  }
0x4: {  	_ = 	snop  }
0x5: {  	_ = 	snop  }
0x6: {  	_ = 	snop  }
0x7: {  	_ = 	snop  }
__scs_overlays_trampoline_lowered:
0x8: {  	[smem:$0x3FA0] =	sst s0  }
0x9: {  	[smem:$0x3FA1] =	sst s1  }
0xa: {  	[smem:$0x3FA2] =	sst s2  }
0xb: {  	[smem:$0x3FA3] =	sst s3  }
0xc: {  	[smem:$0x3FA4] =	sst s4  }
0xd: {  	[smem:$0x3FA5] =	sst s5  }
0xe: {  	[smem:$0x3FA6] =	sst s6  }
0xf: {  	[smem:$0x3FA7] =	sst s7  }
0x10: {  	[smem:$0x3FA8] =	sst s8  }
0x11: {  	[smem:$0x3FA9] =	sst s9;
	s0 =	simm.s32 @!p0 $0x0  }
0x12: {  	s1 =	sld [smem:$0x3F8F];
	s0 =	simm.s32 @p0 $0x1  }
0x13: {  	[smem:$0x3FAA] =	sst s0;
	s0 =	simm.s32 @!p1 $0x0  }
0x14: {  	s2 =	sld [smem:$0x3F8E];
	s0 =	simm.s32 @p1 $0x1  }
0x15: {  	[smem:$0x3FAB] =	sst s0;
	s0 =	simm.s32 @!p2 $0x0  }
0x16: {  	s3 =	sld [smem:$0x3FDB];
	s0 =	simm.s32 @p2 $0x1  }
0x17: {  	s4 =	simm.s32 $0x1BF5;
	[smem:$0x3FAD] =	sst s0  }
0x18: {  	s0 =	sld [smem:$0x3F90];
	_ =	swait.ge [sflag:s4], $0x0  }
0x19: {  	s7 =	sld [smem:$0x3F91]  }
0x1a: {  	s8 =	sadd.s32 $0xFFFFE003, lr  }
0x1b: {  	s9 =	sadd.s32 $0xFFFFFEF7, lr;
	s5 =	simm.s32 $0xFFFFFFFF;
	p2 =	slt.u32 s8, $0xFFFFF086  }
0x1c: {  	p1 =	slt.u32 s9, $0xF7A;
	s5 =	simm.s32 @!p2 $0x0  }
0x1d: {  	s5 =	simm.s32 @p1 $0x1;
	p0 =	seq.s32 s7, s2  }
0x1e: {  	s7 =	smul.u32 @!p0 $0xF7A, s2;
	p2 =	seq.s32 @!p0 s5, $0x0  }
0x1f: {  	s9 =	smul.u32 $0xF7A, s1;
	s8 =	simm.s32 @!p0 $0x1BF5;
	p2 =	por !p2, p0  }
0x20: {  	[sflag:s8] =	ssyncset.s32 @!p0 $0xFFFFF086;
	s6 =	sadd.s32 @!p0 s3, s7;
	s7 =	simm.s32 @!p0 $0x108  }
0x21: {  	s3 =	sadd.s32 s3, s9;
	s6 =	sadd.s32 @!p0 $0x88, s6;
	s7 =	simm.s32 @p2 $0x1082  }
0x22: {  	[simem:s7], [sflag:s8] =	dma.local @!p0 [hbm:s6], $0xF7A  }
0x23: {  	s9 =	sor.u32 $0xD0000000, s2;
	s6 =	simm.s32 $0x108;
	_ =	swait.ge @!p0 [sflag:s8], $0x0  }
0x24: {  	s3 =	sadd.s32 $0x88, s3;
	s6 =	simm.s32 @!p1 $0x1082;
	[sflag:s4] =	ssyncset.s32 $0xFFFFF086  }
0x25: {  	[simem:s6], [sflag:s4] =	dma.local [hbm:s3], $0xF7A  }
0x26: {  	[smem:$0x3F91] =	sst s1;
	(tag) =	ssettag s2;
	_ =	strace s9  }
0x27: {  	s1 =	sld [smem:$0x3FA1]  }
0x28: {  	s2 =	sld [smem:$0x3FA2]  }
0x29: {  	s4 =	sld [smem:$0x3FA4]  }
0x2a: {  	p0 =	seq.s32 s5, $0x0;
	s5 =	sld [smem:$0x3FA5]  }
0x2b: {  	s6 =	sld [smem:$0x3FA6]  }
0x2c: {  	s7 =	sld [smem:$0x3FA7]  }
0x2d: {  	s3 =	simm.s32 $0x108;
	s8 =	sld [smem:$0x3FA8]  }
0x2e: {  	s3 =	simm.s32 @!p0 $0x1082;
	s9 =	sld [smem:$0x3FA9]  }
0x2f: {  	lr =	sadd.s32 s0, s3;
	s0 =	sld [smem:$0x3FA0]  }
0x30: {  	s3 =	sld [smem:$0x3FA3]  }
0x31: {  	[smem:$0x3FAC] =	sst s10  }
0x32: {  	s10 =	sld [smem:$0x3FAA];
	_ =	sdelay $0x3  }
0x33: {  	p0 =	seq.s32 s10, $0x1;
	s10 =	sld [smem:$0x3FAC];
	_ =	sdelay $0x3  }
0x34: {  	[smem:$0x3FAC] =	sst s10  }
0x35: {  	s10 =	sld [smem:$0x3FAB];
	_ =	sdelay $0x3  }
0x36: {  	p1 =	seq.s32 s10, $0x1;
	s10 =	sld [smem:$0x3FAC];
	_ =	sdelay $0x3  }
0x37: {  	[smem:$0x3FAC] =	sst s10  }
0x38: {  	s10 =	sld [smem:$0x3FAD]  }
0x39: {  	_ = 	snop;
	(pc) =	sbr.ind lr, $3  }
0x3a: {  	_ = 	snop  }
0x3b: {  	_ = 	snop  }
0x3c: {  	p2 =	seq.s32 s10, $0x1;
	s10 =	sld [smem:$0x3FAC]  }
0x3d: {  	_ =	shalt  }
0x3e: {  	_ =	shalt  }
0x3f: {  	_ =	shalt  }
0x40: {  	_ =	shalt  }
0x41: {  	_ =	shalt  }
0x42: {  	_ =	shalt  }
0x43: {  	_ =	shalt  }
0x44: {  	_ =	shalt  }
0x45: {  	_ =	shalt  }
0x46: {  	_ =	shalt  }
0x47: {  	_ =	shalt  }
0x48: {  	_ =	shalt  }
0x49: {  	_ =	shalt  }
0x4a: {  	_ =	shalt  }
0x4b: {  	_ =	shalt  }
0x4c: {  	_ =	shalt  }
0x4d: {  	_ =	shalt  }
0x4e: {  	_ =	shalt  }
0x4f: {  	_ =	shalt  }
0x50: {  	_ =	shalt  }
0x51: {  	_ =	shalt  }
0x52: {  	_ =	shalt  }
0x53: {  	_ =	shalt  }
0x54: {  	_ =	shalt  }
0x55: {  	_ =	shalt  }
0x56: {  	_ =	shalt  }
0x57: {  	_ =	shalt  }
0x58: {  	_ =	shalt  }
0x59: {  	_ =	shalt  }
0x5a: {  	_ =	shalt  }
0x5b: {  	_ =	shalt  }
0x5c: {  	_ =	shalt  }
0x5d: {  	_ =	shalt  }
0x5e: {  	_ =	shalt  }
0x5f: {  	_ =	shalt  }
0x60: {  	_ =	shalt  }
0x61: {  	_ =	shalt  }
0x62: {  	_ =	shalt  }
0x63: {  	_ =	shalt  }
0x64: {  	_ =	shalt  }
0x65: {  	_ =	shalt  }
0x66: {  	_ =	shalt  }
0x67: {  	_ =	shalt  }
0x68: {  	_ =	shalt  }
0x69: {  	_ =	shalt  }
0x6a: {  	_ =	shalt  }
0x6b: {  	_ =	shalt  }
0x6c: {  	_ =	shalt  }
0x6d: {  	_ =	shalt  }
0x6e: {  	_ =	shalt  }
0x6f: {  	_ =	shalt  }
0x70: {  	_ =	shalt  }
0x71: {  	_ =	shalt  }
0x72: {  	_ =	shalt  }
0x73: {  	_ =	shalt  }
0x74: {  	_ =	shalt  }
0x75: {  	_ =	shalt  }
0x76: {  	_ =	shalt  }
0x77: {  	_ =	shalt  }
0x78: {  	_ =	shalt  }
0x79: {  	_ =	shalt  }
0x7a: {  	_ =	shalt  }
0x7b: {  	_ =	shalt  }
0x7c: {  	_ =	shalt  }
0x7d: {  	_ =	shalt  }
0x7e: {  	_ =	shalt  }
0x7f: {  	_ =	shalt  }
0x80: {  	_ =	shalt  }
0x81: {  	_ =	shalt  }
0x82: {  	_ =	shalt  }
0x83: {  	_ =	shalt  }
0x84: {  	_ =	shalt  }
0x85: {  	_ =	shalt  }
0x86: {  	_ =	shalt  }
0x87: {  	_ =	shalt  }
.Lfunc_end0:
.L_simem_size_0:
called_computation.1_lowered:
.L_overlay_start_0:
0x88: {  	s2 =	sld [smem:$0x3FD9]  }
0x89: {  	s3 =	sld [smem:$0x3FFE];
	_ =	sdelay $0x1  }
0x8a: {  	s1 =	srdreg.scid  }
0x8b: {  	s0 =	sand.u32 $0x1, s1  }
0x8c: {  	s17 =	sshll.u32 s0, $0xA;
	s2 =	sadd.s32 s3, s2  }
0x8d: {  	s2 =	sadd.s32 s2, s17  }
0x8e: {  	[smem:$0x3FB8] =	sst s2  }
0x8f: {  	_ = 	snop  }
0x90: {  	s2 =	sld [smem:$0x3FD0];
	(tm) =	ssettm $0x1  }
0x91: {  	s18 =	sld [smem:$0x3FFB];
	_ =	sdelay $0x3  }
0x92: {  	_ =	strace s18  }
0x93: {  	s3 =	sld [smem:$0x3FFC];
	_ =	sdelay $0x3  }
0x94: {  	_ =	strace s3  }
0x95: {  	s3 =	sld [smem:$0x3FFD];
	_ =	sdelay $0x3  }
0x96: {  	_ =	strace s3  }
0x97: {  	_ =	strace $0x8FFFFFFF  }
0x98: {  	s19 =	sld [smem:$0x3FDB];
	_ =	sdelay $0x1  }
0x99: {  	s4 =	simm.s32 $_scs_section_size  }
0x9a: {  	s5 =	simm.s32 $_size__tile_overlayer_lowered;
	s6 =	simm.s32 $_tile_overlayer_lowered  }
0x9b: {  	s22 =	simm.s32 $0x1BFF;
	s21 =	sshll.u32 s6, $0x1;
	s3 =	sadd.s32 s4, s19  }
0x9c: {  	s7 =	simm.s32 $0x0;
	s20 =	sshll.u32 s5, $0x1;
	s5 =	sadd.s32 s21, s3  }
0x9d: {  	[timem:s7], [sflag:s22] =	dma.local [hbm:s5], s20  }
0x9e: {  	_ =	swait.ge [sflag:s22], s20  }
0x9f: {  	s4 =	ssub.s32 $0x0, s20;
	[sflag:s22] =	ssyncset.done $0x0  }
0xa0: {  	[sflag:s22] =	ssyncadd.s32 s4;
	_ =	sdelay $0x1  }
0xa1: {  	s23 =	simm.s32 $0x1B8B  }
0xa2: {  	_ =	swait.ge [sflag:s23], $0x1  }
0xa3: {  	[sflag:s23] =	ssyncset.done $0x0  }
0xa4: {  	s25 =	simm.s32 $0x1B8E;
	s24 =	sld [smem:$0x3FFE];
	[sflag:s23] =	ssyncadd.s32 $0xFFFFFFFF  }
0xa5: {  	s26 =	simm.s32 $execute0_lowered;
	[smem:$0x3FD2] =	sst s25  }
0xa6: {  	s5 =	sshll.u32 s26, $0x1;
	_ =	strace $0x80000049;
	[dreg:$0x1] =	wrdreg $0xFFFFFFFF  }
0xa7: {  	s28 =	simm.s32 $_size_execute0_lowered;
	s3 =	sadd.s32 s3, s5;
	[dreg:$0x0] =	wrdreg $0x0  }
0xa8: {  	s5 =	sshll.u32 s28, $0x1;
	[dreg:$0x2] =	wrdreg s3  }
0xa9: {  	[dreg:$0x3] =	wrdreg s5  }
0xaa: {  	[dreg:$0x4] =	wrdreg $0xC0  }
0xab: {  	_ =	task [dreg:s7], $0x5FFFF  }
0xac: {  	[dreg:$0x1] =	wrdreg $0xFFFFFFFF  }
0xad: {  	[dreg:$0x0] =	wrdreg $0x60  }
0xae: {  	[dreg:$0x2] =	wrdreg s24  }
0xaf: {  	[dreg:$0x3] =	wrdreg s2  }
0xb0: {  	[dreg:$0x4] =	wrdreg $0x9  }
0xb1: {  	_ =	task.clear_ibuf [dreg:s7], $0x5FFFF;
	_ =	strace $0x90000049  }
0xb2: {  	s29 =	simm.s32 $0x9;
	_ =	strace $0x8000004B  }
0xb3: {  	_ =	swait.ge [sflag:s29], $0x1  }
0xb4: {  	[sflag:s29] =	ssyncadd.s32 $0xFFFFFFFF  }
0xb5: {  	_ =	strace $0x9000004B  }
0xb6: {  	_ =	sfence  }
0xb7: {  	s30 =	sld [smem:$0x0];
	_ =	sdelay $0x2  }
0xb8: {  	s31 =	sshll.u32 s1, $0xD;
	s1 =	sshrl.u32 s1, $0x2  }
0xb9: {  	s3 =	sand.u32 $0x4000, s31;
	s1 =	sadd.s32 s1, s30  }
0xba: {  	s0 =	sor.u32 s3, s0;
	s1 =	sshll.u32 s1, $0x11  }
0xbb: {  	s0 =	sor.u32 s1, s0  }
0xbc: {  	s0 =	sadd.s32 $0x8F2B, s0  }
0xbd: {  	[sflag:s0] =	ssyncadd.remote.s32 $0x1  }
0xbe: {  	_ =	sfence.sel $0xFFFF  }
0xbf: {  	[dreg:$0x0] =	wrdreg $0xFFFFFFFF;
	(pc) =	sbr.abs _section_cstart, $3  }
0xc0: {  	[dreg:$0x1] =	wrdreg $0xFFFFFFFF  }
0xc1: {  	_ =	task.clear_ibuf [dreg:s7], $0x2FFFF;
	_ =	strace $0x9FFFFFFF  }
0xc2: {  	(tm) =	ssettm $0x7FFFFFFF  }
0xc3: {  	_ =	shalt  }
tec
execute0_lowered:
.L_overlay_start_1:
0x0: {  	(tag) =	ssettag $0x1  }
0x1: {  	s6 =	rddreg [dreg:$0x0]  }
0x2: {  	s7 =	rddreg [dreg:$0x1]  }
0x3: {  	s0 =	rddreg [dreg:$0x2]  }
0x4: {  	s2 =	simm.s32 $0x0;
	s3 =	srdreg.scid;
	s1 =	stileid.u32  }
0x5: {  	s12 =	simm.s32 $0x10430;
	s13 =	simm.s32 $0x0;
	[smem:$0x7FF] =	sst s2  }
0x6: {  	s5 =	sand.u32 $0x1, s3;
	s31 =	sshll.u32 s1, $0x1;
	s4 =	sadd.s32 $0x27E200, s6  }
.Ltmp0:
0x7: {  	_ =	strace $0x8000004A;
	s3 =	sor.u32 s5, s31;
	(pc) =	sbr.rel .LBB2_1-.Ltmp0, $4  }
0x8: {  	s8 =	ssub.s32 $0x2, s5;
	s5 =	sadd.s32 $0x274200, s6;
	s9 =	smul.u32 $0x9C8, s3  }
0x9: {  	s6 =	sadd.s32 $0x27E000, s6;
	s10 =	sshrl.u32 s8, $0x1;
	s11 =	smul.u32 $0xFFFFFEC7, s3  }
0xa: {  	s8 =	ssub.s32 s8, s10;
	s10 =	simm.s32 $0x30;
	s7 =	sadd.s32 s7, s9  }
0xb: {  	v1 =	vimm.f32 $-Inf;
	v2 =	vlaneseq.u32;
	s8 =	smax.u32 s8, $0x1;
	s9 =	simm.s32 $0x1;
	v0 =	vmov s11;
	s11 =	simm.s32 $0x10030  }
.LBB2_8:
0xc: {  	s13 =	sadd.s32 $0x1, s13  }
0xd: {  	p0 =	sne.s32 s13, s8  }
.Ltmp1:
0xe: {  	_ = 	snop;
	(pc) =	sbr.rel @!p0 .LBB2_9-.Ltmp1, $4  }
0xf: {  	[hbm4b:s7+s2] =	stream.linear.scatter [tilespmem:s12], [sflag:$0x1], $0x4E40, $0x38;
	[tilespmem:$0x152B0] =	vst v63  }
0x10: {  	_ =	swait.ge [sflag:s9], $0x4E40  }
0x11: {  	[sflag:s9] =	ssyncset.done $0x0  }
0x12: {  	[sflag:s9] =	ssyncadd.s32 $0xFFFFB1C0  }
.LBB2_1:
0x13: {  	[tilespmem:s2], [sflag:$0x1] =	stream.linear.gather [hbm4b:s6+s2], $0x30, $0x38;
	[tilespmem:$0x152B0] =	vst v63  }
0x14: {  	_ =	swait.ge [sflag:s9], $0x30  }
0x15: {  	[sflag:s9] =	ssyncset.done $0x0  }
0x16: {  	[sflag:s9] =	ssyncadd.s32 $0xFFFFFFD0  }
0x17: {  	s14 =	simm.s32 $0x40;
	s16 =	simm.s32 $0x0;
	v4 =	vld [tilespmem:s3+$0x0]  }
.LBB2_2:
0x18: {  	p0 =	sne.s32 s14, $0x139C0;
	[tilespmem:s16+$0x10430] =	vst v1;
	s15 =	smov.u32 s14;
	s14 =	sadd.s32 $0x40, s14  }
.Ltmp2:
0x19: {  	(pc) =	sbr.rel @p0 .LBB2_2-.Ltmp2, $2  }
0x1a: {  	_ =	sdelay $0x2  }
0x1b: {  	s16 =	sshra.s32 s15, $0x2  }
0x1c: {  	(v2sf) =	vpush v4, $0x0;
	_ =	sdelay $0x6  }
0x1d: {  	(v2sf) =	vpush v4, $0x1;
	_ =	sdelay $0x7  }
0x1e: {  	s14 =	spop (v2sf)  }
0x1f: {  	s15 =	sand.u32 $0x7, s14  }
0x20: {  	s17 =	sshra.s32 s14, $0x1F;
	p0 =	slt.s32 s14, $0x1;
	p1 =	sne.s32 s15, $0x0  }
0x21: {  	s28 =	sshrl.u32 s17, $0x1D;
	p0 =	por !p0, !p1  }
0x22: {  	s15 =	simm.s32 $0x1;
	s14 =	sadd.s32 s28, s14;
	p0 =	por !p0, !p0  }
0x23: {  	s14 =	sshrl.u32 s14, $0x3;
	s15 =	simm.s32 @!p0 $0x0  }
0x24: {  	s14 =	ssub.s32 s14, s15  }
0x25: {  	s29 =	spop (v2sf);
	s14 =	sshll.u32 s14, $0x3  }
0x26: {  	s15 =	ssub.s32 s29, s14  }
0x27: {  	s15 =	sadd.s32 $0x3FF, s15  }
0x28: {  	s30 =	sand.u32 $0x3FF, s15  }
0x29: {  	s31 =	sshra.s32 s15, $0x1F;
	p6 =	slt.s32 s15, $0x1;
	p5 =	sne.s32 s30, $0x0  }
0x2a: {  	s17 =	sshrl.u32 s31, $0x16;
	p0 =	por !p6, !p5  }
0x2b: {  	s15 =	sadd.s32 s17, s15;
	s17 =	simm.s32 $0x1;
	p0 =	por !p0, !p0  }
0x2c: {  	s15 =	sshra.s32 s15, $0xA;
	s17 =	simm.s32 @!p0 $0x0  }
0x2d: {  	s15 =	ssub.s32 s15, s17  }
0x2e: {  	p0 =	slt.s32 s15, $0x1  }
.Ltmp3:
0x2f: {  	_ = 	snop;
	(pc) =	sbr.rel @p0 .LBB2_8-.Ltmp3, $2  }
0x30: {  	_ =	sdelay $0x2  }
0x31: {  	[tilespmem:s16+$0x10430] =	vst v1  }
0x32: {  	v3 =	vbroadcast v4, $0x0;
	v4 =	vbroadcast v4, $0x1;
	v6 =	vimm.f32 $-Inf;
	s16 =	simm.s32 $0x0  }
0x33: {  	s22 =	simm.s32 $0x139;
	s17 =	smov.u32 s14;
	v7 =	vimm.f32 $-Inf;
	v8 =	vimm.f32 $-Inf;
	v9 =	vimm.f32 $-Inf;
	s18 =	simm.s32 $0x0  }
.LBB2_5:
0x34: {  	s19 =	sshll.u32 s18, $0xA  }
0x35: {  	s19 =	sadd.s32 s14, s19  }
0x36: {  	s20 =	sshll.u32 s19, $0x3  }
0x37: {  	s20 =	sand.u32 $0x1FFFFFC0, s20  }
0x38: {  	s20 =	sadd.s32 s4, s20  }
0x39: {  	[tilespmem:s10], [sflag:$0x1] =	stream.linear.gather [hbm4b:s20+s16], $0x10000, $0x38;
	[tilespmem:$0x152B0] =	vst v63  }
0x3a: {  	_ =	swait.ge [sflag:s9], $0x10000  }
0x3b: {  	s19 =	sshrl.u32 s19, $0x3;
	[sflag:s9] =	ssyncset.done $0x0  }
0x3c: {  	s19 =	sadd.s32 s5, s19;
	[sflag:s9] =	ssyncadd.s32 $0xFFFF0000  }
0x3d: {  	[tilespmem:s11], [sflag:$0x1] =	stream.linear.gather [hbm4b:s19+s16], $0x400, $0x38;
	[tilespmem:$0x152B0] =	vst v63  }
0x3e: {  	_ =	swait.ge [sflag:s9], $0x400  }
0x3f: {  	s21 =	simm.s32 $0x0;
	[sflag:s9] =	ssyncset.done $0x0  }
0x40: {  	s20 =	smov.u32 s17;
	s19 =	simm.s32 $0x230;
	[sflag:s9] =	ssyncadd.s32 $0xFFFFFC00  }
.LBB2_6:
0x41: {  	s23 =	sshra.s32 s21, $0x2  }
0x42: {  	v5 =	vld [tilespmem:s23+$0x10030];
	_ =	sdelay $0x2  }
0x43: {  	v10 =	vadd.s32 s20, v2  }
0x44: {  	vm0 =	vge.s32 v10, v3;
	vm1 =	vlt.s32 v10, v4  }
0x45: {  	vm0 =	vmand vm0, vm1;
	v5 =	vadd.s32 v0, v5  }
0x46: {  	v5 =	vnsel vm0, $0x139, v5  }
0x47: {  	(v2sf) =	vpush v5, $0x0;
	_ =	sdelay $0xa  }
0x48: {  	v10 =	vld [tilespmem:s19+$0xFFFFFE00];
	(v2sf) =	vpush v5, $0x1  }
0x49: {  	v11 =	vld [tilespmem:s19+$0xFFFFFE10]  }
0x4a: {  	v12 =	vld [tilespmem:s19+$0xFFFFFE20]  }
0x4b: {  	v13 =	vld [tilespmem:s19+$0xFFFFFE30]  }
0x4c: {  	s29 =	spop (v2sf)  }
0x4d: {  	v9 =	vmax.f32 v9, v10;
	p0 =	seq.s32 s29, s22;
	s30 =	sshll.u32 s29, $0x8  }
0x4e: {  	v8 =	vmax.f32 v8, v11;
	v9 =	vpsel p0, v9, v10;
	s22 =	sshra.s32 s30, $0x2  }
0x4f: {  	v7 =	vmax.f32 v7, v12;
	v8 =	vpsel p0, v8, v11;
	[tilespmem:s22+$0x10430] =	vst v9  }
0x50: {  	v6 =	vmax.f32 v6, v13;
	v7 =	vpsel p0, v7, v12;
	[tilespmem:s22+$0x10440] =	vst v8  }
0x51: {  	v6 =	vpsel p0, v6, v13;
	[tilespmem:s22+$0x10450] =	vst v7  }
0x52: {  	[tilespmem:s22+$0x10460] =	vst v6  }
0x53: {  	(v2sf) =	vpush v5, $0x2;
	v10 =	vld [tilespmem:s19+$0xFFFFFE40]  }
0x54: {  	v11 =	vld [tilespmem:s19+$0xFFFFFE50]  }
0x55: {  	v36 =	vld [tilespmem:s19+$0xFFFFFE60]  }
0x56: {  	v37 =	vld [tilespmem:s19+$0xFFFFFE70]  }
0x57: {  	s31 =	spop (v2sf)  }
0x58: {  	p4 =	seq.s32 s31, s29;
	s24 =	sshll.u32 s31, $0x8;
	v9 =	vmax.f32 v9, v10  }
0x59: {  	s23 =	sshra.s32 s24, $0x2;
	v8 =	vmax.f32 v8, v11;
	v9 =	vpsel p4, v9, v10  }
0x5a: {  	v7 =	vmax.f32 v7, v36;
	v8 =	vpsel p4, v8, v11;
	[tilespmem:s23+$0x10430] =	vst v9  }
0x5b: {  	v6 =	vmax.f32 v6, v37;
	v7 =	vpsel p4, v7, v36;
	[tilespmem:s23+$0x10440] =	vst v8  }
0x5c: {  	v6 =	vpsel p4, v6, v37;
	[tilespmem:s23+$0x10450] =	vst v7  }
0x5d: {  	[tilespmem:s23+$0x10460] =	vst v6  }
0x5e: {  	(v2sf) =	vpush v5, $0x3;
	v10 =	vld [tilespmem:s19+$0xFFFFFE80]  }
0x5f: {  	v11 =	vld [tilespmem:s19+$0xFFFFFE90]  }
0x60: {  	v38 =	vld [tilespmem:s19+$0xFFFFFEA0]  }
0x61: {  	v39 =	vld [tilespmem:s19+$0xFFFFFEB0]  }
0x62: {  	s25 =	spop (v2sf)  }
0x63: {  	p5 =	seq.s32 s25, s31;
	s26 =	sshll.u32 s25, $0x8;
	v9 =	vmax.f32 v9, v10  }
0x64: {  	v8 =	vmax.f32 v8, v11;
	s22 =	sshra.s32 s26, $0x2;
	v9 =	vpsel p5, v9, v10  }
0x65: {  	v7 =	vmax.f32 v7, v38;
	v8 =	vpsel p5, v8, v11;
	[tilespmem:s22+$0x10430] =	vst v9  }
0x66: {  	v6 =	vmax.f32 v6, v39;
	v7 =	vpsel p5, v7, v38;
	[tilespmem:s22+$0x10440] =	vst v8  }
0x67: {  	v6 =	vpsel p5, v6, v39;
	[tilespmem:s22+$0x10450] =	vst v7  }
0x68: {  	[tilespmem:s22+$0x10460] =	vst v6  }
0x69: {  	(v2sf) =	vpush v5, $0x4;
	v10 =	vld [tilespmem:s19+$0xFFFFFEC0]  }
0x6a: {  	v11 =	vld [tilespmem:s19+$0xFFFFFED0]  }
0x6b: {  	v40 =	vld [tilespmem:s19+$0xFFFFFEE0]  }
0x6c: {  	v41 =	vld [tilespmem:s19+$0xFFFFFEF0]  }
0x6d: {  	s28 =	spop (v2sf)  }
0x6e: {  	p6 =	seq.s32 s28, s25;
	s29 =	sshll.u32 s28, $0x8;
	v9 =	vmax.f32 v9, v10  }
0x6f: {  	s23 =	sshra.s32 s29, $0x2;
	v8 =	vmax.f32 v8, v11;
	v9 =	vpsel p6, v9, v10  }
0x70: {  	v7 =	vmax.f32 v7, v40;
	v8 =	vpsel p6, v8, v11;
	[tilespmem:s23+$0x10430] =	vst v9  }
0x71: {  	v6 =	vmax.f32 v6, v41;
	v7 =	vpsel p6, v7, v40;
	[tilespmem:s23+$0x10440] =	vst v8  }
0x72: {  	v6 =	vpsel p6, v6, v41;
	[tilespmem:s23+$0x10450] =	vst v7  }
0x73: {  	[tilespmem:s23+$0x10460] =	vst v6  }
0x74: {  	(v2sf) =	vpush v5, $0x5;
	v10 =	vld [tilespmem:s19+$0xFFFFFF00]  }
0x75: {  	v11 =	vld [tilespmem:s19+$0xFFFFFF10]  }
0x76: {  	v42 =	vld [tilespmem:s19+$0xFFFFFF20]  }
0x77: {  	v43 =	vld [tilespmem:s19+$0xFFFFFF30]  }
0x78: {  	s30 =	spop (v2sf)  }
0x79: {  	p1 =	seq.s32 s30, s28;
	s31 =	sshll.u32 s30, $0x8;
	v9 =	vmax.f32 v9, v10  }
0x7a: {  	s22 =	sshra.s32 s31, $0x2;
	v8 =	vmax.f32 v8, v11;
	v9 =	vpsel p1, v9, v10  }
0x7b: {  	v7 =	vmax.f32 v7, v42;
	v8 =	vpsel p1, v8, v11;
	[tilespmem:s22+$0x10430] =	vst v9  }
0x7c: {  	v6 =	vmax.f32 v6, v43;
	v7 =	vpsel p1, v7, v42;
	[tilespmem:s22+$0x10440] =	vst v8  }
0x7d: {  	v6 =	vpsel p1, v6, v43;
	[tilespmem:s22+$0x10450] =	vst v7  }
0x7e: {  	[tilespmem:s22+$0x10460] =	vst v6  }
0x7f: {  	(v2sf) =	vpush v5, $0x6;
	v10 =	vld [tilespmem:s19+$0xFFFFFF40]  }
0x80: {  	v11 =	vld [tilespmem:s19+$0xFFFFFF50]  }
0x81: {  	v44 =	vld [tilespmem:s19+$0xFFFFFF60]  }
0x82: {  	v45 =	vld [tilespmem:s19+$0xFFFFFF70]  }
0x83: {  	s24 =	spop (v2sf)  }
0x84: {  	p2 =	seq.s32 s24, s30;
	s25 =	sshll.u32 s24, $0x8;
	v9 =	vmax.f32 v9, v10  }
0x85: {  	s23 =	sshra.s32 s25, $0x2;
	v8 =	vmax.f32 v8, v11;
	v9 =	vpsel p2, v9, v10  }
0x86: {  	v7 =	vmax.f32 v7, v44;
	v8 =	vpsel p2, v8, v11;
	[tilespmem:s23+$0x10430] =	vst v9  }
0x87: {  	v6 =	vmax.f32 v6, v45;
	v7 =	vpsel p2, v7, v44;
	[tilespmem:s23+$0x10440] =	vst v8  }
0x88: {  	v6 =	vpsel p2, v6, v45;
	[tilespmem:s23+$0x10450] =	vst v7  }
0x89: {  	[tilespmem:s23+$0x10460] =	vst v6  }
0x8a: {  	(v2sf) =	vpush v5, $0x7;
	v10 =	vld [tilespmem:s19+$0xFFFFFF80]  }
0x8b: {  	v11 =	vld [tilespmem:s19+$0xFFFFFF90]  }
0x8c: {  	v46 =	vld [tilespmem:s19+$0xFFFFFFA0]  }
0x8d: {  	v47 =	vld [tilespmem:s19+$0xFFFFFFB0]  }
0x8e: {  	s26 =	spop (v2sf)  }
0x8f: {  	p3 =	seq.s32 s26, s24;
	s28 =	sshll.u32 s26, $0x8;
	v9 =	vmax.f32 v9, v10  }
0x90: {  	s22 =	sshra.s32 s28, $0x2;
	v8 =	vmax.f32 v8, v11;
	v9 =	vpsel p3, v9, v10  }
0x91: {  	v7 =	vmax.f32 v7, v46;
	v8 =	vpsel p3, v8, v11;
	[tilespmem:s22+$0x10430] =	vst v9  }
0x92: {  	v6 =	vmax.f32 v6, v47;
	v7 =	vpsel p3, v7, v46;
	[tilespmem:s22+$0x10440] =	vst v8  }
0x93: {  	v6 =	vpsel p3, v6, v47;
	[tilespmem:s22+$0x10450] =	vst v7  }
0x94: {  	[tilespmem:s22+$0x10460] =	vst v6  }
0x95: {  	(v2sf) =	vpush v5, $0x8;
	v10 =	vld [tilespmem:s19+$0xFFFFFFC0]  }
0x96: {  	v11 =	vld [tilespmem:s19+$0xFFFFFFD0]  }
0x97: {  	v48 =	vld [tilespmem:s19+$0xFFFFFFE0]  }
0x98: {  	v49 =	vld [tilespmem:s19+$0xFFFFFFF0]  }
0x99: {  	s29 =	spop (v2sf)  }
0x9a: {  	p4 =	seq.s32 s29, s26;
	s30 =	sshll.u32 s29, $0x8;
	v9 =	vmax.f32 v9, v10  }
0x9b: {  	s23 =	sshra.s32 s30, $0x2;
	v8 =	vmax.f32 v8, v11;
	v9 =	vpsel p4, v9, v10  }
0x9c: {  	v7 =	vmax.f32 v7, v48;
	v8 =	vpsel p4, v8, v11;
	[tilespmem:s23+$0x10430] =	vst v9  }
0x9d: {  	v6 =	vmax.f32 v6, v49;
	v7 =	vpsel p4, v7, v48;
	[tilespmem:s23+$0x10440] =	vst v8  }
0x9e: {  	v6 =	vpsel p4, v6, v49;
	[tilespmem:s23+$0x10450] =	vst v7  }
0x9f: {  	[tilespmem:s23+$0x10460] =	vst v6  }
0xa0: {  	(v2sf) =	vpush v5, $0x9;
	v10 =	vld [tilespmem:s19+$0x0]  }
0xa1: {  	v11 =	vld [tilespmem:s19+$0x10]  }
0xa2: {  	v50 =	vld [tilespmem:s19+$0x20]  }
0xa3: {  	v51 =	vld [tilespmem:s19+$0x30]  }
0xa4: {  	s31 =	spop (v2sf)  }
0xa5: {  	p5 =	seq.s32 s31, s29;
	s24 =	sshll.u32 s31, $0x8;
	v9 =	vmax.f32 v9, v10  }
0xa6: {  	s22 =	sshra.s32 s24, $0x2;
	v8 =	vmax.f32 v8, v11;
	v9 =	vpsel p5, v9, v10  }
0xa7: {  	v7 =	vmax.f32 v7, v50;
	v8 =	vpsel p5, v8, v11;
	[tilespmem:s22+$0x10430] =	vst v9  }
0xa8: {  	v6 =	vmax.f32 v6, v51;
	v7 =	vpsel p5, v7, v50;
	[tilespmem:s22+$0x10440] =	vst v8  }
0xa9: {  	v6 =	vpsel p5, v6, v51;
	[tilespmem:s22+$0x10450] =	vst v7  }
0xaa: {  	[tilespmem:s22+$0x10460] =	vst v6  }
0xab: {  	(v2sf) =	vpush v5, $0xA;
	v10 =	vld [tilespmem:s19+$0x40]  }
0xac: {  	v11 =	vld [tilespmem:s19+$0x50]  }
0xad: {  	v52 =	vld [tilespmem:s19+$0x60]  }
0xae: {  	v53 =	vld [tilespmem:s19+$0x70]  }
0xaf: {  	s25 =	spop (v2sf)  }
0xb0: {  	p6 =	seq.s32 s25, s31;
	s26 =	sshll.u32 s25, $0x8;
	v9 =	vmax.f32 v9, v10  }
0xb1: {  	s23 =	sshra.s32 s26, $0x2;
	v8 =	vmax.f32 v8, v11;
	v9 =	vpsel p6, v9, v10  }
0xb2: {  	v7 =	vmax.f32 v7, v52;
	v8 =	vpsel p6, v8, v11;
	[tilespmem:s23+$0x10430] =	vst v9  }
0xb3: {  	v6 =	vmax.f32 v6, v53;
	v7 =	vpsel p6, v7, v52;
	[tilespmem:s23+$0x10440] =	vst v8  }
0xb4: {  	v6 =	vpsel p6, v6, v53;
	[tilespmem:s23+$0x10450] =	vst v7  }
0xb5: {  	[tilespmem:s23+$0x10460] =	vst v6  }
0xb6: {  	(v2sf) =	vpush v5, $0xB;
	v10 =	vld [tilespmem:s19+$0x80]  }
0xb7: {  	v11 =	vld [tilespmem:s19+$0x90]  }
0xb8: {  	v54 =	vld [tilespmem:s19+$0xA0]  }
0xb9: {  	v55 =	vld [tilespmem:s19+$0xB0]  }
0xba: {  	s28 =	spop (v2sf)  }
0xbb: {  	p1 =	seq.s32 s28, s25;
	s29 =	sshll.u32 s28, $0x8;
	v9 =	vmax.f32 v9, v10  }
0xbc: {  	s22 =	sshra.s32 s29, $0x2;
	v8 =	vmax.f32 v8, v11;
	v9 =	vpsel p1, v9, v10  }
0xbd: {  	v7 =	vmax.f32 v7, v54;
	v8 =	vpsel p1, v8, v11;
	[tilespmem:s22+$0x10430] =	vst v9  }
0xbe: {  	v6 =	vmax.f32 v6, v55;
	v7 =	vpsel p1, v7, v54;
	[tilespmem:s22+$0x10440] =	vst v8  }
0xbf: {  	v6 =	vpsel p1, v6, v55;
	[tilespmem:s22+$0x10450] =	vst v7  }
0xc0: {  	[tilespmem:s22+$0x10460] =	vst v6  }
0xc1: {  	(v2sf) =	vpush v5, $0xC;
	v10 =	vld [tilespmem:s19+$0xC0]  }
0xc2: {  	v11 =	vld [tilespmem:s19+$0xD0]  }
0xc3: {  	v56 =	vld [tilespmem:s19+$0xE0]  }
0xc4: {  	v57 =	vld [tilespmem:s19+$0xF0]  }
0xc5: {  	s30 =	spop (v2sf)  }
0xc6: {  	p2 =	seq.s32 s30, s28;
	s31 =	sshll.u32 s30, $0x8;
	v9 =	vmax.f32 v9, v10  }
0xc7: {  	s23 =	sshra.s32 s31, $0x2;
	v8 =	vmax.f32 v8, v11;
	v9 =	vpsel p2, v9, v10  }
0xc8: {  	v7 =	vmax.f32 v7, v56;
	v8 =	vpsel p2, v8, v11;
	[tilespmem:s23+$0x10430] =	vst v9  }
0xc9: {  	v6 =	vmax.f32 v6, v57;
	v7 =	vpsel p2, v7, v56;
	[tilespmem:s23+$0x10440] =	vst v8  }
0xca: {  	v6 =	vpsel p2, v6, v57;
	[tilespmem:s23+$0x10450] =	vst v7  }
0xcb: {  	[tilespmem:s23+$0x10460] =	vst v6  }
0xcc: {  	(v2sf) =	vpush v5, $0xD;
	v10 =	vld [tilespmem:s19+$0x100]  }
0xcd: {  	v11 =	vld [tilespmem:s19+$0x110]  }
0xce: {  	v58 =	vld [tilespmem:s19+$0x120]  }
0xcf: {  	v59 =	vld [tilespmem:s19+$0x130]  }
0xd0: {  	s24 =	spop (v2sf)  }
0xd1: {  	p3 =	seq.s32 s24, s30;
	s25 =	sshll.u32 s24, $0x8;
	v9 =	vmax.f32 v9, v10  }
0xd2: {  	s22 =	sshra.s32 s25, $0x2;
	v8 =	vmax.f32 v8, v11;
	v9 =	vpsel p3, v9, v10  }
0xd3: {  	v7 =	vmax.f32 v7, v58;
	v8 =	vpsel p3, v8, v11;
	[tilespmem:s22+$0x10430] =	vst v9  }
0xd4: {  	v6 =	vmax.f32 v6, v59;
	v7 =	vpsel p3, v7, v58;
	[tilespmem:s22+$0x10440] =	vst v8  }
0xd5: {  	v6 =	vpsel p3, v6, v59;
	[tilespmem:s22+$0x10450] =	vst v7  }
0xd6: {  	[tilespmem:s22+$0x10460] =	vst v6  }
0xd7: {  	(v2sf) =	vpush v5, $0xE;
	v10 =	vld [tilespmem:s19+$0x140]  }
0xd8: {  	v11 =	vld [tilespmem:s19+$0x150]  }
0xd9: {  	v60 =	vld [tilespmem:s19+$0x160]  }
0xda: {  	v61 =	vld [tilespmem:s19+$0x170]  }
0xdb: {  	s26 =	spop (v2sf)  }
0xdc: {  	p4 =	seq.s32 s26, s24;
	s28 =	sshll.u32 s26, $0x8;
	v9 =	vmax.f32 v9, v10  }
0xdd: {  	s23 =	sshra.s32 s28, $0x2;
	v8 =	vmax.f32 v8, v11;
	v9 =	vpsel p4, v9, v10  }
0xde: {  	v7 =	vmax.f32 v7, v60;
	v8 =	vpsel p4, v8, v11;
	[tilespmem:s23+$0x10430] =	vst v9  }
0xdf: {  	v6 =	vmax.f32 v6, v61;
	v7 =	vpsel p4, v7, v60;
	[tilespmem:s23+$0x10440] =	vst v8  }
0xe0: {  	v6 =	vpsel p4, v6, v61;
	[tilespmem:s23+$0x10450] =	vst v7  }
0xe1: {  	[tilespmem:s23+$0x10460] =	vst v6  }
0xe2: {  	(v2sf) =	vpush v5, $0xF;
	v10 =	vld [tilespmem:s19+$0x180]  }
0xe3: {  	v5 =	vld [tilespmem:s19+$0x190]  }
0xe4: {  	v11 =	vld [tilespmem:s19+$0x1A0]  }
0xe5: {  	v62 =	vld [tilespmem:s19+$0x1B0]  }
0xe6: {  	s29 =	spop (v2sf)  }
0xe7: {  	p5 =	seq.s32 s29, s26;
	s30 =	sshll.u32 s29, $0x8;
	v9 =	vmax.f32 v9, v10  }
0xe8: {  	s22 =	sshra.s32 s30, $0x2;
	v8 =	vmax.f32 v8, v5;
	v9 =	vpsel p5, v9, v10  }
0xe9: {  	v7 =	vmax.f32 v7, v11;
	v5 =	vpsel p5, v8, v5;
	[tilespmem:s22+$0x10430] =	vst v9  }
0xea: {  	v6 =	vmax.f32 v6, v62;
	v7 =	vpsel p5, v7, v11;
	[tilespmem:s22+$0x10440] =	vst v5  }
0xeb: {  	v6 =	vpsel p5, v6, v62;
	[tilespmem:s22+$0x10450] =	vst v7  }
0xec: {  	[tilespmem:s22+$0x10460] =	vst v6  }
0xed: {  	v8 =	vld [tilespmem:s19+$0x1C0]  }
0xee: {  	v10 =	vld [tilespmem:s19+$0x1D0]  }
0xef: {  	v11 =	vld [tilespmem:s19+$0x1E0]  }
0xf0: {  	v63 =	vld [tilespmem:s19+$0x1F0]  }
0xf1: {  	s22 =	spop (v2sf)  }
0xf2: {  	p0 =	sne.s32 s21, $0xFC0;
	p6 =	seq.s32 s22, s29;
	s31 =	sshll.u32 s22, $0x8;
	v9 =	vmax.f32 v9, v8  }
.Ltmp4:
0xf3: {  	s23 =	sshra.s32 s31, $0x2;
	v5 =	vmax.f32 v5, v10;
	v9 =	vpsel p6, v9, v8;
	(pc) =	sbr.rel @p0 .LBB2_6-.Ltmp4, $4  }
0xf4: {  	v8 =	vpsel p6, v5, v10;
	v5 =	vmax.f32 v7, v11;
	[tilespmem:s23+$0x10430] =	vst v9  }
0xf5: {  	v7 =	vpsel p6, v5, v11;
	v5 =	vmax.f32 v6, v63;
	[tilespmem:s23+$0x10440] =	vst v8  }
0xf6: {  	v6 =	vpsel p6, v5, v63;
	[tilespmem:s23+$0x10450] =	vst v7  }
0xf7: {  	s20 =	sadd.s32 $0x10, s20;
	s21 =	sadd.s32 $0x40, s21;
	s19 =	sadd.s32 $0x400, s19;
	[tilespmem:s23+$0x10460] =	vst v6  }
0xf8: {  	s18 =	sadd.s32 $0x1, s18  }
0xf9: {  	p0 =	sne.s32 s18, s15  }
.Ltmp5:
0xfa: {  	_ = 	snop;
	(pc) =	sbr.rel @p0 .LBB2_5-.Ltmp5, $4  }
.Ltmp6:
0xfb: {  	_ = 	snop;
	(pc) =	sbr.rel @!p0 .LBB2_8-.Ltmp6, $4  }
0xfc: {  	_ = 	snop  }
0xfd: {  	_ = 	snop  }
0xfe: {  	s17 =	sadd.s32 $0x400, s17  }
0xff: {  	_ = 	snop  }
.LBB2_9:
0x100: {  	_ =	sfence.sel $0x180000  }
0x101: {  	[bflag:$0x0] =	sbarrier.arrive $0xFFFF  }
0x102: {  	p0 =	sne.s32 s1, $0x0;
	_ =	strace $0x9000004A  }
0x103: {  	s0 =	sadd.s32 @!p0 $0x100000, s0;
	[bflag:$0x2] =	sbarrier.arrive $0xFFFF  }
0x104: {  	[sflag:s0] =	ssyncadd.tile.s32 @!p0 $0x1;
	_ =	shalt  }
.Lfunc_end2:
_tile_overlayer_lowered:
.L_overlay_start_2:
0x105: {  	(tag) =	ssettag $0x2  }
0x106: {  	s0 =	rddreg [dreg:$0x0];
	s2 =	stileid.u32  }
0x107: {  	s1 =	rddreg [dreg:$0x1];
	p0 =	sne.s32 s2, $0x0  }
0x108: {  	s3 =	rddreg [dreg:$0x2];
	[bflag:$0x3] =	sbarrier.arrive $0xFFFF;
	s2 =	simm.s32 @!p0 $0x1C01  }
0x109: {  	[timem:s3], [sflag:s2] =	dma.local @!p0 [hbm:s0], s1  }
0x10a: {  	s0 =	simm.s32 @!p0 $0x1  }
0x10b: {  	_ =	swait.ge @!p0 [sflag:s0], s1  }
0x10c: {  	s1 =	ssub.s32 @!p0 $0x0, s1;
	[sflag:s0] =	ssyncset.done @!p0 $0x0  }
0x10d: {  	[sflag:s0] =	ssyncadd.s32 @!p0 s1  }
0x10e: {  	[bflag:$0x3] =	sbarrier.arrive $0xFFFF  }
0x10f: {  	_ =	shalt  }

// kernel: kernel.7.cloned.1.call-start
scs
__scs_entry_jumppad:
0x0: {  	(pc) =	sbr.rel $0x88, $3  }
0x1: {  	(tag) =	ssettag $0x0;
	lr =	simm.s32 $0x1  }
0x2: {  	[smem:$0x3F91] =	sst lr;
	_ =	strace $0xD0000000  }
0x3: {  	_ = 	snop  }
0x4: {  	_ = 	snop  }
0x5: {  	_ = 	snop  }
0x6: {  	_ = 	snop  }
0x7: {  	_ = 	snop  }
__scs_overlays_trampoline_lowered:
0x8: {  	[smem:$0x3FA0] =	sst s0  }
0x9: {  	[smem:$0x3FA1] =	sst s1  }
0xa: {  	[smem:$0x3FA2] =	sst s2  }
0xb: {  	[smem:$0x3FA3] =	sst s3  }
0xc: {  	[smem:$0x3FA4] =	sst s4  }
0xd: {  	[smem:$0x3FA5] =	sst s5  }
0xe: {  	[smem:$0x3FA6] =	sst s6  }
0xf: {  	[smem:$0x3FA7] =	sst s7  }
0x10: {  	[smem:$0x3FA8] =	sst s8  }
0x11: {  	[smem:$0x3FA9] =	sst s9;
	s0 =	simm.s32 @!p0 $0x0  }
0x12: {  	s1 =	sld [smem:$0x3F8F];
	s0 =	simm.s32 @p0 $0x1  }
0x13: {  	[smem:$0x3FAA] =	sst s0;
	s0 =	simm.s32 @!p1 $0x0  }
0x14: {  	s2 =	sld [smem:$0x3F8E];
	s0 =	simm.s32 @p1 $0x1  }
0x15: {  	[smem:$0x3FAB] =	sst s0;
	s0 =	simm.s32 @!p2 $0x0  }
0x16: {  	s3 =	sld [smem:$0x3FDB];
	s0 =	simm.s32 @p2 $0x1  }
0x17: {  	s4 =	simm.s32 $0x1BF5;
	[smem:$0x3FAD] =	sst s0  }
0x18: {  	s0 =	sld [smem:$0x3F90];
	_ =	swait.ge [sflag:s4], $0x0  }
0x19: {  	s7 =	sld [smem:$0x3F91]  }
0x1a: {  	s8 =	sadd.s32 $0xFFFFE003, lr  }
0x1b: {  	s9 =	sadd.s32 $0xFFFFFEF7, lr;
	s5 =	simm.s32 $0xFFFFFFFF;
	p2 =	slt.u32 s8, $0xFFFFF086  }
0x1c: {  	p1 =	slt.u32 s9, $0xF7A;
	s5 =	simm.s32 @!p2 $0x0  }
0x1d: {  	s5 =	simm.s32 @p1 $0x1;
	p0 =	seq.s32 s7, s2  }
0x1e: {  	s7 =	smul.u32 @!p0 $0xF7A, s2;
	p2 =	seq.s32 @!p0 s5, $0x0  }
0x1f: {  	s9 =	smul.u32 $0xF7A, s1;
	s8 =	simm.s32 @!p0 $0x1BF5;
	p2 =	por !p2, p0  }
0x20: {  	[sflag:s8] =	ssyncset.s32 @!p0 $0xFFFFF086;
	s6 =	sadd.s32 @!p0 s3, s7;
	s7 =	simm.s32 @!p0 $0x108  }
0x21: {  	s3 =	sadd.s32 s3, s9;
	s6 =	sadd.s32 @!p0 $0x88, s6;
	s7 =	simm.s32 @p2 $0x1082  }
0x22: {  	[simem:s7], [sflag:s8] =	dma.local @!p0 [hbm:s6], $0xF7A  }
0x23: {  	s9 =	sor.u32 $0xD0000000, s2;
	s6 =	simm.s32 $0x108;
	_ =	swait.ge @!p0 [sflag:s8], $0x0  }
0x24: {  	s3 =	sadd.s32 $0x88, s3;
	s6 =	simm.s32 @!p1 $0x1082;
	[sflag:s4] =	ssyncset.s32 $0xFFFFF086  }
0x25: {  	[simem:s6], [sflag:s4] =	dma.local [hbm:s3], $0xF7A  }
0x26: {  	[smem:$0x3F91] =	sst s1;
	(tag) =	ssettag s2;
	_ =	strace s9  }
0x27: {  	s1 =	sld [smem:$0x3FA1]  }
0x28: {  	s2 =	sld [smem:$0x3FA2]  }
0x29: {  	s4 =	sld [smem:$0x3FA4]  }
0x2a: {  	p0 =	seq.s32 s5, $0x0;
	s5 =	sld [smem:$0x3FA5]  }
0x2b: {  	s6 =	sld [smem:$0x3FA6]  }
0x2c: {  	s7 =	sld [smem:$0x3FA7]  }
0x2d: {  	s3 =	simm.s32 $0x108;
	s8 =	sld [smem:$0x3FA8]  }
0x2e: {  	s3 =	simm.s32 @!p0 $0x1082;
	s9 =	sld [smem:$0x3FA9]  }
0x2f: {  	lr =	sadd.s32 s0, s3;
	s0 =	sld [smem:$0x3FA0]  }
0x30: {  	s3 =	sld [smem:$0x3FA3]  }
0x31: {  	[smem:$0x3FAC] =	sst s10  }
0x32: {  	s10 =	sld [smem:$0x3FAA];
	_ =	sdelay $0x3  }
0x33: {  	p0 =	seq.s32 s10, $0x1;
	s10 =	sld [smem:$0x3FAC];
	_ =	sdelay $0x3  }
0x34: {  	[smem:$0x3FAC] =	sst s10  }
0x35: {  	s10 =	sld [smem:$0x3FAB];
	_ =	sdelay $0x3  }
0x36: {  	p1 =	seq.s32 s10, $0x1;
	s10 =	sld [smem:$0x3FAC];
	_ =	sdelay $0x3  }
0x37: {  	[smem:$0x3FAC] =	sst s10  }
0x38: {  	s10 =	sld [smem:$0x3FAD]  }
0x39: {  	_ = 	snop;
	(pc) =	sbr.ind lr, $3  }
0x3a: {  	_ = 	snop  }
0x3b: {  	_ = 	snop  }
0x3c: {  	p2 =	seq.s32 s10, $0x1;
	s10 =	sld [smem:$0x3FAC]  }
0x3d: {  	_ =	shalt  }
0x3e: {  	_ =	shalt  }
0x3f: {  	_ =	shalt  }
0x40: {  	_ =	shalt  }
0x41: {  	_ =	shalt  }
0x42: {  	_ =	shalt  }
0x43: {  	_ =	shalt  }
0x44: {  	_ =	shalt  }
0x45: {  	_ =	shalt  }
0x46: {  	_ =	shalt  }
0x47: {  	_ =	shalt  }
0x48: {  	_ =	shalt  }
0x49: {  	_ =	shalt  }
0x4a: {  	_ =	shalt  }
0x4b: {  	_ =	shalt  }
0x4c: {  	_ =	shalt  }
0x4d: {  	_ =	shalt  }
0x4e: {  	_ =	shalt  }
0x4f: {  	_ =	shalt  }
0x50: {  	_ =	shalt  }
0x51: {  	_ =	shalt  }
0x52: {  	_ =	shalt  }
0x53: {  	_ =	shalt  }
0x54: {  	_ =	shalt  }
0x55: {  	_ =	shalt  }
0x56: {  	_ =	shalt  }
0x57: {  	_ =	shalt  }
0x58: {  	_ =	shalt  }
0x59: {  	_ =	shalt  }
0x5a: {  	_ =	shalt  }
0x5b: {  	_ =	shalt  }
0x5c: {  	_ =	shalt  }
0x5d: {  	_ =	shalt  }
0x5e: {  	_ =	shalt  }
0x5f: {  	_ =	shalt  }
0x60: {  	_ =	shalt  }
0x61: {  	_ =	shalt  }
0x62: {  	_ =	shalt  }
0x63: {  	_ =	shalt  }
0x64: {  	_ =	shalt  }
0x65: {  	_ =	shalt  }
0x66: {  	_ =	shalt  }
0x67: {  	_ =	shalt  }
0x68: {  	_ =	shalt  }
0x69: {  	_ =	shalt  }
0x6a: {  	_ =	shalt  }
0x6b: {  	_ =	shalt  }
0x6c: {  	_ =	shalt  }
0x6d: {  	_ =	shalt  }
0x6e: {  	_ =	shalt  }
0x6f: {  	_ =	shalt  }
0x70: {  	_ =	shalt  }
0x71: {  	_ =	shalt  }
0x72: {  	_ =	shalt  }
0x73: {  	_ =	shalt  }
0x74: {  	_ =	shalt  }
0x75: {  	_ =	shalt  }
0x76: {  	_ =	shalt  }
0x77: {  	_ =	shalt  }
0x78: {  	_ =	shalt  }
0x79: {  	_ =	shalt  }
0x7a: {  	_ =	shalt  }
0x7b: {  	_ =	shalt  }
0x7c: {  	_ =	shalt  }
0x7d: {  	_ =	shalt  }
0x7e: {  	_ =	shalt  }
0x7f: {  	_ =	shalt  }
0x80: {  	_ =	shalt  }
0x81: {  	_ =	shalt  }
0x82: {  	_ =	shalt  }
0x83: {  	_ =	shalt  }
0x84: {  	_ =	shalt  }
0x85: {  	_ =	shalt  }
0x86: {  	_ =	shalt  }
0x87: {  	_ =	shalt  }
.Lfunc_end0:
.L_simem_size_0:
called_computation_lowered:
.L_overlay_start_0:
0x88: {  	s2 =	sld [smem:$0x3FD9]  }
0x89: {  	s3 =	sld [smem:$0x3FFE];
	_ =	sdelay $0x1  }
0x8a: {  	s1 =	srdreg.scid  }
0x8b: {  	s0 =	sand.u32 $0x1, s1  }
0x8c: {  	s17 =	sshll.u32 s0, $0xA;
	s2 =	sadd.s32 s3, s2  }
0x8d: {  	s2 =	sadd.s32 s2, s17  }
0x8e: {  	[smem:$0x3FB8] =	sst s2  }
0x8f: {  	_ = 	snop  }
0x90: {  	s2 =	sld [smem:$0x3FC8]  }
0x91: {  	s18 =	sld [smem:$0x3FC7]  }
0x92: {  	s4 =	sld [smem:$0x3FD0];
	(tm) =	ssettm $0x1  }
0x93: {  	s5 =	sld [smem:$0x3FFB];
	_ =	sdelay $0x3  }
0x94: {  	_ =	strace s5  }
0x95: {  	s5 =	sld [smem:$0x3FFC];
	_ =	sdelay $0x3  }
0x96: {  	_ =	strace s5  }
0x97: {  	s5 =	sld [smem:$0x3FFD];
	_ =	sdelay $0x3  }
0x98: {  	_ =	strace s5  }
0x99: {  	_ =	strace $0x8FFFFFFF  }
0x9a: {  	s19 =	sld [smem:$0x3FDB];
	_ =	sdelay $0x1  }
0x9b: {  	s6 =	simm.s32 $_scs_section_size  }
0x9c: {  	s7 =	simm.s32 $_size__tile_overlayer_lowered;
	s8 =	simm.s32 $_tile_overlayer_lowered  }
0x9d: {  	s22 =	simm.s32 $0x1BFF;
	s21 =	sshll.u32 s8, $0x1;
	s5 =	sadd.s32 s6, s19  }
0x9e: {  	s9 =	simm.s32 $0x0;
	s20 =	sshll.u32 s7, $0x1;
	s7 =	sadd.s32 s21, s5  }
0x9f: {  	[timem:s9], [sflag:s22] =	dma.local [hbm:s7], s20  }
0xa0: {  	_ =	swait.ge [sflag:s22], s20  }
0xa1: {  	s6 =	ssub.s32 $0x0, s20;
	[sflag:s22] =	ssyncset.done $0x0  }
0xa2: {  	[sflag:s22] =	ssyncadd.s32 s6;
	_ =	sdelay $0x1  }
0xa3: {  	s23 =	simm.s32 $0x1B8B  }
0xa4: {  	_ =	swait.ge [sflag:s23], $0x1  }
0xa5: {  	[sflag:s23] =	ssyncset.done $0x0  }
0xa6: {  	s25 =	simm.s32 $0x1B8E;
	s24 =	sld [smem:$0x3FFE];
	[sflag:s23] =	ssyncadd.s32 $0xFFFFFFFF  }
0xa7: {  	s26 =	simm.s32 $execute0_lowered;
	[smem:$0x3FD2] =	sst s25  }
0xa8: {  	s7 =	sshll.u32 s26, $0x1;
	_ =	strace $0x80000046;
	[dreg:$0x1] =	wrdreg $0xFFFFFFFF  }
0xa9: {  	s28 =	simm.s32 $_size_execute0_lowered;
	s5 =	sadd.s32 s5, s7;
	[dreg:$0x0] =	wrdreg $0x0  }
0xaa: {  	s7 =	sshll.u32 s28, $0x1;
	[dreg:$0x2] =	wrdreg s5  }
0xab: {  	[dreg:$0x3] =	wrdreg s7  }
0xac: {  	[dreg:$0x4] =	wrdreg $0xC0  }
0xad: {  	_ =	task [dreg:s9], $0x5FFFF  }
0xae: {  	[dreg:$0x1] =	wrdreg $0xFFFFFFFF  }
0xaf: {  	[dreg:$0x0] =	wrdreg $0x60  }
0xb0: {  	[dreg:$0x2] =	wrdreg s4  }
0xb1: {  	[dreg:$0x3] =	wrdreg s2  }
0xb2: {  	[dreg:$0x4] =	wrdreg s18  }
0xb3: {  	[dreg:$0x5] =	wrdreg s24  }
0xb4: {  	[dreg:$0x6] =	wrdreg $0x9  }
0xb5: {  	_ =	task.clear_ibuf [dreg:s9], $0x7FFFF;
	_ =	strace $0x90000046  }
0xb6: {  	s29 =	simm.s32 $0x9;
	_ =	strace $0x80000048  }
0xb7: {  	_ =	swait.ge [sflag:s29], $0x1  }
0xb8: {  	[sflag:s29] =	ssyncadd.s32 $0xFFFFFFFF  }
0xb9: {  	_ =	strace $0x90000048  }
0xba: {  	_ =	sfence  }
0xbb: {  	s30 =	sld [smem:$0x0];
	_ =	sdelay $0x2  }
0xbc: {  	s31 =	sshll.u32 s1, $0xD;
	s1 =	sshrl.u32 s1, $0x2  }
0xbd: {  	s3 =	sand.u32 $0x4000, s31;
	s1 =	sadd.s32 s1, s30  }
0xbe: {  	s0 =	sor.u32 s3, s0;
	s1 =	sshll.u32 s1, $0x11  }
0xbf: {  	s0 =	sor.u32 s1, s0  }
0xc0: {  	s0 =	sadd.s32 $0x8F2B, s0  }
0xc1: {  	[sflag:s0] =	ssyncadd.remote.s32 $0x1  }
0xc2: {  	_ =	sfence.sel $0xFFFF  }
0xc3: {  	[dreg:$0x0] =	wrdreg $0xFFFFFFFF;
	(pc) =	sbr.abs _section_cstart, $3  }
0xc4: {  	[dreg:$0x1] =	wrdreg $0xFFFFFFFF  }
0xc5: {  	_ =	task.clear_ibuf [dreg:s9], $0x2FFFF;
	_ =	strace $0x9FFFFFFF  }
0xc6: {  	(tm) =	ssettm $0x7FFFFFFF  }
0xc7: {  	_ =	shalt  }
tec
execute0_lowered:
.L_overlay_start_1:
0x0: {  	(tag) =	ssettag $0x1  }
0x1: {  	s1 =	rddreg [dreg:$0x0]  }
0x2: {  	s2 =	rddreg [dreg:$0x1]  }
0x3: {  	s3 =	rddreg [dreg:$0x2]  }
0x4: {  	s7 =	rddreg [dreg:$0x3]  }
0x5: {  	s0 =	rddreg [dreg:$0x4];
	s5 =	simm.s32 $0x0;
	s6 =	srdreg.scid  }
0x6: {  	s4 =	stileid.u32;
	s12 =	simm.s32 $0xFA0;
	s13 =	simm.s32 $0x1  }
0x7: {  	s14 =	simm.s32 $0x0;
	[smem:$0x7FF] =	sst s5;
	s8 =	sand.u32 $0x1, s6  }
0x8: {  	s10 =	sshll.u32 s4, $0x1;
	s6 =	sadd.s32 $0x13BA00, s7;
	s9 =	ssub.s32 $0x2, s8  }
0x9: {  	s7 =	sadd.s32 $0x3200, s7;
	_ =	strace $0x80000047;
	s11 =	sshrl.u32 s9, $0x1  }
0xa: {  	s8 =	sor.u32 s8, s10;
	s10 =	simm.s32 $0x2;
	s9 =	ssub.s32 s9, s11  }
0xb: {  	s8 =	smul.u32 $0x2710, s8;
	s11 =	simm.s32 $0x7D0;
	s9 =	smax.u32 s9, $0x1  }
.LBB2_1:
0xc: {  	s15 =	simm.s32 $0x0  }
.LBB2_2:
0xd: {  	s16 =	smul.u32 $0x7D0, s15;
	_ =	sdelay $0x1  }
0xe: {  	s16 =	sadd.s32 s8, s16  }
0xf: {  	s17 =	sshrl.u32 s16, $0x3  }
0x10: {  	s19 =	simm.s32 $0x0;
	s18 =	sadd.s32 s2, s17  }
0x11: {  	[tilespmem:s19], [sflag:$0x2] =	stream.linear.gather [hbm4b:s18+s19], $0x7D0, $0x38;
	[tilespmem:$0x109A0] =	vst v63  }
0x12: {  	_ =	swait.ge [sflag:s10], $0x7D0  }
0x13: {  	[sflag:s10] =	ssyncset.done $0x0  }
0x14: {  	s17 =	sadd.s32 s3, s17;
	[sflag:s10] =	ssyncadd.s32 $0xFFFFF830  }
0x15: {  	[tilespmem:s11], [sflag:$0x2] =	stream.linear.gather [hbm4b:s17+s19], $0x7D0, $0x38;
	[tilespmem:$0x109A0] =	vst v63  }
0x16: {  	_ =	swait.ge [sflag:s10], $0x7D0  }
0x17: {  	[sflag:s10] =	ssyncset.done $0x0  }
0x18: {  	s17 =	simm.s32 $0x0;
	[sflag:s10] =	ssyncadd.s32 $0xFFFFF830  }
0x19: {  	s18 =	simm.s32 $0x40;
	v0 =	vld [tilespmem:s17+$0x0]  }
.LBB2_3:
0x1a: {  	p0 =	sne.s32 s18, $0x1F00;
	v1 =	vld [tilespmem:s17+$0x7D0];
	_ =	sdelay $0x2  }
.Ltmp0:
0x1b: {  	(pc) =	sbr.rel @p0 .LBB2_3-.Ltmp0, $4  }
0x1c: {  	_ = 	snop  }
0x1d: {  	vm0 =	veq.s32 v0, v1  }
0x1e: {  	s19 =	sshra.s32 s18, $0x2;
	v1 =	vsel vm0, $0x2710, v1  }
0x1f: {  	s18 =	sadd.s32 $0x40, s18;
	v0 =	vld [tilespmem:s19+$0x0];
	[tilespmem:s17+$0x7D0] =	vst v1;
	s17 =	smov.u32 s19  }
0x20: {  	v1 =	vld [tilespmem:s17+$0x7D0];
	_ =	sdelay $0x4  }
0x21: {  	vm0 =	veq.s32 v0, v1  }
0x22: {  	v0 =	vsel vm0, $0x2710, v1  }
0x23: {  	[tilespmem:s17+$0x7D0] =	vst v0  }
0x24: {  	[tilespmem:s12], [sflag:$0x1] =	stream.indirect.gather [hbm4b:s1+s11], $0x20, s5, s11, $0xb8;
	[tilespmem:$0x109A0] =	vst v63  }
0x25: {  	_ =	swait.ge [sflag:s13], $0xFA00  }
0x26: {  	s16 =	sshll.u32 s16, $0x2;
	[sflag:s13] =	ssyncset.done $0x0  }
0x27: {  	s31 =	sadd.s32 s6, s16;
	[sflag:s13] =	ssyncadd.s32 $0xFFFF0600  }
0x28: {  	[hbm4b:s31+s5] =	stream.linear.scatter [tilespmem:s12], [sflag:$0x2], $0xFA00, $0x38;
	[tilespmem:$0x109A0] =	vst v63  }
0x29: {  	_ =	swait.ge [sflag:s10], $0xFA00  }
0x2a: {  	[sflag:s10] =	ssyncset.done $0x0  }
0x2b: {  	[sflag:s10] =	ssyncadd.s32 $0xFFFF0600  }
0x2c: {  	[tilespmem:s12], [sflag:$0x1] =	stream.indirect.gather [hbm4b:s1+s11], $0x20, s11, s11, $0xb8;
	[tilespmem:$0x109A0] =	vst v63  }
0x2d: {  	s15 =	sadd.s32 $0x1, s15;
	_ =	swait.ge [sflag:s13], $0xFA00  }
0x2e: {  	p0 =	sne.s32 s15, $0x5;
	[sflag:s13] =	ssyncset.done $0x0  }
.Ltmp1:
0x2f: {  	s16 =	sadd.s32 s7, s16;
	[sflag:s13] =	ssyncadd.s32 $0xFFFF0600;
	(pc) =	sbr.rel @p0 .LBB2_2-.Ltmp1, $4  }
0x30: {  	[hbm4b:s16+s5] =	stream.linear.scatter [tilespmem:s12], [sflag:$0x2], $0xFA00, $0x38;
	[tilespmem:$0x109A0] =	vst v63  }
0x31: {  	_ =	swait.ge [sflag:s10], $0xFA00  }
0x32: {  	[sflag:s10] =	ssyncset.done $0x0  }
0x33: {  	[sflag:s10] =	ssyncadd.s32 $0xFFFF0600  }
0x34: {  	s14 =	sadd.s32 $0x1, s14  }
0x35: {  	p0 =	sne.s32 s14, s9  }
.Ltmp2:
0x36: {  	_ = 	snop;
	(pc) =	sbr.rel @p0 .LBB2_1-.Ltmp2, $1  }
0x37: {  	_ =	sdelay $0x3  }
0x38: {  	_ =	sfence.sel $0x180000  }
0x39: {  	[bflag:$0x0] =	sbarrier.arrive $0xFFFF  }
0x3a: {  	p0 =	sne.s32 s4, $0x0;
	_ =	strace $0x90000047  }
0x3b: {  	s0 =	sadd.s32 @!p0 $0x100000, s0;
	[bflag:$0x2] =	sbarrier.arrive $0xFFFF  }
0x3c: {  	[sflag:s0] =	ssyncadd.tile.s32 @!p0 $0x1;
	_ =	shalt  }
.Lfunc_end2:
_tile_overlayer_lowered:
.L_overlay_start_2:
0x3d: {  	(tag) =	ssettag $0x2  }
0x3e: {  	s0 =	rddreg [dreg:$0x0];
	s2 =	stileid.u32  }
0x3f: {  	s1 =	rddreg [dreg:$0x1];
	p0 =	sne.s32 s2, $0x0  }
0x40: {  	s3 =	rddreg [dreg:$0x2];
	[bflag:$0x3] =	sbarrier.arrive $0xFFFF;
	s2 =	simm.s32 @!p0 $0x1C02  }
0x41: {  	[timem:s3], [sflag:s2] =	dma.local @!p0 [hbm:s0], s1  }
0x42: {  	s0 =	simm.s32 @!p0 $0x2  }
0x43: {  	_ =	swait.ge @!p0 [sflag:s0], s1  }
0x44: {  	s1 =	ssub.s32 @!p0 $0x0, s1;
	[sflag:s0] =	ssyncset.done @!p0 $0x0  }
0x45: {  	[sflag:s0] =	ssyncadd.s32 @!p0 s1  }
0x46: {  	[bflag:$0x3] =	sbarrier.arrive $0xFFFF  }
0x47: {  	_ =	shalt  }

</sc_bundles>
